<compile_context>
chip_gen: v7x
topology: tpu7x:2x2x1
jax: 0.10.2.dev20260603
libtpu: 0.0.44.dev20260713+nightly
codegen_flags: <defaults>
</compile_context>

<pallas_src>
import functools

import jax
import jax.numpy as jnp
from jax import lax
from jax.experimental import pallas as pl
from jax.experimental.pallas import tpu as pltpu
from jax.experimental.pallas import tpu_sc as plsc

NC = 2
NS = 16
NW = NC * NS
K = 80
L = 16
NBUF = 5


def _seg_sum_rows(n_pad, d, e):
    epw = e // NW
    nchunk = epw // K
    nrounds = nchunk // NBUF
    stripe = n_pad // NS

    mesh = plsc.VectorSubcoreMesh(
        core_axis_name="c", subcore_axis_name="s", num_cores=NC, num_subcores=NS)

    @functools.partial(
        pl.kernel,
        mesh=mesh,
        out_type=jax.ShapeDtypeStruct((NC, n_pad, d), jnp.float32),
        scratch_types=[
            pltpu.VMEM((nchunk, K), jnp.int32),
            pltpu.VMEM((nchunk, K), jnp.int32),
            [pltpu.VMEM((K, d), jnp.float32)] * NBUF,
            pltpu.VMEM_SHARED((n_pad, d), jnp.float32),
            pltpu.SemaphoreType.DMA,
        ],
    )
    def seg_kernel(h_hbm, src_hbm, dst_hbm, out_hbm, srcv, dstv, rows_bufs, acc_sh,
                   sem):
        c = lax.axis_index("c")
        s = lax.axis_index("s")
        wid = c * NS + s
        sbase = s * stripe

        idx_src = pltpu.async_copy(src_hbm.at[wid], srcv, sem)
        idx_dst = pltpu.async_copy(dst_hbm.at[wid], dstv, sem)

        zero = jnp.zeros((L,), jnp.float32)

        def zbody(i, _):
            for j in range(d // L):
                rows_bufs[0][i, pl.ds(j * L, L)] = zero
            return 0

        lax.fori_loop(0, K, zbody, 0)
        for t in range(stripe // K):
            pltpu.sync_copy(rows_bufs[0], acc_sh.at[pl.ds(sbase + t * K, K)])
        idx_src.wait()
        idx_dst.wait()
        plsc.subcore_barrier()

        def body(j, _):
            pltpu.async_copy(h_hbm.at[srcv.at[j]], rows_bufs[0], sem).wait()
            pltpu.async_copy(
                rows_bufs[0], acc_sh.at[dstv.at[j]], sem, add=True).wait()
            return 0

        lax.fori_loop(0, nchunk, body, 0)
        plsc.subcore_barrier()

        for t in range(stripe // K):
            pltpu.sync_copy(acc_sh.at[pl.ds(sbase + t * K, K)], rows_bufs[0])
            pltpu.sync_copy(rows_bufs[0], out_hbm.at[c, pl.ds(sbase + t * K, K)])

    return seg_kernel


def _deg_count(n_pad, e):
    epw = e // NW
    nchunk = epw // K
    stripe = n_pad // NS

    mesh = plsc.VectorSubcoreMesh(
        core_axis_name="c", subcore_axis_name="s", num_cores=NC, num_subcores=NS)

    @functools.partial(
        pl.kernel,
        mesh=mesh,
        out_type=jax.ShapeDtypeStruct((NC, n_pad), jnp.float32),
        scratch_types=[
            pltpu.VMEM((nchunk, K), jnp.int32),
            pltpu.VMEM((K,), jnp.float32),
            pltpu.VMEM((stripe,), jnp.float32),
            pltpu.VMEM_SHARED((n_pad,), jnp.float32),
            pltpu.SemaphoreType.DMA,
        ],
    )
    def deg_kernel(dst_hbm, out_hbm, dstv, ones_v, stripe_v, acc_sh, sem):
        c = lax.axis_index("c")
        s = lax.axis_index("s")
        wid = c * NS + s
        sbase = s * stripe

        idx_dst = pltpu.async_copy(dst_hbm.at[wid], dstv, sem)
        one = jnp.ones((L,), jnp.float32)
        zero = jnp.zeros((L,), jnp.float32)
        for i in range(K // L):
            ones_v[pl.ds(i * L, L)] = one

        def zbody(i, _):
            stripe_v[pl.ds(i * L, L)] = zero
            return 0

        lax.fori_loop(0, stripe // L, zbody, 0)
        pltpu.sync_copy(stripe_v, acc_sh.at[pl.ds(sbase, stripe)])
        idx_dst.wait()
        plsc.subcore_barrier()

        def body(j, _):
            pltpu.sync_copy(ones_v, acc_sh.at[dstv.at[j]], add=True)
            return 0

        lax.fori_loop(0, nchunk, body, 0)
        plsc.subcore_barrier()

        pltpu.sync_copy(acc_sh.at[pl.ds(sbase, stripe)], stripe_v)
        pltpu.sync_copy(stripe_v, out_hbm.at[c, pl.ds(sbase, stripe)])

    return deg_kernel


def _t1_body(cnt_ref, x_ref, w_ref, dis_ref, hp_ref):
    cnt = cnt_ref[0] + cnt_ref[1]
    dis = lax.rsqrt(cnt + 1.0)
    h = jnp.dot(x_ref[...], w_ref[...], preferred_element_type=jnp.float32)
    dis_ref[...] = dis
    hp_ref[...] = h * dis


def _t2_body(a_ref, hp_ref, dis_ref, w_ref, b_ref, out_ref):
    z = (a_ref[0] + a_ref[1] + hp_ref[...]) * dis_ref[...] + b_ref[...]
    h = jnp.maximum(z, 0.0)
    out_ref[...] = jnp.dot(h, w_ref[...], preferred_element_type=jnp.float32) * dis_ref[...]


def _t3_body(a_ref, hp_ref, dis_ref, b_ref, m_ref, out_ref):
    z = (a_ref[0] + a_ref[1] + hp_ref[...]) * dis_ref[...] + b_ref[...]
    out_ref[...] = jnp.where(m_ref[...] > 0.0, 0.0, z)


def kernel(x, edge_index, boundary_mask, W1, b1, W2, b2):
    n, d = x.shape
    e = edge_index.shape[1]
    n_pad = ((n + (NS * K) - 1) // (NS * K)) * (NS * K)
    bn = 2000
    grid = n // bn

    epw = e // NW
    nchunk = epw // K
    src = edge_index[0].astype(jnp.int32).reshape(NW, nchunk, K)
    dst = edge_index[1].astype(jnp.int32).reshape(NW, nchunk, K)
    mask = boundary_mask.astype(jnp.float32).reshape(n, 1)

    cnt = _deg_count(n_pad, e)(dst).reshape(NC, n_pad, 1)

    row_spec = pl.BlockSpec((bn, d), lambda i: (i, 0))
    col1_spec = pl.BlockSpec((bn, 1), lambda i: (i, 0))
    pair_spec = pl.BlockSpec((NC, bn, d), lambda i: (0, i, 0))
    pair1_spec = pl.BlockSpec((NC, bn, 1), lambda i: (0, i, 0))
    w_spec = pl.BlockSpec((d, d), lambda i: (0, 0))
    b_spec = pl.BlockSpec((1, d), lambda i: (0, 0))

    dis, h1p = pl.pallas_call(
        _t1_body,
        grid=(grid,),
        in_specs=[pair1_spec, row_spec, w_spec],
        out_specs=[col1_spec, row_spec],
        out_shape=[
            jax.ShapeDtypeStruct((n, 1), jnp.float32),
            jax.ShapeDtypeStruct((n, d), jnp.float32),
        ],
    )(cnt, x, W1)

    seg = _seg_sum_rows(n_pad, d, e)
    a1 = seg(h1p, src, dst)

    h2p = pl.pallas_call(
        _t2_body,
        grid=(grid,),
        in_specs=[pair_spec, row_spec, col1_spec, w_spec, b_spec],
        out_specs=row_spec,
        out_shape=jax.ShapeDtypeStruct((n, d), jnp.float32),
    )(a1, h1p, dis, W2, b1.reshape(1, d))

    a2 = seg(h2p, src, dst)

    out = pl.pallas_call(
        _t3_body,
        grid=(grid,),
        in_specs=[pair_spec, row_spec, col1_spec, b_spec, col1_spec],
        out_specs=row_spec,
        out_shape=jax.ShapeDtypeStruct((n, d), jnp.float32),
    )(a2, h2p, dis, b2.reshape(1, d), mask)

    return out

# --- scband reference (transcript-rebuilt; emitter-appended) ---
"""Pipeline reference for scband-pressure-gnn-18348100288783 (READ-ONLY COPY).

The authoritative reference and input builder live on the scoring server;
editing this copy changes nothing except your own understanding.
"""

import jax, jax.numpy as jnp
import numpy as np

N_NODES = 10000
N_EDGES = 320000
D_IN = 128
D_HID = 128
D_OUT = 128


def setup_inputs(seed: int = 0) -> dict:
    key = jax.random.key(seed)
    k1, k2, k3, k4, k5, k6, k7 = jax.random.split(key, 7)
    x = jax.random.normal(k1, (N_NODES, D_IN), dtype=jnp.float32)
    edge_index = jax.random.randint(k2, (2, N_EDGES), 0, N_NODES, dtype=jnp.int64)
    boundary_mask = jax.random.randint(k3, (N_NODES,), 0, 2) > 0
    # GCNConv glorot-style weights + zero bias (sized per init_kwargs)
    s1 = (6.0 / (D_IN + D_HID)) ** 0.5
    W1 = jax.random.uniform(k4, (D_IN, D_HID), dtype=jnp.float32, minval=-s1, maxval=s1)
    b1 = jnp.zeros((D_HID,), dtype=jnp.float32)
    s2 = (6.0 / (D_HID + D_OUT)) ** 0.5
    W2 = jax.random.uniform(k5, (D_HID, D_OUT), dtype=jnp.float32, minval=-s2, maxval=s2)
    b2 = jnp.zeros((D_OUT,), dtype=jnp.float32)
    return {"x": x, "edge_index": edge_index, "boundary_mask": boundary_mask,
            "W1": W1, "b1": b1, "W2": W2, "b2": b2}


def _gcn_conv(x, edge_index, W, b, num_nodes):
    # Faithful torch_geometric GCNConv: add self-loops, symmetric normalization,
    # linear transform, gather -> weighted message -> scatter-add, plus bias.
    src = edge_index[0]
    dst = edge_index[1]
    loop = jnp.arange(num_nodes, dtype=src.dtype)
    src = jnp.concatenate([src, loop])
    dst = jnp.concatenate([dst, loop])
    ones = jnp.ones_like(src, dtype=x.dtype)
    deg = jnp.zeros((num_nodes,), dtype=x.dtype).at[dst].add(ones)
    deg_inv_sqrt = jnp.where(deg > 0, deg ** -0.5, 0.0)
    norm = deg_inv_sqrt[src] * deg_inv_sqrt[dst]
    h = x @ W
    msg = h[src] * norm[:, None]
    out = jax.ops.segment_sum(msg, dst, num_segments=num_nodes)
    return out + b


def reference(x, edge_index, boundary_mask, W1, b1, W2, b2):
    num_nodes = x.shape[0]
    h = _gcn_conv(x, edge_index, W1, b1, num_nodes)
    h = jax.nn.relu(h)
    # nn.Dropout(p=0.2) is identity in eval mode (deterministic reference)
    out = _gcn_conv(h, edge_index, W2, b2, num_nodes)
    # x[boundary_mask] = 0.0
    out = jnp.where(boundary_mask[:, None], 0.0, out)
    return out

if __name__ == "__main__":
    import jax
    _d = setup_inputs()
    print(jax.jit(kernel)(*tuple(_d.values())))

</pallas_src>

<mosaic_0001>
#map = affine_map<(d0, d1) -> (0, 0)>
#map1 = affine_map<(d0, d1) -> (0, 0, 0)>
module attributes {stable_mosaic.version = 14 : i64} {
  func.func @seg_kernel(%arg0: i32, %arg1: i32, %arg2: memref<10000x128xf32, #tpu.memory_space<hbm>>, %arg3: memref<32x125x80xi32, #tpu.memory_space<hbm>>, %arg4: memref<32x125x80xi32, #tpu.memory_space<hbm>>, %arg5: memref<2x10240x128xf32, #tpu.memory_space<hbm>>, %arg6: memref<125x80xi32, #tpu.memory_space<vmem>>, %arg7: memref<125x80xi32, #tpu.memory_space<vmem>>, %arg8: memref<80x128xf32, #tpu.memory_space<vmem>>, %arg9: memref<80x128xf32, #tpu.memory_space<vmem>>, %arg10: memref<80x128xf32, #tpu.memory_space<vmem>>, %arg11: memref<80x128xf32, #tpu.memory_space<vmem>>, %arg12: memref<80x128xf32, #tpu.memory_space<vmem>>, %arg13: memref<10240x128xf32, #tpu.memory_space<vmem_shared>>, %arg14: memref<!tpu.dma_semaphore, #tpu.memory_space<semaphore_mem>>) attributes {dimension_semantics = [#tpu.dimension_semantics<core_parallel>, #tpu.dimension_semantics<subcore_parallel>], iteration_bounds = array<i64: 2, 16>, scalar_prefetch = 0 : i64, scratch_operands = 9 : i64, tpu.core_type = #tpu.core_type<sc_vector_subcore>, window_params = [{transform_indices = #map}, {transform_indices = #map1}, {transform_indices = #map1}, {transform_indices = #map1}]} {
    %mul3A = arith.constant 16 : i32
    %mul3A_0 = arith.muli %arg0, %mul3A : i32
    %add3A = arith.addi %mul3A_0, %arg1 : i32
    %mul3A_1 = arith.constant 640 : i32
    %mul3A_2 = arith.muli %arg1, %mul3A_1 : i32
    %dma_start3A = arith.constant 0 : i32
    %dma_start3A_3 = arith.constant 0 : i32
    %dma_start3A_4 = tpu.memref_slice %arg3[%add3A, %dma_start3A, %dma_start3A_3] : memref<32x125x80xi32, #tpu.memory_space<hbm>> -> memref<1x125x80xi32, #tpu.memory_space<hbm>>
    %dma_start3A_5 = tpu.memref_squeeze %dma_start3A_4 : memref<1x125x80xi32, #tpu.memory_space<hbm>> -> memref<125x80xi32, #tpu.memory_space<hbm>>
    %dma_start3A_6 = arith.constant 0 : i32
    %dma_start3A_7 = arith.constant 0 : i32
    %dma_start3A_8 = tpu.memref_slice %arg3[%add3A, %dma_start3A_6, %dma_start3A_7] : memref<32x125x80xi32, #tpu.memory_space<hbm>> -> memref<1x125x80xi32, #tpu.memory_space<hbm>>
    %dma_start3A_9 = tpu.memref_squeeze %dma_start3A_8 : memref<1x125x80xi32, #tpu.memory_space<hbm>> -> memref<125x80xi32, #tpu.memory_space<hbm>>
    tpu.enqueue_dma source(%dma_start3A_9 : memref<125x80xi32, #tpu.memory_space<hbm>>) target(%arg6 : memref<125x80xi32, #tpu.memory_space<vmem>>) target_semaphore(%arg14 : memref<!tpu.dma_semaphore, #tpu.memory_space<semaphore_mem>>)
    %dma_start3A_10 = arith.constant 0 : i32
    %dma_start3A_11 = arith.constant 0 : i32
    %dma_start3A_12 = tpu.memref_slice %arg4[%add3A, %dma_start3A_10, %dma_start3A_11] : memref<32x125x80xi32, #tpu.memory_space<hbm>> -> memref<1x125x80xi32, #tpu.memory_space<hbm>>
    %dma_start3A_13 = tpu.memref_squeeze %dma_start3A_12 : memref<1x125x80xi32, #tpu.memory_space<hbm>> -> memref<125x80xi32, #tpu.memory_space<hbm>>
    %dma_start3A_14 = arith.constant 0 : i32
    %dma_start3A_15 = arith.constant 0 : i32
    %dma_start3A_16 = tpu.memref_slice %arg4[%add3A, %dma_start3A_14, %dma_start3A_15] : memref<32x125x80xi32, #tpu.memory_space<hbm>> -> memref<1x125x80xi32, #tpu.memory_space<hbm>>
    %dma_start3A_17 = tpu.memref_squeeze %dma_start3A_16 : memref<1x125x80xi32, #tpu.memory_space<hbm>> -> memref<125x80xi32, #tpu.memory_space<hbm>>
    tpu.enqueue_dma source(%dma_start3A_17 : memref<125x80xi32, #tpu.memory_space<hbm>>) target(%arg7 : memref<125x80xi32, #tpu.memory_space<vmem>>) target_semaphore(%arg14 : memref<!tpu.dma_semaphore, #tpu.memory_space<semaphore_mem>>)
    %broadcast_in_dim3A = arith.constant 0.000000e+00 : f32
    %broadcast_in_dim3A_18 = vector.broadcast %broadcast_in_dim3A : f32 to vector<16xf32>
    %scan3A = arith.constant 0 : i32
    %scan3A_19 = arith.constant 0 : i32
    %scan3A_20 = arith.constant 80 : i32
    %scan3A_21 = arith.addi %scan3A_19, %scan3A_20 : i32
    %scan3A_22 = arith.constant 1 : i32
    %scan3A_23 = scf.for %scan3A_96 = %scan3A_19 to %scan3A_21 step %scan3A_22 iter_args(%scan3A_97 = %scan3A) -> (i32)  : i32 {
      %swap3A = arith.index_cast %scan3A_96 : i32 to index
      %swap3A_98 = arith.constant 0 : index
      %swap3A_99 = tpu.vector_load %arg8[%swap3A, %swap3A_98] {strides = array<i32>} : memref<80x128xf32, #tpu.memory_space<vmem>>, vector<1x16xf32>,
      %swap3A_100 = vector.shape_cast %swap3A_99 : vector<1x16xf32> to vector<16xf32>
      %swap3A_101 = vector.shape_cast %broadcast_in_dim3A_18 : vector<16xf32> to vector<1x16xf32>
      tpu.vector_store %arg8[%swap3A, %swap3A_98], %swap3A_101 {strides = array<i32>} : memref<80x128xf32, #tpu.memory_space<vmem>>, vector<1x16xf32>,
      %swap3A_102 = arith.index_cast %scan3A_96 : i32 to index
      %swap3A_103 = arith.constant 16 : index
      %swap3A_104 = tpu.vector_load %arg8[%swap3A_102, %swap3A_103] {strides = array<i32>} : memref<80x128xf32, #tpu.memory_space<vmem>>, vector<1x16xf32>,
      %swap3A_105 = vector.shape_cast %swap3A_104 : vector<1x16xf32> to vector<16xf32>
      %swap3A_106 = vector.shape_cast %broadcast_in_dim3A_18 : vector<16xf32> to vector<1x16xf32>
      tpu.vector_store %arg8[%swap3A_102, %swap3A_103], %swap3A_106 {strides = array<i32>} : memref<80x128xf32, #tpu.memory_space<vmem>>, vector<1x16xf32>,
      %swap3A_107 = arith.index_cast %scan3A_96 : i32 to index
      %swap3A_108 = arith.constant 32 : index
      %swap3A_109 = tpu.vector_load %arg8[%swap3A_107, %swap3A_108] {strides = array<i32>} : memref<80x128xf32, #tpu.memory_space<vmem>>, vector<1x16xf32>,
      %swap3A_110 = vector.shape_cast %swap3A_109 : vector<1x16xf32> to vector<16xf32>
      %swap3A_111 = vector.shape_cast %broadcast_in_dim3A_18 : vector<16xf32> to vector<1x16xf32>
      tpu.vector_store %arg8[%swap3A_107, %swap3A_108], %swap3A_111 {strides = array<i32>} : memref<80x128xf32, #tpu.memory_space<vmem>>, vector<1x16xf32>,
      %swap3A_112 = arith.index_cast %scan3A_96 : i32 to index
      %swap3A_113 = arith.constant 48 : index
      %swap3A_114 = tpu.vector_load %arg8[%swap3A_112, %swap3A_113] {strides = array<i32>} : memref<80x128xf32, #tpu.memory_space<vmem>>, vector<1x16xf32>,
      %swap3A_115 = vector.shape_cast %swap3A_114 : vector<1x16xf32> to vector<16xf32>
      %swap3A_116 = vector.shape_cast %broadcast_in_dim3A_18 : vector<16xf32> to vector<1x16xf32>
      tpu.vector_store %arg8[%swap3A_112, %swap3A_113], %swap3A_116 {strides = array<i32>} : memref<80x128xf32, #tpu.memory_space<vmem>>, vector<1x16xf32>,
      %swap3A_117 = arith.index_cast %scan3A_96 : i32 to index
      %swap3A_118 = arith.constant 64 : index
      %swap3A_119 = tpu.vector_load %arg8[%swap3A_117, %swap3A_118] {strides = array<i32>} : memref<80x128xf32, #tpu.memory_space<vmem>>, vector<1x16xf32>,
      %swap3A_120 = vector.shape_cast %swap3A_119 : vector<1x16xf32> to vector<16xf32>
      %swap3A_121 = vector.shape_cast %broadcast_in_dim3A_18 : vector<16xf32> to vector<1x16xf32>
      tpu.vector_store %arg8[%swap3A_117, %swap3A_118], %swap3A_121 {strides = array<i32>} : memref<80x128xf32, #tpu.memory_space<vmem>>, vector<1x16xf32>,
      %swap3A_122 = arith.index_cast %scan3A_96 : i32 to index
      %swap3A_123 = arith.constant 80 : index
      %swap3A_124 = tpu.vector_load %arg8[%swap3A_122, %swap3A_123] {strides = array<i32>} : memref<80x128xf32, #tpu.memory_space<vmem>>, vector<1x16xf32>,
      %swap3A_125 = vector.shape_cast %swap3A_124 : vector<1x16xf32> to vector<16xf32>
      %swap3A_126 = vector.shape_cast %broadcast_in_dim3A_18 : vector<16xf32> to vector<1x16xf32>
      tpu.vector_store %arg8[%swap3A_122, %swap3A_123], %swap3A_126 {strides = array<i32>} : memref<80x128xf32, #tpu.memory_space<vmem>>, vector<1x16xf32>,
      %swap3A_127 = arith.index_cast %scan3A_96 : i32 to index
      %swap3A_128 = arith.constant 96 : index
      %swap3A_129 = tpu.vector_load %arg8[%swap3A_127, %swap3A_128] {strides = array<i32>} : memref<80x128xf32, #tpu.memory_space<vmem>>, vector<1x16xf32>,
      %swap3A_130 = vector.shape_cast %swap3A_129 : vector<1x16xf32> to vector<16xf32>
      %swap3A_131 = vector.shape_cast %broadcast_in_dim3A_18 : vector<16xf32> to vector<1x16xf32>
      tpu.vector_store %arg8[%swap3A_127, %swap3A_128], %swap3A_131 {strides = array<i32>} : memref<80x128xf32, #tpu.memory_space<vmem>>, vector<1x16xf32>,
      %swap3A_132 = arith.index_cast %scan3A_96 : i32 to index
      %swap3A_133 = arith.constant 112 : index
      %swap3A_134 = tpu.vector_load %arg8[%swap3A_132, %swap3A_133] {strides = array<i32>} : memref<80x128xf32, #tpu.memory_space<vmem>>, vector<1x16xf32>,
      %swap3A_135 = vector.shape_cast %swap3A_134 : vector<1x16xf32> to vector<16xf32>
      %swap3A_136 = vector.shape_cast %broadcast_in_dim3A_18 : vector<16xf32> to vector<1x16xf32>
      tpu.vector_store %arg8[%swap3A_132, %swap3A_133], %swap3A_136 {strides = array<i32>} : memref<80x128xf32, #tpu.memory_space<vmem>>, vector<1x16xf32>,
      %scan3A_137 = arith.constant 0 : i32
      scf.yield %scan3A_137 : i32
    }
    %scan3A_24 = arith.constant 80 : i32
    %add3A_25 = arith.constant 0 : i32
    %add3A_26 = arith.addi %mul3A_2, %add3A_25 : i32
    "tpu.region"() ({
      %run_scoped3A = tpu.sem_alloc : memref<!tpu.dma_semaphore, #tpu.memory_space<semaphore_mem>>
      %dma_start3A_96 = arith.constant 0 : i32
      %dma_start3A_97 = tpu.memref_slice %arg13[%add3A_26, %dma_start3A_96] : memref<10240x128xf32, #tpu.memory_space<vmem_shared>> -> memref<80x128xf32, #tpu.memory_space<vmem_shared>>
      %dma_start3A_98 = arith.constant 0 : i32
      %dma_start3A_99 = tpu.memref_slice %arg13[%add3A_26, %dma_start3A_98] : memref<10240x128xf32, #tpu.memory_space<vmem_shared>> -> memref<80x128xf32, #tpu.memory_space<vmem_shared>>
      tpu.enqueue_dma source(%arg8 : memref<80x128xf32, #tpu.memory_space<vmem>>) target(%dma_start3A_99 : memref<80x128xf32, #tpu.memory_space<vmem_shared>>) target_semaphore(%run_scoped3A : memref<!tpu.dma_semaphore, #tpu.memory_space<semaphore_mem>>)
      %dma_wait3A_100 = arith.constant 0 : i32
      %dma_wait3A_101 = tpu.memref_slice %arg13[%add3A_26, %dma_wait3A_100] : memref<10240x128xf32, #tpu.memory_space<vmem_shared>> -> memref<80x128xf32, #tpu.memory_space<vmem_shared>>
      %dma_wait3A_102 = arith.constant 0 : i32
      %dma_wait3A_103 = tpu.memref_slice %arg13[%add3A_26, %dma_wait3A_102] : memref<10240x128xf32, #tpu.memory_space<vmem_shared>> -> memref<80x128xf32, #tpu.memory_space<vmem_shared>>
      tpu.wait_dma2 semaphore(%run_scoped3A : memref<!tpu.dma_semaphore, #tpu.memory_space<semaphore_mem>>) src(%arg8 : memref<80x128xf32, #tpu.memory_space<vmem>>) dst(%dma_wait3A_103 : memref<80x128xf32, #tpu.memory_space<vmem_shared>>)
      tpu.yield
    }) : () -> ()
    %add3A_27 = arith.constant 80 : i32
    %add3A_28 = arith.addi %mul3A_2, %add3A_27 : i32
    "tpu.region"() ({
      %run_scoped3A = tpu.sem_alloc : memref<!tpu.dma_semaphore, #tpu.memory_space<semaphore_mem>>
      %dma_start3A_96 = arith.constant 0 : i32
      %dma_start3A_97 = tpu.memref_slice %arg13[%add3A_28, %dma_start3A_96] : memref<10240x128xf32, #tpu.memory_space<vmem_shared>> -> memref<80x128xf32, #tpu.memory_space<vmem_shared>>
      %dma_start3A_98 = arith.constant 0 : i32
      %dma_start3A_99 = tpu.memref_slice %arg13[%add3A_28, %dma_start3A_98] : memref<10240x128xf32, #tpu.memory_space<vmem_shared>> -> memref<80x128xf32, #tpu.memory_space<vmem_shared>>
      tpu.enqueue_dma source(%arg8 : memref<80x128xf32, #tpu.memory_space<vmem>>) target(%dma_start3A_99 : memref<80x128xf32, #tpu.memory_space<vmem_shared>>) target_semaphore(%run_scoped3A : memref<!tpu.dma_semaphore, #tpu.memory_space<semaphore_mem>>)
      %dma_wait3A_100 = arith.constant 0 : i32
      %dma_wait3A_101 = tpu.memref_slice %arg13[%add3A_28, %dma_wait3A_100] : memref<10240x128xf32, #tpu.memory_space<vmem_shared>> -> memref<80x128xf32, #tpu.memory_space<vmem_shared>>
      %dma_wait3A_102 = arith.constant 0 : i32
      %dma_wait3A_103 = tpu.memref_slice %arg13[%add3A_28, %dma_wait3A_102] : memref<10240x128xf32, #tpu.memory_space<vmem_shared>> -> memref<80x128xf32, #tpu.memory_space<vmem_shared>>
      tpu.wait_dma2 semaphore(%run_scoped3A : memref<!tpu.dma_semaphore, #tpu.memory_space<semaphore_mem>>) src(%arg8 : memref<80x128xf32, #tpu.memory_space<vmem>>) dst(%dma_wait3A_103 : memref<80x128xf32, #tpu.memory_space<vmem_shared>>)
      tpu.yield
    }) : () -> ()
    %add3A_29 = arith.constant 160 : i32
    %add3A_30 = arith.addi %mul3A_2, %add3A_29 : i32
    "tpu.region"() ({
      %run_scoped3A = tpu.sem_alloc : memref<!tpu.dma_semaphore, #tpu.memory_space<semaphore_mem>>
      %dma_start3A_96 = arith.constant 0 : i32
      %dma_start3A_97 = tpu.memref_slice %arg13[%add3A_30, %dma_start3A_96] : memref<10240x128xf32, #tpu.memory_space<vmem_shared>> -> memref<80x128xf32, #tpu.memory_space<vmem_shared>>
      %dma_start3A_98 = arith.constant 0 : i32
      %dma_start3A_99 = tpu.memref_slice %arg13[%add3A_30, %dma_start3A_98] : memref<10240x128xf32, #tpu.memory_space<vmem_shared>> -> memref<80x128xf32, #tpu.memory_space<vmem_shared>>
      tpu.enqueue_dma source(%arg8 : memref<80x128xf32, #tpu.memory_space<vmem>>) target(%dma_start3A_99 : memref<80x128xf32, #tpu.memory_space<vmem_shared>>) target_semaphore(%run_scoped3A : memref<!tpu.dma_semaphore, #tpu.memory_space<semaphore_mem>>)
      %dma_wait3A_100 = arith.constant 0 : i32
      %dma_wait3A_101 = tpu.memref_slice %arg13[%add3A_30, %dma_wait3A_100] : memref<10240x128xf32, #tpu.memory_space<vmem_shared>> -> memref<80x128xf32, #tpu.memory_space<vmem_shared>>
      %dma_wait3A_102 = arith.constant 0 : i32
      %dma_wait3A_103 = tpu.memref_slice %arg13[%add3A_30, %dma_wait3A_102] : memref<10240x128xf32, #tpu.memory_space<vmem_shared>> -> memref<80x128xf32, #tpu.memory_space<vmem_shared>>
      tpu.wait_dma2 semaphore(%run_scoped3A : memref<!tpu.dma_semaphore, #tpu.memory_space<semaphore_mem>>) src(%arg8 : memref<80x128xf32, #tpu.memory_space<vmem>>) dst(%dma_wait3A_103 : memref<80x128xf32, #tpu.memory_space<vmem_shared>>)
      tpu.yield
    }) : () -> ()
    %add3A_31 = arith.constant 240 : i32
    %add3A_32 = arith.addi %mul3A_2, %add3A_31 : i32
    "tpu.region"() ({
      %run_scoped3A = tpu.sem_alloc : memref<!tpu.dma_semaphore, #tpu.memory_space<semaphore_mem>>
      %dma_start3A_96 = arith.constant 0 : i32
      %dma_start3A_97 = tpu.memref_slice %arg13[%add3A_32, %dma_start3A_96] : memref<10240x128xf32, #tpu.memory_space<vmem_shared>> -> memref<80x128xf32, #tpu.memory_space<vmem_shared>>
      %dma_start3A_98 = arith.constant 0 : i32
      %dma_start3A_99 = tpu.memref_slice %arg13[%add3A_32, %dma_start3A_98] : memref<10240x128xf32, #tpu.memory_space<vmem_shared>> -> memref<80x128xf32, #tpu.memory_space<vmem_shared>>
      tpu.enqueue_dma source(%arg8 : memref<80x128xf32, #tpu.memory_space<vmem>>) target(%dma_start3A_99 : memref<80x128xf32, #tpu.memory_space<vmem_shared>>) target_semaphore(%run_scoped3A : memref<!tpu.dma_semaphore, #tpu.memory_space<semaphore_mem>>)
      %dma_wait3A_100 = arith.constant 0 : i32
      %dma_wait3A_101 = tpu.memref_slice %arg13[%add3A_32, %dma_wait3A_100] : memref<10240x128xf32, #tpu.memory_space<vmem_shared>> -> memref<80x128xf32, #tpu.memory_space<vmem_shared>>
      %dma_wait3A_102 = arith.constant 0 : i32
      %dma_wait3A_103 = tpu.memref_slice %arg13[%add3A_32, %dma_wait3A_102] : memref<10240x128xf32, #tpu.memory_space<vmem_shared>> -> memref<80x128xf32, #tpu.memory_space<vmem_shared>>
      tpu.wait_dma2 semaphore(%run_scoped3A : memref<!tpu.dma_semaphore, #tpu.memory_space<semaphore_mem>>) src(%arg8 : memref<80x128xf32, #tpu.memory_space<vmem>>) dst(%dma_wait3A_103 : memref<80x128xf32, #tpu.memory_space<vmem_shared>>)
      tpu.yield
    }) : () -> ()
    %add3A_33 = arith.constant 320 : i32
    %add3A_34 = arith.addi %mul3A_2, %add3A_33 : i32
    "tpu.region"() ({
      %run_scoped3A = tpu.sem_alloc : memref<!tpu.dma_semaphore, #tpu.memory_space<semaphore_mem>>
      %dma_start3A_96 = arith.constant 0 : i32
      %dma_start3A_97 = tpu.memref_slice %arg13[%add3A_34, %dma_start3A_96] : memref<10240x128xf32, #tpu.memory_space<vmem_shared>> -> memref<80x128xf32, #tpu.memory_space<vmem_shared>>
      %dma_start3A_98 = arith.constant 0 : i32
      %dma_start3A_99 = tpu.memref_slice %arg13[%add3A_34, %dma_start3A_98] : memref<10240x128xf32, #tpu.memory_space<vmem_shared>> -> memref<80x128xf32, #tpu.memory_space<vmem_shared>>
      tpu.enqueue_dma source(%arg8 : memref<80x128xf32, #tpu.memory_space<vmem>>) target(%dma_start3A_99 : memref<80x128xf32, #tpu.memory_space<vmem_shared>>) target_semaphore(%run_scoped3A : memref<!tpu.dma_semaphore, #tpu.memory_space<semaphore_mem>>)
      %dma_wait3A_100 = arith.constant 0 : i32
      %dma_wait3A_101 = tpu.memref_slice %arg13[%add3A_34, %dma_wait3A_100] : memref<10240x128xf32, #tpu.memory_space<vmem_shared>> -> memref<80x128xf32, #tpu.memory_space<vmem_shared>>
      %dma_wait3A_102 = arith.constant 0 : i32
      %dma_wait3A_103 = tpu.memref_slice %arg13[%add3A_34, %dma_wait3A_102] : memref<10240x128xf32, #tpu.memory_space<vmem_shared>> -> memref<80x128xf32, #tpu.memory_space<vmem_shared>>
      tpu.wait_dma2 semaphore(%run_scoped3A : memref<!tpu.dma_semaphore, #tpu.memory_space<semaphore_mem>>) src(%arg8 : memref<80x128xf32, #tpu.memory_space<vmem>>) dst(%dma_wait3A_103 : memref<80x128xf32, #tpu.memory_space<vmem_shared>>)
      tpu.yield
    }) : () -> ()
    %add3A_35 = arith.constant 400 : i32
    %add3A_36 = arith.addi %mul3A_2, %add3A_35 : i32
    "tpu.region"() ({
      %run_scoped3A = tpu.sem_alloc : memref<!tpu.dma_semaphore, #tpu.memory_space<semaphore_mem>>
      %dma_start3A_96 = arith.constant 0 : i32
      %dma_start3A_97 = tpu.memref_slice %arg13[%add3A_36, %dma_start3A_96] : memref<10240x128xf32, #tpu.memory_space<vmem_shared>> -> memref<80x128xf32, #tpu.memory_space<vmem_shared>>
      %dma_start3A_98 = arith.constant 0 : i32
      %dma_start3A_99 = tpu.memref_slice %arg13[%add3A_36, %dma_start3A_98] : memref<10240x128xf32, #tpu.memory_space<vmem_shared>> -> memref<80x128xf32, #tpu.memory_space<vmem_shared>>
      tpu.enqueue_dma source(%arg8 : memref<80x128xf32, #tpu.memory_space<vmem>>) target(%dma_start3A_99 : memref<80x128xf32, #tpu.memory_space<vmem_shared>>) target_semaphore(%run_scoped3A : memref<!tpu.dma_semaphore, #tpu.memory_space<semaphore_mem>>)
      %dma_wait3A_100 = arith.constant 0 : i32
      %dma_wait3A_101 = tpu.memref_slice %arg13[%add3A_36, %dma_wait3A_100] : memref<10240x128xf32, #tpu.memory_space<vmem_shared>> -> memref<80x128xf32, #tpu.memory_space<vmem_shared>>
      %dma_wait3A_102 = arith.constant 0 : i32
      %dma_wait3A_103 = tpu.memref_slice %arg13[%add3A_36, %dma_wait3A_102] : memref<10240x128xf32, #tpu.memory_space<vmem_shared>> -> memref<80x128xf32, #tpu.memory_space<vmem_shared>>
      tpu.wait_dma2 semaphore(%run_scoped3A : memref<!tpu.dma_semaphore, #tpu.memory_space<semaphore_mem>>) src(%arg8 : memref<80x128xf32, #tpu.memory_space<vmem>>) dst(%dma_wait3A_103 : memref<80x128xf32, #tpu.memory_space<vmem_shared>>)
      tpu.yield
    }) : () -> ()
    %add3A_37 = arith.constant 480 : i32
    %add3A_38 = arith.addi %mul3A_2, %add3A_37 : i32
    "tpu.region"() ({
      %run_scoped3A = tpu.sem_alloc : memref<!tpu.dma_semaphore, #tpu.memory_space<semaphore_mem>>
      %dma_start3A_96 = arith.constant 0 : i32
      %dma_start3A_97 = tpu.memref_slice %arg13[%add3A_38, %dma_start3A_96] : memref<10240x128xf32, #tpu.memory_space<vmem_shared>> -> memref<80x128xf32, #tpu.memory_space<vmem_shared>>
      %dma_start3A_98 = arith.constant 0 : i32
      %dma_start3A_99 = tpu.memref_slice %arg13[%add3A_38, %dma_start3A_98] : memref<10240x128xf32, #tpu.memory_space<vmem_shared>> -> memref<80x128xf32, #tpu.memory_space<vmem_shared>>
      tpu.enqueue_dma source(%arg8 : memref<80x128xf32, #tpu.memory_space<vmem>>) target(%dma_start3A_99 : memref<80x128xf32, #tpu.memory_space<vmem_shared>>) target_semaphore(%run_scoped3A : memref<!tpu.dma_semaphore, #tpu.memory_space<semaphore_mem>>)
      %dma_wait3A_100 = arith.constant 0 : i32
      %dma_wait3A_101 = tpu.memref_slice %arg13[%add3A_38, %dma_wait3A_100] : memref<10240x128xf32, #tpu.memory_space<vmem_shared>> -> memref<80x128xf32, #tpu.memory_space<vmem_shared>>
      %dma_wait3A_102 = arith.constant 0 : i32
      %dma_wait3A_103 = tpu.memref_slice %arg13[%add3A_38, %dma_wait3A_102] : memref<10240x128xf32, #tpu.memory_space<vmem_shared>> -> memref<80x128xf32, #tpu.memory_space<vmem_shared>>
      tpu.wait_dma2 semaphore(%run_scoped3A : memref<!tpu.dma_semaphore, #tpu.memory_space<semaphore_mem>>) src(%arg8 : memref<80x128xf32, #tpu.memory_space<vmem>>) dst(%dma_wait3A_103 : memref<80x128xf32, #tpu.memory_space<vmem_shared>>)
      tpu.yield
    }) : () -> ()
    %add3A_39 = arith.constant 560 : i32
    %add3A_40 = arith.addi %mul3A_2, %add3A_39 : i32
    "tpu.region"() ({
      %run_scoped3A = tpu.sem_alloc : memref<!tpu.dma_semaphore, #tpu.memory_space<semaphore_mem>>
      %dma_start3A_96 = arith.constant 0 : i32
      %dma_start3A_97 = tpu.memref_slice %arg13[%add3A_40, %dma_start3A_96] : memref<10240x128xf32, #tpu.memory_space<vmem_shared>> -> memref<80x128xf32, #tpu.memory_space<vmem_shared>>
      %dma_start3A_98 = arith.constant 0 : i32
      %dma_start3A_99 = tpu.memref_slice %arg13[%add3A_40, %dma_start3A_98] : memref<10240x128xf32, #tpu.memory_space<vmem_shared>> -> memref<80x128xf32, #tpu.memory_space<vmem_shared>>
      tpu.enqueue_dma source(%arg8 : memref<80x128xf32, #tpu.memory_space<vmem>>) target(%dma_start3A_99 : memref<80x128xf32, #tpu.memory_space<vmem_shared>>) target_semaphore(%run_scoped3A : memref<!tpu.dma_semaphore, #tpu.memory_space<semaphore_mem>>)
      %dma_wait3A_100 = arith.constant 0 : i32
      %dma_wait3A_101 = tpu.memref_slice %arg13[%add3A_40, %dma_wait3A_100] : memref<10240x128xf32, #tpu.memory_space<vmem_shared>> -> memref<80x128xf32, #tpu.memory_space<vmem_shared>>
      %dma_wait3A_102 = arith.constant 0 : i32
      %dma_wait3A_103 = tpu.memref_slice %arg13[%add3A_40, %dma_wait3A_102] : memref<10240x128xf32, #tpu.memory_space<vmem_shared>> -> memref<80x128xf32, #tpu.memory_space<vmem_shared>>
      tpu.wait_dma2 semaphore(%run_scoped3A : memref<!tpu.dma_semaphore, #tpu.memory_space<semaphore_mem>>) src(%arg8 : memref<80x128xf32, #tpu.memory_space<vmem>>) dst(%dma_wait3A_103 : memref<80x128xf32, #tpu.memory_space<vmem_shared>>)
      tpu.yield
    }) : () -> ()
    %dma_wait3A = arith.constant 0 : i32
    %dma_wait3A_41 = arith.constant 0 : i32
    %dma_wait3A_42 = tpu.memref_slice %arg3[%add3A, %dma_wait3A, %dma_wait3A_41] : memref<32x125x80xi32, #tpu.memory_space<hbm>> -> memref<1x125x80xi32, #tpu.memory_space<hbm>>
    %dma_wait3A_43 = tpu.memref_squeeze %dma_wait3A_42 : memref<1x125x80xi32, #tpu.memory_space<hbm>> -> memref<125x80xi32, #tpu.memory_space<hbm>>
    %dma_wait3A_44 = arith.constant 0 : i32
    %dma_wait3A_45 = arith.constant 0 : i32
    %dma_wait3A_46 = tpu.memref_slice %arg3[%add3A, %dma_wait3A_44, %dma_wait3A_45] : memref<32x125x80xi32, #tpu.memory_space<hbm>> -> memref<1x125x80xi32, #tpu.memory_space<hbm>>
    %dma_wait3A_47 = tpu.memref_squeeze %dma_wait3A_46 : memref<1x125x80xi32, #tpu.memory_space<hbm>> -> memref<125x80xi32, #tpu.memory_space<hbm>>
    tpu.wait_dma2 semaphore(%arg14 : memref<!tpu.dma_semaphore, #tpu.memory_space<semaphore_mem>>) src(%dma_wait3A_47 : memref<125x80xi32, #tpu.memory_space<hbm>>) dst(%arg6 : memref<125x80xi32, #tpu.memory_space<vmem>>)
    %dma_wait3A_48 = arith.constant 0 : i32
    %dma_wait3A_49 = arith.constant 0 : i32
    %dma_wait3A_50 = tpu.memref_slice %arg4[%add3A, %dma_wait3A_48, %dma_wait3A_49] : memref<32x125x80xi32, #tpu.memory_space<hbm>> -> memref<1x125x80xi32, #tpu.memory_space<hbm>>
    %dma_wait3A_51 = tpu.memref_squeeze %dma_wait3A_50 : memref<1x125x80xi32, #tpu.memory_space<hbm>> -> memref<125x80xi32, #tpu.memory_space<hbm>>
    %dma_wait3A_52 = arith.constant 0 : i32
    %dma_wait3A_53 = arith.constant 0 : i32
    %dma_wait3A_54 = tpu.memref_slice %arg4[%add3A, %dma_wait3A_52, %dma_wait3A_53] : memref<32x125x80xi32, #tpu.memory_space<hbm>> -> memref<1x125x80xi32, #tpu.memory_space<hbm>>
    %dma_wait3A_55 = tpu.memref_squeeze %dma_wait3A_54 : memref<1x125x80xi32, #tpu.memory_space<hbm>> -> memref<125x80xi32, #tpu.memory_space<hbm>>
    tpu.wait_dma2 semaphore(%arg14 : memref<!tpu.dma_semaphore, #tpu.memory_space<semaphore_mem>>) src(%dma_wait3A_55 : memref<125x80xi32, #tpu.memory_space<hbm>>) dst(%arg7 : memref<125x80xi32, #tpu.memory_space<vmem>>)
    %barrier3A = arith.constant 0 : index
    tpu.barrier barrier_id(%barrier3A)
    %scan3A_56 = arith.constant 0 : i32
    %scan3A_57 = arith.constant 0 : i32
    %scan3A_58 = arith.constant 125 : i32
    %scan3A_59 = arith.addi %scan3A_57, %scan3A_58 : i32
    %scan3A_60 = arith.constant 1 : i32
    %scan3A_61 = scf.for %scan3A_96 = %scan3A_57 to %scan3A_59 step %scan3A_60 iter_args(%scan3A_97 = %scan3A_56) -> (i32)  : i32 {
      %dma_start3A_98 = arith.constant 0 : i32
      %dma_start3A_99 = tpu.memref_slice %arg6[%scan3A_96, %dma_start3A_98] : memref<125x80xi32, #tpu.memory_space<vmem>> -> memref<1x80xi32, #tpu.memory_space<vmem>>
      %dma_start3A_100 = tpu.memref_squeeze %dma_start3A_99 : memref<1x80xi32, #tpu.memory_space<vmem>> -> memref<80xi32, #tpu.memory_space<vmem>>
      %dma_start3A_101 = arith.constant 0 : i32
      %dma_start3A_102 = arith.constant 0 : i32
      %dma_start3A_103 = tpu.memref_slice %arg2[%dma_start3A_101, %dma_start3A_102] : memref<10000x128xf32, #tpu.memory_space<hbm>> -> memref<10000x128xf32, #tpu.memory_space<hbm>>
      tpu.enqueue_indirect_dma source(%dma_start3A_103 : memref<10000x128xf32, #tpu.memory_space<hbm>>) target(%arg8 : memref<80x128xf32, #tpu.memory_space<vmem>>) offsets(%dma_start3A_100 : memref<80xi32, #tpu.memory_space<vmem>>) semaphore(%arg14 : memref<!tpu.dma_semaphore, #tpu.memory_space<semaphore_mem>>)
      %dma_wait3A_104 = arith.constant 0 : i32
      %dma_wait3A_105 = tpu.memref_slice %arg6[%scan3A_96, %dma_wait3A_104] : memref<125x80xi32, #tpu.memory_space<vmem>> -> memref<1x80xi32, #tpu.memory_space<vmem>>
      %dma_wait3A_106 = tpu.memref_squeeze %dma_wait3A_105 : memref<1x80xi32, #tpu.memory_space<vmem>> -> memref<80xi32, #tpu.memory_space<vmem>>
      %dma_wait3A_107 = arith.constant 0 : i32
      %dma_wait3A_108 = arith.constant 0 : i32
      %dma_wait3A_109 = tpu.memref_slice %arg2[%dma_wait3A_107, %dma_wait3A_108] : memref<10000x128xf32, #tpu.memory_space<hbm>> -> memref<10000x128xf32, #tpu.memory_space<hbm>>
      tpu.wait_indirect_dma semaphore(%arg14 : memref<!tpu.dma_semaphore, #tpu.memory_space<semaphore_mem>>) src(%dma_wait3A_109 : memref<10000x128xf32, #tpu.memory_space<hbm>>) dst(%arg8 : memref<80x128xf32, #tpu.memory_space<vmem>>)
      %dma_start3A_110 = arith.constant 0 : i32
      %dma_start3A_111 = tpu.memref_slice %arg7[%scan3A_96, %dma_start3A_110] : memref<125x80xi32, #tpu.memory_space<vmem>> -> memref<1x80xi32, #tpu.memory_space<vmem>>
      %dma_start3A_112 = tpu.memref_squeeze %dma_start3A_111 : memref<1x80xi32, #tpu.memory_space<vmem>> -> memref<80xi32, #tpu.memory_space<vmem>>
      %dma_start3A_113 = arith.constant 0 : i32
      %dma_start3A_114 = arith.constant 0 : i32
      %dma_start3A_115 = tpu.memref_slice %arg13[%dma_start3A_113, %dma_start3A_114] : memref<10240x128xf32, #tpu.memory_space<vmem_shared>> -> memref<10240x128xf32, #tpu.memory_space<vmem_shared>>
      tpu.enqueue_indirect_dma source(%arg8 : memref<80x128xf32, #tpu.memory_space<vmem>>) target(%dma_start3A_115 : memref<10240x128xf32, #tpu.memory_space<vmem_shared>>) offsets(%dma_start3A_112 : memref<80xi32, #tpu.memory_space<vmem>>) semaphore(%arg14 : memref<!tpu.dma_semaphore, #tpu.memory_space<semaphore_mem>>) {add = true}
      %dma_wait3A_116 = arith.constant 0 : i32
      %dma_wait3A_117 = tpu.memref_slice %arg7[%scan3A_96, %dma_wait3A_116] : memref<125x80xi32, #tpu.memory_space<vmem>> -> memref<1x80xi32, #tpu.memory_space<vmem>>
      %dma_wait3A_118 = tpu.memref_squeeze %dma_wait3A_117 : memref<1x80xi32, #tpu.memory_space<vmem>> -> memref<80xi32, #tpu.memory_space<vmem>>
      %dma_wait3A_119 = arith.constant 0 : i32
      %dma_wait3A_120 = arith.constant 0 : i32
      %dma_wait3A_121 = tpu.memref_slice %arg13[%dma_wait3A_119, %dma_wait3A_120] : memref<10240x128xf32, #tpu.memory_space<vmem_shared>> -> memref<10240x128xf32, #tpu.memory_space<vmem_shared>>
      tpu.wait_indirect_dma semaphore(%arg14 : memref<!tpu.dma_semaphore, #tpu.memory_space<semaphore_mem>>) src(%arg8 : memref<80x128xf32, #tpu.memory_space<vmem>>) dst(%dma_wait3A_121 : memref<10240x128xf32, #tpu.memory_space<vmem_shared>>)
      %scan3A_122 = arith.constant 0 : i32
      scf.yield %scan3A_122 : i32
    }
    %scan3A_62 = arith.constant 125 : i32
    %barrier3A_63 = arith.constant 0 : index
    tpu.barrier barrier_id(%barrier3A_63)
    %add3A_64 = arith.constant 0 : i32
    %add3A_65 = arith.addi %mul3A_2, %add3A_64 : i32
    "tpu.region"() ({
      %run_scoped3A = tpu.sem_alloc : memref<!tpu.dma_semaphore, #tpu.memory_space<semaphore_mem>>
      %dma_start3A_96 = arith.constant 0 : i32
      %dma_start3A_97 = tpu.memref_slice %arg13[%add3A_65, %dma_start3A_96] : memref<10240x128xf32, #tpu.memory_space<vmem_shared>> -> memref<80x128xf32, #tpu.memory_space<vmem_shared>>
      %dma_start3A_98 = arith.constant 0 : i32
      %dma_start3A_99 = tpu.memref_slice %arg13[%add3A_65, %dma_start3A_98] : memref<10240x128xf32, #tpu.memory_space<vmem_shared>> -> memref<80x128xf32, #tpu.memory_space<vmem_shared>>
      tpu.enqueue_dma source(%dma_start3A_99 : memref<80x128xf32, #tpu.memory_space<vmem_shared>>) target(%arg8 : memref<80x128xf32, #tpu.memory_space<vmem>>) target_semaphore(%run_scoped3A : memref<!tpu.dma_semaphore, #tpu.memory_space<semaphore_mem>>)
      %dma_wait3A_100 = arith.constant 0 : i32
      %dma_wait3A_101 = tpu.memref_slice %arg13[%add3A_65, %dma_wait3A_100] : memref<10240x128xf32, #tpu.memory_space<vmem_shared>> -> memref<80x128xf32, #tpu.memory_space<vmem_shared>>
      %dma_wait3A_102 = arith.constant 0 : i32
      %dma_wait3A_103 = tpu.memref_slice %arg13[%add3A_65, %dma_wait3A_102] : memref<10240x128xf32, #tpu.memory_space<vmem_shared>> -> memref<80x128xf32, #tpu.memory_space<vmem_shared>>
      tpu.wait_dma2 semaphore(%run_scoped3A : memref<!tpu.dma_semaphore, #tpu.memory_space<semaphore_mem>>) src(%dma_wait3A_103 : memref<80x128xf32, #tpu.memory_space<vmem_shared>>) dst(%arg8 : memref<80x128xf32, #tpu.memory_space<vmem>>)
      tpu.yield
    }) : () -> ()
    %add3A_66 = arith.constant 0 : i32
    %add3A_67 = arith.addi %mul3A_2, %add3A_66 : i32
    "tpu.region"() ({
      %run_scoped3A = tpu.sem_alloc : memref<!tpu.dma_semaphore, #tpu.memory_space<semaphore_mem>>
      %dma_start3A_96 = arith.constant 0 : i32
      %dma_start3A_97 = tpu.memref_slice %arg5[%arg0, %add3A_67, %dma_start3A_96] : memref<2x10240x128xf32, #tpu.memory_space<hbm>> -> memref<1x80x128xf32, #tpu.memory_space<hbm>>
      %dma_start3A_98 = tpu.memref_squeeze %dma_start3A_97 : memref<1x80x128xf32, #tpu.memory_space<hbm>> -> memref<80x128xf32, #tpu.memory_space<hbm>>
      %dma_start3A_99 = arith.constant 0 : i32
      %dma_start3A_100 = tpu.memref_slice %arg5[%arg0, %add3A_67, %dma_start3A_99] : memref<2x10240x128xf32, #tpu.memory_space<hbm>> -> memref<1x80x128xf32, #tpu.memory_space<hbm>>
      %dma_start3A_101 = tpu.memref_squeeze %dma_start3A_100 : memref<1x80x128xf32, #tpu.memory_space<hbm>> -> memref<80x128xf32, #tpu.memory_space<hbm>>
      tpu.enqueue_dma source(%arg8 : memref<80x128xf32, #tpu.memory_space<vmem>>) target(%dma_start3A_101 : memref<80x128xf32, #tpu.memory_space<hbm>>) target_semaphore(%run_scoped3A : memref<!tpu.dma_semaphore, #tpu.memory_space<semaphore_mem>>)
      %dma_wait3A_102 = arith.constant 0 : i32
      %dma_wait3A_103 = tpu.memref_slice %arg5[%arg0, %add3A_67, %dma_wait3A_102] : memref<2x10240x128xf32, #tpu.memory_space<hbm>> -> memref<1x80x128xf32, #tpu.memory_space<hbm>>
      %dma_wait3A_104 = tpu.memref_squeeze %dma_wait3A_103 : memref<1x80x128xf32, #tpu.memory_space<hbm>> -> memref<80x128xf32, #tpu.memory_space<hbm>>
      %dma_wait3A_105 = arith.constant 0 : i32
      %dma_wait3A_106 = tpu.memref_slice %arg5[%arg0, %add3A_67, %dma_wait3A_105] : memref<2x10240x128xf32, #tpu.memory_space<hbm>> -> memref<1x80x128xf32, #tpu.memory_space<hbm>>
      %dma_wait3A_107 = tpu.memref_squeeze %dma_wait3A_106 : memref<1x80x128xf32, #tpu.memory_space<hbm>> -> memref<80x128xf32, #tpu.memory_space<hbm>>
      tpu.wait_dma2 semaphore(%run_scoped3A : memref<!tpu.dma_semaphore, #tpu.memory_space<semaphore_mem>>) src(%arg8 : memref<80x128xf32, #tpu.memory_space<vmem>>) dst(%dma_wait3A_107 : memref<80x128xf32, #tpu.memory_space<hbm>>)
      tpu.yield
    }) : () -> ()
    %add3A_68 = arith.constant 80 : i32
    %add3A_69 = arith.addi %mul3A_2, %add3A_68 : i32
    "tpu.region"() ({
      %run_scoped3A = tpu.sem_alloc : memref<!tpu.dma_semaphore, #tpu.memory_space<semaphore_mem>>
      %dma_start3A_96 = arith.constant 0 : i32
      %dma_start3A_97 = tpu.memref_slice %arg13[%add3A_69, %dma_start3A_96] : memref<10240x128xf32, #tpu.memory_space<vmem_shared>> -> memref<80x128xf32, #tpu.memory_space<vmem_shared>>
      %dma_start3A_98 = arith.constant 0 : i32
      %dma_start3A_99 = tpu.memref_slice %arg13[%add3A_69, %dma_start3A_98] : memref<10240x128xf32, #tpu.memory_space<vmem_shared>> -> memref<80x128xf32, #tpu.memory_space<vmem_shared>>
      tpu.enqueue_dma source(%dma_start3A_99 : memref<80x128xf32, #tpu.memory_space<vmem_shared>>) target(%arg8 : memref<80x128xf32, #tpu.memory_space<vmem>>) target_semaphore(%run_scoped3A : memref<!tpu.dma_semaphore, #tpu.memory_space<semaphore_mem>>)
      %dma_wait3A_100 = arith.constant 0 : i32
      %dma_wait3A_101 = tpu.memref_slice %arg13[%add3A_69, %dma_wait3A_100] : memref<10240x128xf32, #tpu.memory_space<vmem_shared>> -> memref<80x128xf32, #tpu.memory_space<vmem_shared>>
      %dma_wait3A_102 = arith.constant 0 : i32
      %dma_wait3A_103 = tpu.memref_slice %arg13[%add3A_69, %dma_wait3A_102] : memref<10240x128xf32, #tpu.memory_space<vmem_shared>> -> memref<80x128xf32, #tpu.memory_space<vmem_shared>>
      tpu.wait_dma2 semaphore(%run_scoped3A : memref<!tpu.dma_semaphore, #tpu.memory_space<semaphore_mem>>) src(%dma_wait3A_103 : memref<80x128xf32, #tpu.memory_space<vmem_shared>>) dst(%arg8 : memref<80x128xf32, #tpu.memory_space<vmem>>)
      tpu.yield
    }) : () -> ()
    %add3A_70 = arith.constant 80 : i32
    %add3A_71 = arith.addi %mul3A_2, %add3A_70 : i32
    "tpu.region"() ({
      %run_scoped3A = tpu.sem_alloc : memref<!tpu.dma_semaphore, #tpu.memory_space<semaphore_mem>>
      %dma_start3A_96 = arith.constant 0 : i32
      %dma_start3A_97 = tpu.memref_slice %arg5[%arg0, %add3A_71, %dma_start3A_96] : memref<2x10240x128xf32, #tpu.memory_space<hbm>> -> memref<1x80x128xf32, #tpu.memory_space<hbm>>
      %dma_start3A_98 = tpu.memref_squeeze %dma_start3A_97 : memref<1x80x128xf32, #tpu.memory_space<hbm>> -> memref<80x128xf32, #tpu.memory_space<hbm>>
      %dma_start3A_99 = arith.constant 0 : i32
      %dma_start3A_100 = tpu.memref_slice %arg5[%arg0, %add3A_71, %dma_start3A_99] : memref<2x10240x128xf32, #tpu.memory_space<hbm>> -> memref<1x80x128xf32, #tpu.memory_space<hbm>>
      %dma_start3A_101 = tpu.memref_squeeze %dma_start3A_100 : memref<1x80x128xf32, #tpu.memory_space<hbm>> -> memref<80x128xf32, #tpu.memory_space<hbm>>
      tpu.enqueue_dma source(%arg8 : memref<80x128xf32, #tpu.memory_space<vmem>>) target(%dma_start3A_101 : memref<80x128xf32, #tpu.memory_space<hbm>>) target_semaphore(%run_scoped3A : memref<!tpu.dma_semaphore, #tpu.memory_space<semaphore_mem>>)
      %dma_wait3A_102 = arith.constant 0 : i32
      %dma_wait3A_103 = tpu.memref_slice %arg5[%arg0, %add3A_71, %dma_wait3A_102] : memref<2x10240x128xf32, #tpu.memory_space<hbm>> -> memref<1x80x128xf32, #tpu.memory_space<hbm>>
      %dma_wait3A_104 = tpu.memref_squeeze %dma_wait3A_103 : memref<1x80x128xf32, #tpu.memory_space<hbm>> -> memref<80x128xf32, #tpu.memory_space<hbm>>
      %dma_wait3A_105 = arith.constant 0 : i32
      %dma_wait3A_106 = tpu.memref_slice %arg5[%arg0, %add3A_71, %dma_wait3A_105] : memref<2x10240x128xf32, #tpu.memory_space<hbm>> -> memref<1x80x128xf32, #tpu.memory_space<hbm>>
      %dma_wait3A_107 = tpu.memref_squeeze %dma_wait3A_106 : memref<1x80x128xf32, #tpu.memory_space<hbm>> -> memref<80x128xf32, #tpu.memory_space<hbm>>
      tpu.wait_dma2 semaphore(%run_scoped3A : memref<!tpu.dma_semaphore, #tpu.memory_space<semaphore_mem>>) src(%arg8 : memref<80x128xf32, #tpu.memory_space<vmem>>) dst(%dma_wait3A_107 : memref<80x128xf32, #tpu.memory_space<hbm>>)
      tpu.yield
    }) : () -> ()
    %add3A_72 = arith.constant 160 : i32
    %add3A_73 = arith.addi %mul3A_2, %add3A_72 : i32
    "tpu.region"() ({
      %run_scoped3A = tpu.sem_alloc : memref<!tpu.dma_semaphore, #tpu.memory_space<semaphore_mem>>
      %dma_start3A_96 = arith.constant 0 : i32
      %dma_start3A_97 = tpu.memref_slice %arg13[%add3A_73, %dma_start3A_96] : memref<10240x128xf32, #tpu.memory_space<vmem_shared>> -> memref<80x128xf32, #tpu.memory_space<vmem_shared>>
      %dma_start3A_98 = arith.constant 0 : i32
      %dma_start3A_99 = tpu.memref_slice %arg13[%add3A_73, %dma_start3A_98] : memref<10240x128xf32, #tpu.memory_space<vmem_shared>> -> memref<80x128xf32, #tpu.memory_space<vmem_shared>>
      tpu.enqueue_dma source(%dma_start3A_99 : memref<80x128xf32, #tpu.memory_space<vmem_shared>>) target(%arg8 : memref<80x128xf32, #tpu.memory_space<vmem>>) target_semaphore(%run_scoped3A : memref<!tpu.dma_semaphore, #tpu.memory_space<semaphore_mem>>)
      %dma_wait3A_100 = arith.constant 0 : i32
      %dma_wait3A_101 = tpu.memref_slice %arg13[%add3A_73, %dma_wait3A_100] : memref<10240x128xf32, #tpu.memory_space<vmem_shared>> -> memref<80x128xf32, #tpu.memory_space<vmem_shared>>
      %dma_wait3A_102 = arith.constant 0 : i32
      %dma_wait3A_103 = tpu.memref_slice %arg13[%add3A_73, %dma_wait3A_102] : memref<10240x128xf32, #tpu.memory_space<vmem_shared>> -> memref<80x128xf32, #tpu.memory_space<vmem_shared>>
      tpu.wait_dma2 semaphore(%run_scoped3A : memref<!tpu.dma_semaphore, #tpu.memory_space<semaphore_mem>>) src(%dma_wait3A_103 : memref<80x128xf32, #tpu.memory_space<vmem_shared>>) dst(%arg8 : memref<80x128xf32, #tpu.memory_space<vmem>>)
      tpu.yield
    }) : () -> ()
    %add3A_74 = arith.constant 160 : i32
    %add3A_75 = arith.addi %mul3A_2, %add3A_74 : i32
    "tpu.region"() ({
      %run_scoped3A = tpu.sem_alloc : memref<!tpu.dma_semaphore, #tpu.memory_space<semaphore_mem>>
      %dma_start3A_96 = arith.constant 0 : i32
      %dma_start3A_97 = tpu.memref_slice %arg5[%arg0, %add3A_75, %dma_start3A_96] : memref<2x10240x128xf32, #tpu.memory_space<hbm>> -> memref<1x80x128xf32, #tpu.memory_space<hbm>>
      %dma_start3A_98 = tpu.memref_squeeze %dma_start3A_97 : memref<1x80x128xf32, #tpu.memory_space<hbm>> -> memref<80x128xf32, #tpu.memory_space<hbm>>
      %dma_start3A_99 = arith.constant 0 : i32
      %dma_start3A_100 = tpu.memref_slice %arg5[%arg0, %add3A_75, %dma_start3A_99] : memref<2x10240x128xf32, #tpu.memory_space<hbm>> -> memref<1x80x128xf32, #tpu.memory_space<hbm>>
      %dma_start3A_101 = tpu.memref_squeeze %dma_start3A_100 : memref<1x80x128xf32, #tpu.memory_space<hbm>> -> memref<80x128xf32, #tpu.memory_space<hbm>>
      tpu.enqueue_dma source(%arg8 : memref<80x128xf32, #tpu.memory_space<vmem>>) target(%dma_start3A_101 : memref<80x128xf32, #tpu.memory_space<hbm>>) target_semaphore(%run_scoped3A : memref<!tpu.dma_semaphore, #tpu.memory_space<semaphore_mem>>)
      %dma_wait3A_102 = arith.constant 0 : i32
      %dma_wait3A_103 = tpu.memref_slice %arg5[%arg0, %add3A_75, %dma_wait3A_102] : memref<2x10240x128xf32, #tpu.memory_space<hbm>> -> memref<1x80x128xf32, #tpu.memory_space<hbm>>
      %dma_wait3A_104 = tpu.memref_squeeze %dma_wait3A_103 : memref<1x80x128xf32, #tpu.memory_space<hbm>> -> memref<80x128xf32, #tpu.memory_space<hbm>>
      %dma_wait3A_105 = arith.constant 0 : i32
      %dma_wait3A_106 = tpu.memref_slice %arg5[%arg0, %add3A_75, %dma_wait3A_105] : memref<2x10240x128xf32, #tpu.memory_space<hbm>> -> memref<1x80x128xf32, #tpu.memory_space<hbm>>
      %dma_wait3A_107 = tpu.memref_squeeze %dma_wait3A_106 : memref<1x80x128xf32, #tpu.memory_space<hbm>> -> memref<80x128xf32, #tpu.memory_space<hbm>>
      tpu.wait_dma2 semaphore(%run_scoped3A : memref<!tpu.dma_semaphore, #tpu.memory_space<semaphore_mem>>) src(%arg8 : memref<80x128xf32, #tpu.memory_space<vmem>>) dst(%dma_wait3A_107 : memref<80x128xf32, #tpu.memory_space<hbm>>)
      tpu.yield
    }) : () -> ()
    %add3A_76 = arith.constant 240 : i32
    %add3A_77 = arith.addi %mul3A_2, %add3A_76 : i32
    "tpu.region"() ({
      %run_scoped3A = tpu.sem_alloc : memref<!tpu.dma_semaphore, #tpu.memory_space<semaphore_mem>>
      %dma_start3A_96 = arith.constant 0 : i32
      %dma_start3A_97 = tpu.memref_slice %arg13[%add3A_77, %dma_start3A_96] : memref<10240x128xf32, #tpu.memory_space<vmem_shared>> -> memref<80x128xf32, #tpu.memory_space<vmem_shared>>
      %dma_start3A_98 = arith.constant 0 : i32
      %dma_start3A_99 = tpu.memref_slice %arg13[%add3A_77, %dma_start3A_98] : memref<10240x128xf32, #tpu.memory_space<vmem_shared>> -> memref<80x128xf32, #tpu.memory_space<vmem_shared>>
      tpu.enqueue_dma source(%dma_start3A_99 : memref<80x128xf32, #tpu.memory_space<vmem_shared>>) target(%arg8 : memref<80x128xf32, #tpu.memory_space<vmem>>) target_semaphore(%run_scoped3A : memref<!tpu.dma_semaphore, #tpu.memory_space<semaphore_mem>>)
      %dma_wait3A_100 = arith.constant 0 : i32
      %dma_wait3A_101 = tpu.memref_slice %arg13[%add3A_77, %dma_wait3A_100] : memref<10240x128xf32, #tpu.memory_space<vmem_shared>> -> memref<80x128xf32, #tpu.memory_space<vmem_shared>>
      %dma_wait3A_102 = arith.constant 0 : i32
      %dma_wait3A_103 = tpu.memref_slice %arg13[%add3A_77, %dma_wait3A_102] : memref<10240x128xf32, #tpu.memory_space<vmem_shared>> -> memref<80x128xf32, #tpu.memory_space<vmem_shared>>
      tpu.wait_dma2 semaphore(%run_scoped3A : memref<!tpu.dma_semaphore, #tpu.memory_space<semaphore_mem>>) src(%dma_wait3A_103 : memref<80x128xf32, #tpu.memory_space<vmem_shared>>) dst(%arg8 : memref<80x128xf32, #tpu.memory_space<vmem>>)
      tpu.yield
    }) : () -> ()
    %add3A_78 = arith.constant 240 : i32
    %add3A_79 = arith.addi %mul3A_2, %add3A_78 : i32
    "tpu.region"() ({
      %run_scoped3A = tpu.sem_alloc : memref<!tpu.dma_semaphore, #tpu.memory_space<semaphore_mem>>
      %dma_start3A_96 = arith.constant 0 : i32
      %dma_start3A_97 = tpu.memref_slice %arg5[%arg0, %add3A_79, %dma_start3A_96] : memref<2x10240x128xf32, #tpu.memory_space<hbm>> -> memref<1x80x128xf32, #tpu.memory_space<hbm>>
      %dma_start3A_98 = tpu.memref_squeeze %dma_start3A_97 : memref<1x80x128xf32, #tpu.memory_space<hbm>> -> memref<80x128xf32, #tpu.memory_space<hbm>>
      %dma_start3A_99 = arith.constant 0 : i32
      %dma_start3A_100 = tpu.memref_slice %arg5[%arg0, %add3A_79, %dma_start3A_99] : memref<2x10240x128xf32, #tpu.memory_space<hbm>> -> memref<1x80x128xf32, #tpu.memory_space<hbm>>
      %dma_start3A_101 = tpu.memref_squeeze %dma_start3A_100 : memref<1x80x128xf32, #tpu.memory_space<hbm>> -> memref<80x128xf32, #tpu.memory_space<hbm>>
      tpu.enqueue_dma source(%arg8 : memref<80x128xf32, #tpu.memory_space<vmem>>) target(%dma_start3A_101 : memref<80x128xf32, #tpu.memory_space<hbm>>) target_semaphore(%run_scoped3A : memref<!tpu.dma_semaphore, #tpu.memory_space<semaphore_mem>>)
      %dma_wait3A_102 = arith.constant 0 : i32
      %dma_wait3A_103 = tpu.memref_slice %arg5[%arg0, %add3A_79, %dma_wait3A_102] : memref<2x10240x128xf32, #tpu.memory_space<hbm>> -> memref<1x80x128xf32, #tpu.memory_space<hbm>>
      %dma_wait3A_104 = tpu.memref_squeeze %dma_wait3A_103 : memref<1x80x128xf32, #tpu.memory_space<hbm>> -> memref<80x128xf32, #tpu.memory_space<hbm>>
      %dma_wait3A_105 = arith.constant 0 : i32
      %dma_wait3A_106 = tpu.memref_slice %arg5[%arg0, %add3A_79, %dma_wait3A_105] : memref<2x10240x128xf32, #tpu.memory_space<hbm>> -> memref<1x80x128xf32, #tpu.memory_space<hbm>>
      %dma_wait3A_107 = tpu.memref_squeeze %dma_wait3A_106 : memref<1x80x128xf32, #tpu.memory_space<hbm>> -> memref<80x128xf32, #tpu.memory_space<hbm>>
      tpu.wait_dma2 semaphore(%run_scoped3A : memref<!tpu.dma_semaphore, #tpu.memory_space<semaphore_mem>>) src(%arg8 : memref<80x128xf32, #tpu.memory_space<vmem>>) dst(%dma_wait3A_107 : memref<80x128xf32, #tpu.memory_space<hbm>>)
      tpu.yield
    }) : () -> ()
    %add3A_80 = arith.constant 320 : i32
    %add3A_81 = arith.addi %mul3A_2, %add3A_80 : i32
    "tpu.region"() ({
      %run_scoped3A = tpu.sem_alloc : memref<!tpu.dma_semaphore, #tpu.memory_space<semaphore_mem>>
      %dma_start3A_96 = arith.constant 0 : i32
      %dma_start3A_97 = tpu.memref_slice %arg13[%add3A_81, %dma_start3A_96] : memref<10240x128xf32, #tpu.memory_space<vmem_shared>> -> memref<80x128xf32, #tpu.memory_space<vmem_shared>>
      %dma_start3A_98 = arith.constant 0 : i32
      %dma_start3A_99 = tpu.memref_slice %arg13[%add3A_81, %dma_start3A_98] : memref<10240x128xf32, #tpu.memory_space<vmem_shared>> -> memref<80x128xf32, #tpu.memory_space<vmem_shared>>
      tpu.enqueue_dma source(%dma_start3A_99 : memref<80x128xf32, #tpu.memory_space<vmem_shared>>) target(%arg8 : memref<80x128xf32, #tpu.memory_space<vmem>>) target_semaphore(%run_scoped3A : memref<!tpu.dma_semaphore, #tpu.memory_space<semaphore_mem>>)
      %dma_wait3A_100 = arith.constant 0 : i32
      %dma_wait3A_101 = tpu.memref_slice %arg13[%add3A_81, %dma_wait3A_100] : memref<10240x128xf32, #tpu.memory_space<vmem_shared>> -> memref<80x128xf32, #tpu.memory_space<vmem_shared>>
      %dma_wait3A_102 = arith.constant 0 : i32
      %dma_wait3A_103 = tpu.memref_slice %arg13[%add3A_81, %dma_wait3A_102] : memref<10240x128xf32, #tpu.memory_space<vmem_shared>> -> memref<80x128xf32, #tpu.memory_space<vmem_shared>>
      tpu.wait_dma2 semaphore(%run_scoped3A : memref<!tpu.dma_semaphore, #tpu.memory_space<semaphore_mem>>) src(%dma_wait3A_103 : memref<80x128xf32, #tpu.memory_space<vmem_shared>>) dst(%arg8 : memref<80x128xf32, #tpu.memory_space<vmem>>)
      tpu.yield
    }) : () -> ()
    %add3A_82 = arith.constant 320 : i32
    %add3A_83 = arith.addi %mul3A_2, %add3A_82 : i32
    "tpu.region"() ({
      %run_scoped3A = tpu.sem_alloc : memref<!tpu.dma_semaphore, #tpu.memory_space<semaphore_mem>>
      %dma_start3A_96 = arith.constant 0 : i32
      %dma_start3A_97 = tpu.memref_slice %arg5[%arg0, %add3A_83, %dma_start3A_96] : memref<2x10240x128xf32, #tpu.memory_space<hbm>> -> memref<1x80x128xf32, #tpu.memory_space<hbm>>
      %dma_start3A_98 = tpu.memref_squeeze %dma_start3A_97 : memref<1x80x128xf32, #tpu.memory_space<hbm>> -> memref<80x128xf32, #tpu.memory_space<hbm>>
      %dma_start3A_99 = arith.constant 0 : i32
      %dma_start3A_100 = tpu.memref_slice %arg5[%arg0, %add3A_83, %dma_start3A_99] : memref<2x10240x128xf32, #tpu.memory_space<hbm>> -> memref<1x80x128xf32, #tpu.memory_space<hbm>>
      %dma_start3A_101 = tpu.memref_squeeze %dma_start3A_100 : memref<1x80x128xf32, #tpu.memory_space<hbm>> -> memref<80x128xf32, #tpu.memory_space<hbm>>
      tpu.enqueue_dma source(%arg8 : memref<80x128xf32, #tpu.memory_space<vmem>>) target(%dma_start3A_101 : memref<80x128xf32, #tpu.memory_space<hbm>>) target_semaphore(%run_scoped3A : memref<!tpu.dma_semaphore, #tpu.memory_space<semaphore_mem>>)
      %dma_wait3A_102 = arith.constant 0 : i32
      %dma_wait3A_103 = tpu.memref_slice %arg5[%arg0, %add3A_83, %dma_wait3A_102] : memref<2x10240x128xf32, #tpu.memory_space<hbm>> -> memref<1x80x128xf32, #tpu.memory_space<hbm>>
      %dma_wait3A_104 = tpu.memref_squeeze %dma_wait3A_103 : memref<1x80x128xf32, #tpu.memory_space<hbm>> -> memref<80x128xf32, #tpu.memory_space<hbm>>
      %dma_wait3A_105 = arith.constant 0 : i32
      %dma_wait3A_106 = tpu.memref_slice %arg5[%arg0, %add3A_83, %dma_wait3A_105] : memref<2x10240x128xf32, #tpu.memory_space<hbm>> -> memref<1x80x128xf32, #tpu.memory_space<hbm>>
      %dma_wait3A_107 = tpu.memref_squeeze %dma_wait3A_106 : memref<1x80x128xf32, #tpu.memory_space<hbm>> -> memref<80x128xf32, #tpu.memory_space<hbm>>
      tpu.wait_dma2 semaphore(%run_scoped3A : memref<!tpu.dma_semaphore, #tpu.memory_space<semaphore_mem>>) src(%arg8 : memref<80x128xf32, #tpu.memory_space<vmem>>) dst(%dma_wait3A_107 : memref<80x128xf32, #tpu.memory_space<hbm>>)
      tpu.yield
    }) : () -> ()
    %add3A_84 = arith.constant 400 : i32
    %add3A_85 = arith.addi %mul3A_2, %add3A_84 : i32
    "tpu.region"() ({
      %run_scoped3A = tpu.sem_alloc : memref<!tpu.dma_semaphore, #tpu.memory_space<semaphore_mem>>
      %dma_start3A_96 = arith.constant 0 : i32
      %dma_start3A_97 = tpu.memref_slice %arg13[%add3A_85, %dma_start3A_96] : memref<10240x128xf32, #tpu.memory_space<vmem_shared>> -> memref<80x128xf32, #tpu.memory_space<vmem_shared>>
      %dma_start3A_98 = arith.constant 0 : i32
      %dma_start3A_99 = tpu.memref_slice %arg13[%add3A_85, %dma_start3A_98] : memref<10240x128xf32, #tpu.memory_space<vmem_shared>> -> memref<80x128xf32, #tpu.memory_space<vmem_shared>>
      tpu.enqueue_dma source(%dma_start3A_99 : memref<80x128xf32, #tpu.memory_space<vmem_shared>>) target(%arg8 : memref<80x128xf32, #tpu.memory_space<vmem>>) target_semaphore(%run_scoped3A : memref<!tpu.dma_semaphore, #tpu.memory_space<semaphore_mem>>)
      %dma_wait3A_100 = arith.constant 0 : i32
      %dma_wait3A_101 = tpu.memref_slice %arg13[%add3A_85, %dma_wait3A_100] : memref<10240x128xf32, #tpu.memory_space<vmem_shared>> -> memref<80x128xf32, #tpu.memory_space<vmem_shared>>
      %dma_wait3A_102 = arith.constant 0 : i32
      %dma_wait3A_103 = tpu.memref_slice %arg13[%add3A_85, %dma_wait3A_102] : memref<10240x128xf32, #tpu.memory_space<vmem_shared>> -> memref<80x128xf32, #tpu.memory_space<vmem_shared>>
      tpu.wait_dma2 semaphore(%run_scoped3A : memref<!tpu.dma_semaphore, #tpu.memory_space<semaphore_mem>>) src(%dma_wait3A_103 : memref<80x128xf32, #tpu.memory_space<vmem_shared>>) dst(%arg8 : memref<80x128xf32, #tpu.memory_space<vmem>>)
      tpu.yield
    }) : () -> ()
    %add3A_86 = arith.constant 400 : i32
    %add3A_87 = arith.addi %mul3A_2, %add3A_86 : i32
    "tpu.region"() ({
      %run_scoped3A = tpu.sem_alloc : memref<!tpu.dma_semaphore, #tpu.memory_space<semaphore_mem>>
      %dma_start3A_96 = arith.constant 0 : i32
      %dma_start3A_97 = tpu.memref_slice %arg5[%arg0, %add3A_87, %dma_start3A_96] : memref<2x10240x128xf32, #tpu.memory_space<hbm>> -> memref<1x80x128xf32, #tpu.memory_space<hbm>>
      %dma_start3A_98 = tpu.memref_squeeze %dma_start3A_97 : memref<1x80x128xf32, #tpu.memory_space<hbm>> -> memref<80x128xf32, #tpu.memory_space<hbm>>
      %dma_start3A_99 = arith.constant 0 : i32
      %dma_start3A_100 = tpu.memref_slice %arg5[%arg0, %add3A_87, %dma_start3A_99] : memref<2x10240x128xf32, #tpu.memory_space<hbm>> -> memref<1x80x128xf32, #tpu.memory_space<hbm>>
      %dma_start3A_101 = tpu.memref_squeeze %dma_start3A_100 : memref<1x80x128xf32, #tpu.memory_space<hbm>> -> memref<80x128xf32, #tpu.memory_space<hbm>>
      tpu.enqueue_dma source(%arg8 : memref<80x128xf32, #tpu.memory_space<vmem>>) target(%dma_start3A_101 : memref<80x128xf32, #tpu.memory_space<hbm>>) target_semaphore(%run_scoped3A : memref<!tpu.dma_semaphore, #tpu.memory_space<semaphore_mem>>)
      %dma_wait3A_102 = arith.constant 0 : i32
      %dma_wait3A_103 = tpu.memref_slice %arg5[%arg0, %add3A_87, %dma_wait3A_102] : memref<2x10240x128xf32, #tpu.memory_space<hbm>> -> memref<1x80x128xf32, #tpu.memory_space<hbm>>
      %dma_wait3A_104 = tpu.memref_squeeze %dma_wait3A_103 : memref<1x80x128xf32, #tpu.memory_space<hbm>> -> memref<80x128xf32, #tpu.memory_space<hbm>>
      %dma_wait3A_105 = arith.constant 0 : i32
      %dma_wait3A_106 = tpu.memref_slice %arg5[%arg0, %add3A_87, %dma_wait3A_105] : memref<2x10240x128xf32, #tpu.memory_space<hbm>> -> memref<1x80x128xf32, #tpu.memory_space<hbm>>
      %dma_wait3A_107 = tpu.memref_squeeze %dma_wait3A_106 : memref<1x80x128xf32, #tpu.memory_space<hbm>> -> memref<80x128xf32, #tpu.memory_space<hbm>>
      tpu.wait_dma2 semaphore(%run_scoped3A : memref<!tpu.dma_semaphore, #tpu.memory_space<semaphore_mem>>) src(%arg8 : memref<80x128xf32, #tpu.memory_space<vmem>>) dst(%dma_wait3A_107 : memref<80x128xf32, #tpu.memory_space<hbm>>)
      tpu.yield
    }) : () -> ()
    %add3A_88 = arith.constant 480 : i32
    %add3A_89 = arith.addi %mul3A_2, %add3A_88 : i32
    "tpu.region"() ({
      %run_scoped3A = tpu.sem_alloc : memref<!tpu.dma_semaphore, #tpu.memory_space<semaphore_mem>>
      %dma_start3A_96 = arith.constant 0 : i32
      %dma_start3A_97 = tpu.memref_slice %arg13[%add3A_89, %dma_start3A_96] : memref<10240x128xf32, #tpu.memory_space<vmem_shared>> -> memref<80x128xf32, #tpu.memory_space<vmem_shared>>
      %dma_start3A_98 = arith.constant 0 : i32
      %dma_start3A_99 = tpu.memref_slice %arg13[%add3A_89, %dma_start3A_98] : memref<10240x128xf32, #tpu.memory_space<vmem_shared>> -> memref<80x128xf32, #tpu.memory_space<vmem_shared>>
      tpu.enqueue_dma source(%dma_start3A_99 : memref<80x128xf32, #tpu.memory_space<vmem_shared>>) target(%arg8 : memref<80x128xf32, #tpu.memory_space<vmem>>) target_semaphore(%run_scoped3A : memref<!tpu.dma_semaphore, #tpu.memory_space<semaphore_mem>>)
      %dma_wait3A_100 = arith.constant 0 : i32
      %dma_wait3A_101 = tpu.memref_slice %arg13[%add3A_89, %dma_wait3A_100] : memref<10240x128xf32, #tpu.memory_space<vmem_shared>> -> memref<80x128xf32, #tpu.memory_space<vmem_shared>>
      %dma_wait3A_102 = arith.constant 0 : i32
      %dma_wait3A_103 = tpu.memref_slice %arg13[%add3A_89, %dma_wait3A_102] : memref<10240x128xf32, #tpu.memory_space<vmem_shared>> -> memref<80x128xf32, #tpu.memory_space<vmem_shared>>
      tpu.wait_dma2 semaphore(%run_scoped3A : memref<!tpu.dma_semaphore, #tpu.memory_space<semaphore_mem>>) src(%dma_wait3A_103 : memref<80x128xf32, #tpu.memory_space<vmem_shared>>) dst(%arg8 : memref<80x128xf32, #tpu.memory_space<vmem>>)
      tpu.yield
    }) : () -> ()
    %add3A_90 = arith.constant 480 : i32
    %add3A_91 = arith.addi %mul3A_2, %add3A_90 : i32
    "tpu.region"() ({
      %run_scoped3A = tpu.sem_alloc : memref<!tpu.dma_semaphore, #tpu.memory_space<semaphore_mem>>
      %dma_start3A_96 = arith.constant 0 : i32
      %dma_start3A_97 = tpu.memref_slice %arg5[%arg0, %add3A_91, %dma_start3A_96] : memref<2x10240x128xf32, #tpu.memory_space<hbm>> -> memref<1x80x128xf32, #tpu.memory_space<hbm>>
      %dma_start3A_98 = tpu.memref_squeeze %dma_start3A_97 : memref<1x80x128xf32, #tpu.memory_space<hbm>> -> memref<80x128xf32, #tpu.memory_space<hbm>>
      %dma_start3A_99 = arith.constant 0 : i32
      %dma_start3A_100 = tpu.memref_slice %arg5[%arg0, %add3A_91, %dma_start3A_99] : memref<2x10240x128xf32, #tpu.memory_space<hbm>> -> memref<1x80x128xf32, #tpu.memory_space<hbm>>
      %dma_start3A_101 = tpu.memref_squeeze %dma_start3A_100 : memref<1x80x128xf32, #tpu.memory_space<hbm>> -> memref<80x128xf32, #tpu.memory_space<hbm>>
      tpu.enqueue_dma source(%arg8 : memref<80x128xf32, #tpu.memory_space<vmem>>) target(%dma_start3A_101 : memref<80x128xf32, #tpu.memory_space<hbm>>) target_semaphore(%run_scoped3A : memref<!tpu.dma_semaphore, #tpu.memory_space<semaphore_mem>>)
      %dma_wait3A_102 = arith.constant 0 : i32
      %dma_wait3A_103 = tpu.memref_slice %arg5[%arg0, %add3A_91, %dma_wait3A_102] : memref<2x10240x128xf32, #tpu.memory_space<hbm>> -> memref<1x80x128xf32, #tpu.memory_space<hbm>>
      %dma_wait3A_104 = tpu.memref_squeeze %dma_wait3A_103 : memref<1x80x128xf32, #tpu.memory_space<hbm>> -> memref<80x128xf32, #tpu.memory_space<hbm>>
      %dma_wait3A_105 = arith.constant 0 : i32
      %dma_wait3A_106 = tpu.memref_slice %arg5[%arg0, %add3A_91, %dma_wait3A_105] : memref<2x10240x128xf32, #tpu.memory_space<hbm>> -> memref<1x80x128xf32, #tpu.memory_space<hbm>>
      %dma_wait3A_107 = tpu.memref_squeeze %dma_wait3A_106 : memref<1x80x128xf32, #tpu.memory_space<hbm>> -> memref<80x128xf32, #tpu.memory_space<hbm>>
      tpu.wait_dma2 semaphore(%run_scoped3A : memref<!tpu.dma_semaphore, #tpu.memory_space<semaphore_mem>>) src(%arg8 : memref<80x128xf32, #tpu.memory_space<vmem>>) dst(%dma_wait3A_107 : memref<80x128xf32, #tpu.memory_space<hbm>>)
      tpu.yield
    }) : () -> ()
    %add3A_92 = arith.constant 560 : i32
    %add3A_93 = arith.addi %mul3A_2, %add3A_92 : i32
    "tpu.region"() ({
      %run_scoped3A = tpu.sem_alloc : memref<!tpu.dma_semaphore, #tpu.memory_space<semaphore_mem>>
      %dma_start3A_96 = arith.constant 0 : i32
      %dma_start3A_97 = tpu.memref_slice %arg13[%add3A_93, %dma_start3A_96] : memref<10240x128xf32, #tpu.memory_space<vmem_shared>> -> memref<80x128xf32, #tpu.memory_space<vmem_shared>>
      %dma_start3A_98 = arith.constant 0 : i32
      %dma_start3A_99 = tpu.memref_slice %arg13[%add3A_93, %dma_start3A_98] : memref<10240x128xf32, #tpu.memory_space<vmem_shared>> -> memref<80x128xf32, #tpu.memory_space<vmem_shared>>
      tpu.enqueue_dma source(%dma_start3A_99 : memref<80x128xf32, #tpu.memory_space<vmem_shared>>) target(%arg8 : memref<80x128xf32, #tpu.memory_space<vmem>>) target_semaphore(%run_scoped3A : memref<!tpu.dma_semaphore, #tpu.memory_space<semaphore_mem>>)
      %dma_wait3A_100 = arith.constant 0 : i32
      %dma_wait3A_101 = tpu.memref_slice %arg13[%add3A_93, %dma_wait3A_100] : memref<10240x128xf32, #tpu.memory_space<vmem_shared>> -> memref<80x128xf32, #tpu.memory_space<vmem_shared>>
      %dma_wait3A_102 = arith.constant 0 : i32
      %dma_wait3A_103 = tpu.memref_slice %arg13[%add3A_93, %dma_wait3A_102] : memref<10240x128xf32, #tpu.memory_space<vmem_shared>> -> memref<80x128xf32, #tpu.memory_space<vmem_shared>>
      tpu.wait_dma2 semaphore(%run_scoped3A : memref<!tpu.dma_semaphore, #tpu.memory_space<semaphore_mem>>) src(%dma_wait3A_103 : memref<80x128xf32, #tpu.memory_space<vmem_shared>>) dst(%arg8 : memref<80x128xf32, #tpu.memory_space<vmem>>)
      tpu.yield
    }) : () -> ()
    %add3A_94 = arith.constant 560 : i32
    %add3A_95 = arith.addi %mul3A_2, %add3A_94 : i32
    "tpu.region"() ({
      %run_scoped3A = tpu.sem_alloc : memref<!tpu.dma_semaphore, #tpu.memory_space<semaphore_mem>>
      %dma_start3A_96 = arith.constant 0 : i32
      %dma_start3A_97 = tpu.memref_slice %arg5[%arg0, %add3A_95, %dma_start3A_96] : memref<2x10240x128xf32, #tpu.memory_space<hbm>> -> memref<1x80x128xf32, #tpu.memory_space<hbm>>
      %dma_start3A_98 = tpu.memref_squeeze %dma_start3A_97 : memref<1x80x128xf32, #tpu.memory_space<hbm>> -> memref<80x128xf32, #tpu.memory_space<hbm>>
      %dma_start3A_99 = arith.constant 0 : i32
      %dma_start3A_100 = tpu.memref_slice %arg5[%arg0, %add3A_95, %dma_start3A_99] : memref<2x10240x128xf32, #tpu.memory_space<hbm>> -> memref<1x80x128xf32, #tpu.memory_space<hbm>>
      %dma_start3A_101 = tpu.memref_squeeze %dma_start3A_100 : memref<1x80x128xf32, #tpu.memory_space<hbm>> -> memref<80x128xf32, #tpu.memory_space<hbm>>
      tpu.enqueue_dma source(%arg8 : memref<80x128xf32, #tpu.memory_space<vmem>>) target(%dma_start3A_101 : memref<80x128xf32, #tpu.memory_space<hbm>>) target_semaphore(%run_scoped3A : memref<!tpu.dma_semaphore, #tpu.memory_space<semaphore_mem>>)
      %dma_wait3A_102 = arith.constant 0 : i32
      %dma_wait3A_103 = tpu.memref_slice %arg5[%arg0, %add3A_95, %dma_wait3A_102] : memref<2x10240x128xf32, #tpu.memory_space<hbm>> -> memref<1x80x128xf32, #tpu.memory_space<hbm>>
      %dma_wait3A_104 = tpu.memref_squeeze %dma_wait3A_103 : memref<1x80x128xf32, #tpu.memory_space<hbm>> -> memref<80x128xf32, #tpu.memory_space<hbm>>
      %dma_wait3A_105 = arith.constant 0 : i32
      %dma_wait3A_106 = tpu.memref_slice %arg5[%arg0, %add3A_95, %dma_wait3A_105] : memref<2x10240x128xf32, #tpu.memory_space<hbm>> -> memref<1x80x128xf32, #tpu.memory_space<hbm>>
      %dma_wait3A_107 = tpu.memref_squeeze %dma_wait3A_106 : memref<1x80x128xf32, #tpu.memory_space<hbm>> -> memref<80x128xf32, #tpu.memory_space<hbm>>
      tpu.wait_dma2 semaphore(%run_scoped3A : memref<!tpu.dma_semaphore, #tpu.memory_space<semaphore_mem>>) src(%arg8 : memref<80x128xf32, #tpu.memory_space<vmem>>) dst(%dma_wait3A_107 : memref<80x128xf32, #tpu.memory_space<hbm>>)
      tpu.yield
    }) : () -> ()
    return
  }
}

#map = affine_map<(d0, d1) -> (0, 0, 0)>
#map1 = affine_map<(d0, d1) -> (0, 0)>
module attributes {stable_mosaic.version = 14 : i64} {
  func.func @deg_kernel(%arg0: i32, %arg1: i32, %arg2: memref<32x125x80xi32, #tpu.memory_space<hbm>>, %arg3: memref<2x10240xf32, #tpu.memory_space<hbm>>, %arg4: memref<125x80xi32, #tpu.memory_space<vmem>>, %arg5: memref<80xf32, #tpu.memory_space<vmem>>, %arg6: memref<640xf32, #tpu.memory_space<vmem>>, %arg7: memref<10240xf32, #tpu.memory_space<vmem_shared>>, %arg8: memref<!tpu.dma_semaphore, #tpu.memory_space<semaphore_mem>>) attributes {dimension_semantics = [#tpu.dimension_semantics<core_parallel>, #tpu.dimension_semantics<subcore_parallel>], iteration_bounds = array<i64: 2, 16>, scalar_prefetch = 0 : i64, scratch_operands = 5 : i64, tpu.core_type = #tpu.core_type<sc_vector_subcore>, window_params = [{transform_indices = #map}, {transform_indices = #map1}]} {
    %mul3A = arith.constant 16 : i32
    %mul3A_0 = arith.muli %arg0, %mul3A : i32
    %add3A = arith.addi %mul3A_0, %arg1 : i32
    %mul3A_1 = arith.constant 640 : i32
    %mul3A_2 = arith.muli %arg1, %mul3A_1 : i32
    %dma_start3A = arith.constant 0 : i32
    %dma_start3A_3 = arith.constant 0 : i32
    %dma_start3A_4 = tpu.memref_slice %arg2[%add3A, %dma_start3A, %dma_start3A_3] : memref<32x125x80xi32, #tpu.memory_space<hbm>> -> memref<1x125x80xi32, #tpu.memory_space<hbm>>
    %dma_start3A_5 = tpu.memref_squeeze %dma_start3A_4 : memref<1x125x80xi32, #tpu.memory_space<hbm>> -> memref<125x80xi32, #tpu.memory_space<hbm>>
    %dma_start3A_6 = arith.constant 0 : i32
    %dma_start3A_7 = arith.constant 0 : i32
    %dma_start3A_8 = tpu.memref_slice %arg2[%add3A, %dma_start3A_6, %dma_start3A_7] : memref<32x125x80xi32, #tpu.memory_space<hbm>> -> memref<1x125x80xi32, #tpu.memory_space<hbm>>
    %dma_start3A_9 = tpu.memref_squeeze %dma_start3A_8 : memref<1x125x80xi32, #tpu.memory_space<hbm>> -> memref<125x80xi32, #tpu.memory_space<hbm>>
    tpu.enqueue_dma source(%dma_start3A_9 : memref<125x80xi32, #tpu.memory_space<hbm>>) target(%arg4 : memref<125x80xi32, #tpu.memory_space<vmem>>) target_semaphore(%arg8 : memref<!tpu.dma_semaphore, #tpu.memory_space<semaphore_mem>>)
    %broadcast_in_dim3A = arith.constant 1.000000e+00 : f32
    %broadcast_in_dim3A_10 = vector.broadcast %broadcast_in_dim3A : f32 to vector<16xf32>
    %broadcast_in_dim3A_11 = arith.constant 0.000000e+00 : f32
    %broadcast_in_dim3A_12 = vector.broadcast %broadcast_in_dim3A_11 : f32 to vector<16xf32>
    %swap3A = arith.constant 0 : index
    %swap3A_13 = tpu.vector_load %arg5[%swap3A] {strides = array<i32>} : memref<80xf32, #tpu.memory_space<vmem>>, vector<16xf32>,
    %swap3A_14 = vector.shape_cast %swap3A_13 : vector<16xf32> to vector<16xf32>
    %swap3A_15 = vector.shape_cast %broadcast_in_dim3A_10 : vector<16xf32> to vector<16xf32>
    tpu.vector_store %arg5[%swap3A], %swap3A_15 {strides = array<i32>} : memref<80xf32, #tpu.memory_space<vmem>>, vector<16xf32>,
    %swap3A_16 = arith.constant 16 : index
    %swap3A_17 = tpu.vector_load %arg5[%swap3A_16] {strides = array<i32>} : memref<80xf32, #tpu.memory_space<vmem>>, vector<16xf32>,
    %swap3A_18 = vector.shape_cast %swap3A_17 : vector<16xf32> to vector<16xf32>
    %swap3A_19 = vector.shape_cast %broadcast_in_dim3A_10 : vector<16xf32> to vector<16xf32>
    tpu.vector_store %arg5[%swap3A_16], %swap3A_19 {strides = array<i32>} : memref<80xf32, #tpu.memory_space<vmem>>, vector<16xf32>,
    %swap3A_20 = arith.constant 32 : index
    %swap3A_21 = tpu.vector_load %arg5[%swap3A_20] {strides = array<i32>} : memref<80xf32, #tpu.memory_space<vmem>>, vector<16xf32>,
    %swap3A_22 = vector.shape_cast %swap3A_21 : vector<16xf32> to vector<16xf32>
    %swap3A_23 = vector.shape_cast %broadcast_in_dim3A_10 : vector<16xf32> to vector<16xf32>
    tpu.vector_store %arg5[%swap3A_20], %swap3A_23 {strides = array<i32>} : memref<80xf32, #tpu.memory_space<vmem>>, vector<16xf32>,
    %swap3A_24 = arith.constant 48 : index
    %swap3A_25 = tpu.vector_load %arg5[%swap3A_24] {strides = array<i32>} : memref<80xf32, #tpu.memory_space<vmem>>, vector<16xf32>,
    %swap3A_26 = vector.shape_cast %swap3A_25 : vector<16xf32> to vector<16xf32>
    %swap3A_27 = vector.shape_cast %broadcast_in_dim3A_10 : vector<16xf32> to vector<16xf32>
    tpu.vector_store %arg5[%swap3A_24], %swap3A_27 {strides = array<i32>} : memref<80xf32, #tpu.memory_space<vmem>>, vector<16xf32>,
    %swap3A_28 = arith.constant 64 : index
    %swap3A_29 = tpu.vector_load %arg5[%swap3A_28] {strides = array<i32>} : memref<80xf32, #tpu.memory_space<vmem>>, vector<16xf32>,
    %swap3A_30 = vector.shape_cast %swap3A_29 : vector<16xf32> to vector<16xf32>
    %swap3A_31 = vector.shape_cast %broadcast_in_dim3A_10 : vector<16xf32> to vector<16xf32>
    tpu.vector_store %arg5[%swap3A_28], %swap3A_31 {strides = array<i32>} : memref<80xf32, #tpu.memory_space<vmem>>, vector<16xf32>,
    %scan3A = arith.constant 0 : i32
    %scan3A_32 = arith.constant 0 : i32
    %scan3A_33 = arith.constant 40 : i32
    %scan3A_34 = arith.addi %scan3A_32, %scan3A_33 : i32
    %scan3A_35 = arith.constant 1 : i32
    %scan3A_36 = scf.for %scan3A_53 = %scan3A_32 to %scan3A_34 step %scan3A_35 iter_args(%scan3A_54 = %scan3A) -> (i32)  : i32 {
      %mul3A_55 = arith.constant 16 : i32
      %mul3A_56 = arith.muli %scan3A_53, %mul3A_55 : i32
      %swap3A_57 = arith.index_cast %mul3A_56 : i32 to index
      %swap3A_58 = tpu.vector_load %arg6[%swap3A_57] {strides = array<i32>} : memref<640xf32, #tpu.memory_space<vmem>>, vector<16xf32>,
      %swap3A_59 = vector.shape_cast %swap3A_58 : vector<16xf32> to vector<16xf32>
      %swap3A_60 = vector.shape_cast %broadcast_in_dim3A_12 : vector<16xf32> to vector<16xf32>
      tpu.vector_store %arg6[%swap3A_57], %swap3A_60 {strides = array<i32>} : memref<640xf32, #tpu.memory_space<vmem>>, vector<16xf32>,
      %scan3A_61 = arith.constant 0 : i32
      scf.yield %scan3A_61 : i32
    }
    %scan3A_37 = arith.constant 40 : i32
    "tpu.region"() ({
      %run_scoped3A = tpu.sem_alloc : memref<!tpu.dma_semaphore, #tpu.memory_space<semaphore_mem>>
      %dma_start3A_53 = tpu.memref_slice %arg7[%mul3A_2] : memref<10240xf32, #tpu.memory_space<vmem_shared>> -> memref<640xf32, #tpu.memory_space<vmem_shared>>
      %dma_start3A_54 = tpu.memref_slice %arg7[%mul3A_2] : memref<10240xf32, #tpu.memory_space<vmem_shared>> -> memref<640xf32, #tpu.memory_space<vmem_shared>>
      tpu.enqueue_dma source(%arg6 : memref<640xf32, #tpu.memory_space<vmem>>) target(%dma_start3A_54 : memref<640xf32, #tpu.memory_space<vmem_shared>>) target_semaphore(%run_scoped3A : memref<!tpu.dma_semaphore, #tpu.memory_space<semaphore_mem>>)
      %dma_wait3A_55 = tpu.memref_slice %arg7[%mul3A_2] : memref<10240xf32, #tpu.memory_space<vmem_shared>> -> memref<640xf32, #tpu.memory_space<vmem_shared>>
      %dma_wait3A_56 = tpu.memref_slice %arg7[%mul3A_2] : memref<10240xf32, #tpu.memory_space<vmem_shared>> -> memref<640xf32, #tpu.memory_space<vmem_shared>>
      tpu.wait_dma2 semaphore(%run_scoped3A : memref<!tpu.dma_semaphore, #tpu.memory_space<semaphore_mem>>) src(%arg6 : memref<640xf32, #tpu.memory_space<vmem>>) dst(%dma_wait3A_56 : memref<640xf32, #tpu.memory_space<vmem_shared>>)
      tpu.yield
    }) : () -> ()
    %dma_wait3A = arith.constant 0 : i32
    %dma_wait3A_38 = arith.constant 0 : i32
    %dma_wait3A_39 = tpu.memref_slice %arg2[%add3A, %dma_wait3A, %dma_wait3A_38] : memref<32x125x80xi32, #tpu.memory_space<hbm>> -> memref<1x125x80xi32, #tpu.memory_space<hbm>>
    %dma_wait3A_40 = tpu.memref_squeeze %dma_wait3A_39 : memref<1x125x80xi32, #tpu.memory_space<hbm>> -> memref<125x80xi32, #tpu.memory_space<hbm>>
    %dma_wait3A_41 = arith.constant 0 : i32
    %dma_wait3A_42 = arith.constant 0 : i32
    %dma_wait3A_43 = tpu.memref_slice %arg2[%add3A, %dma_wait3A_41, %dma_wait3A_42] : memref<32x125x80xi32, #tpu.memory_space<hbm>> -> memref<1x125x80xi32, #tpu.memory_space<hbm>>
    %dma_wait3A_44 = tpu.memref_squeeze %dma_wait3A_43 : memref<1x125x80xi32, #tpu.memory_space<hbm>> -> memref<125x80xi32, #tpu.memory_space<hbm>>
    tpu.wait_dma2 semaphore(%arg8 : memref<!tpu.dma_semaphore, #tpu.memory_space<semaphore_mem>>) src(%dma_wait3A_44 : memref<125x80xi32, #tpu.memory_space<hbm>>) dst(%arg4 : memref<125x80xi32, #tpu.memory_space<vmem>>)
    %barrier3A = arith.constant 0 : index
    tpu.barrier barrier_id(%barrier3A)
    %scan3A_45 = arith.constant 0 : i32
    %scan3A_46 = arith.constant 0 : i32
    %scan3A_47 = arith.constant 125 : i32
    %scan3A_48 = arith.addi %scan3A_46, %scan3A_47 : i32
    %scan3A_49 = arith.constant 1 : i32
    %scan3A_50 = scf.for %scan3A_53 = %scan3A_46 to %scan3A_48 step %scan3A_49 iter_args(%scan3A_54 = %scan3A_45) -> (i32)  : i32 {
      "tpu.region"() ({
        %run_scoped3A = tpu.sem_alloc : memref<!tpu.dma_semaphore, #tpu.memory_space<semaphore_mem>>
        %dma_start3A_56 = arith.constant 0 : i32
        %dma_start3A_57 = tpu.memref_slice %arg4[%scan3A_53, %dma_start3A_56] : memref<125x80xi32, #tpu.memory_space<vmem>> -> memref<1x80xi32, #tpu.memory_space<vmem>>
        %dma_start3A_58 = tpu.memref_squeeze %dma_start3A_57 : memref<1x80xi32, #tpu.memory_space<vmem>> -> memref<80xi32, #tpu.memory_space<vmem>>
        %dma_start3A_59 = arith.constant 0 : i32
        %dma_start3A_60 = tpu.memref_slice %arg7[%dma_start3A_59] : memref<10240xf32, #tpu.memory_space<vmem_shared>> -> memref<10240xf32, #tpu.memory_space<vmem_shared>>
        tpu.enqueue_indirect_dma source(%arg5 : memref<80xf32, #tpu.memory_space<vmem>>) target(%dma_start3A_60 : memref<10240xf32, #tpu.memory_space<vmem_shared>>) offsets(%dma_start3A_58 : memref<80xi32, #tpu.memory_space<vmem>>) semaphore(%run_scoped3A : memref<!tpu.dma_semaphore, #tpu.memory_space<semaphore_mem>>) {add = true}
        %dma_wait3A_61 = arith.constant 0 : i32
        %dma_wait3A_62 = tpu.memref_slice %arg4[%scan3A_53, %dma_wait3A_61] : memref<125x80xi32, #tpu.memory_space<vmem>> -> memref<1x80xi32, #tpu.memory_space<vmem>>
        %dma_wait3A_63 = tpu.memref_squeeze %dma_wait3A_62 : memref<1x80xi32, #tpu.memory_space<vmem>> -> memref<80xi32, #tpu.memory_space<vmem>>
        %dma_wait3A_64 = arith.constant 0 : i32
        %dma_wait3A_65 = tpu.memref_slice %arg7[%dma_wait3A_64] : memref<10240xf32, #tpu.memory_space<vmem_shared>> -> memref<10240xf32, #tpu.memory_space<vmem_shared>>
        tpu.wait_indirect_dma semaphore(%run_scoped3A : memref<!tpu.dma_semaphore, #tpu.memory_space<semaphore_mem>>) src(%arg5 : memref<80xf32, #tpu.memory_space<vmem>>) dst(%dma_wait3A_65 : memref<10240xf32, #tpu.memory_space<vmem_shared>>)
        tpu.yield
      }) : () -> ()
      %scan3A_55 = arith.constant 0 : i32
      scf.yield %scan3A_55 : i32
    }
    %scan3A_51 = arith.constant 125 : i32
    %barrier3A_52 = arith.constant 0 : index
    tpu.barrier barrier_id(%barrier3A_52)
    "tpu.region"() ({
      %run_scoped3A = tpu.sem_alloc : memref<!tpu.dma_semaphore, #tpu.memory_space<semaphore_mem>>
      %dma_start3A_53 = tpu.memref_slice %arg7[%mul3A_2] : memref<10240xf32, #tpu.memory_space<vmem_shared>> -> memref<640xf32, #tpu.memory_space<vmem_shared>>
      %dma_start3A_54 = tpu.memref_slice %arg7[%mul3A_2] : memref<10240xf32, #tpu.memory_space<vmem_shared>> -> memref<640xf32, #tpu.memory_space<vmem_shared>>
      tpu.enqueue_dma source(%dma_start3A_54 : memref<640xf32, #tpu.memory_space<vmem_shared>>) target(%arg6 : memref<640xf32, #tpu.memory_space<vmem>>) target_semaphore(%run_scoped3A : memref<!tpu.dma_semaphore, #tpu.memory_space<semaphore_mem>>)
      %dma_wait3A_55 = tpu.memref_slice %arg7[%mul3A_2] : memref<10240xf32, #tpu.memory_space<vmem_shared>> -> memref<640xf32, #tpu.memory_space<vmem_shared>>
      %dma_wait3A_56 = tpu.memref_slice %arg7[%mul3A_2] : memref<10240xf32, #tpu.memory_space<vmem_shared>> -> memref<640xf32, #tpu.memory_space<vmem_shared>>
      tpu.wait_dma2 semaphore(%run_scoped3A : memref<!tpu.dma_semaphore, #tpu.memory_space<semaphore_mem>>) src(%dma_wait3A_56 : memref<640xf32, #tpu.memory_space<vmem_shared>>) dst(%arg6 : memref<640xf32, #tpu.memory_space<vmem>>)
      tpu.yield
    }) : () -> ()
    "tpu.region"() ({
      %run_scoped3A = tpu.sem_alloc : memref<!tpu.dma_semaphore, #tpu.memory_space<semaphore_mem>>
      %dma_start3A_53 = tpu.memref_slice %arg3[%arg0, %mul3A_2] : memref<2x10240xf32, #tpu.memory_space<hbm>> -> memref<1x640xf32, #tpu.memory_space<hbm>>
      %dma_start3A_54 = tpu.memref_squeeze %dma_start3A_53 : memref<1x640xf32, #tpu.memory_space<hbm>> -> memref<640xf32, #tpu.memory_space<hbm>>
      %dma_start3A_55 = tpu.memref_slice %arg3[%arg0, %mul3A_2] : memref<2x10240xf32, #tpu.memory_space<hbm>> -> memref<1x640xf32, #tpu.memory_space<hbm>>
      %dma_start3A_56 = tpu.memref_squeeze %dma_start3A_55 : memref<1x640xf32, #tpu.memory_space<hbm>> -> memref<640xf32, #tpu.memory_space<hbm>>
      tpu.enqueue_dma source(%arg6 : memref<640xf32, #tpu.memory_space<vmem>>) target(%dma_start3A_56 : memref<640xf32, #tpu.memory_space<hbm>>) target_semaphore(%run_scoped3A : memref<!tpu.dma_semaphore, #tpu.memory_space<semaphore_mem>>)
      %dma_wait3A_57 = tpu.memref_slice %arg3[%arg0, %mul3A_2] : memref<2x10240xf32, #tpu.memory_space<hbm>> -> memref<1x640xf32, #tpu.memory_space<hbm>>
      %dma_wait3A_58 = tpu.memref_squeeze %dma_wait3A_57 : memref<1x640xf32, #tpu.memory_space<hbm>> -> memref<640xf32, #tpu.memory_space<hbm>>
      %dma_wait3A_59 = tpu.memref_slice %arg3[%arg0, %mul3A_2] : memref<2x10240xf32, #tpu.memory_space<hbm>> -> memref<1x640xf32, #tpu.memory_space<hbm>>
      %dma_wait3A_60 = tpu.memref_squeeze %dma_wait3A_59 : memref<1x640xf32, #tpu.memory_space<hbm>> -> memref<640xf32, #tpu.memory_space<hbm>>
      tpu.wait_dma2 semaphore(%run_scoped3A : memref<!tpu.dma_semaphore, #tpu.memory_space<semaphore_mem>>) src(%arg6 : memref<640xf32, #tpu.memory_space<vmem>>) dst(%dma_wait3A_60 : memref<640xf32, #tpu.memory_space<hbm>>)
      tpu.yield
    }) : () -> ()
    return
  }
}

#map = affine_map<(d0, d1) -> (0, 0)>
#map1 = affine_map<(d0, d1) -> (0, 0, 0)>
module attributes {stable_mosaic.version = 14 : i64} {
  func.func @seg_kernel(%arg0: i32, %arg1: i32, %arg2: memref<10000x128xf32, #tpu.memory_space<hbm>>, %arg3: memref<32x125x80xi32, #tpu.memory_space<hbm>>, %arg4: memref<32x125x80xi32, #tpu.memory_space<hbm>>, %arg5: memref<2x10240x128xf32, #tpu.memory_space<hbm>>, %arg6: memref<125x80xi32, #tpu.memory_space<vmem>>, %arg7: memref<125x80xi32, #tpu.memory_space<vmem>>, %arg8: memref<80x128xf32, #tpu.memory_space<vmem>>, %arg9: memref<80x128xf32, #tpu.memory_space<vmem>>, %arg10: memref<80x128xf32, #tpu.memory_space<vmem>>, %arg11: memref<80x128xf32, #tpu.memory_space<vmem>>, %arg12: memref<80x128xf32, #tpu.memory_space<vmem>>, %arg13: memref<10240x128xf32, #tpu.memory_space<vmem_shared>>, %arg14: memref<!tpu.dma_semaphore, #tpu.memory_space<semaphore_mem>>) attributes {dimension_semantics = [#tpu.dimension_semantics<core_parallel>, #tpu.dimension_semantics<subcore_parallel>], iteration_bounds = array<i64: 2, 16>, scalar_prefetch = 0 : i64, scratch_operands = 9 : i64, tpu.core_type = #tpu.core_type<sc_vector_subcore>, window_params = [{transform_indices = #map}, {transform_indices = #map1}, {transform_indices = #map1}, {transform_indices = #map1}]} {
    %mul3A = arith.constant 16 : i32
    %mul3A_0 = arith.muli %arg0, %mul3A : i32
    %add3A = arith.addi %mul3A_0, %arg1 : i32
    %mul3A_1 = arith.constant 640 : i32
    %mul3A_2 = arith.muli %arg1, %mul3A_1 : i32
    %dma_start3A = arith.constant 0 : i32
    %dma_start3A_3 = arith.constant 0 : i32
    %dma_start3A_4 = tpu.memref_slice %arg3[%add3A, %dma_start3A, %dma_start3A_3] : memref<32x125x80xi32, #tpu.memory_space<hbm>> -> memref<1x125x80xi32, #tpu.memory_space<hbm>>
    %dma_start3A_5 = tpu.memref_squeeze %dma_start3A_4 : memref<1x125x80xi32, #tpu.memory_space<hbm>> -> memref<125x80xi32, #tpu.memory_space<hbm>>
    %dma_start3A_6 = arith.constant 0 : i32
    %dma_start3A_7 = arith.constant 0 : i32
    %dma_start3A_8 = tpu.memref_slice %arg3[%add3A, %dma_start3A_6, %dma_start3A_7] : memref<32x125x80xi32, #tpu.memory_space<hbm>> -> memref<1x125x80xi32, #tpu.memory_space<hbm>>
    %dma_start3A_9 = tpu.memref_squeeze %dma_start3A_8 : memref<1x125x80xi32, #tpu.memory_space<hbm>> -> memref<125x80xi32, #tpu.memory_space<hbm>>
    tpu.enqueue_dma source(%dma_start3A_9 : memref<125x80xi32, #tpu.memory_space<hbm>>) target(%arg6 : memref<125x80xi32, #tpu.memory_space<vmem>>) target_semaphore(%arg14 : memref<!tpu.dma_semaphore, #tpu.memory_space<semaphore_mem>>)
    %dma_start3A_10 = arith.constant 0 : i32
    %dma_start3A_11 = arith.constant 0 : i32
    %dma_start3A_12 = tpu.memref_slice %arg4[%add3A, %dma_start3A_10, %dma_start3A_11] : memref<32x125x80xi32, #tpu.memory_space<hbm>> -> memref<1x125x80xi32, #tpu.memory_space<hbm>>
    %dma_start3A_13 = tpu.memref_squeeze %dma_start3A_12 : memref<1x125x80xi32, #tpu.memory_space<hbm>> -> memref<125x80xi32, #tpu.memory_space<hbm>>
    %dma_start3A_14 = arith.constant 0 : i32
    %dma_start3A_15 = arith.constant 0 : i32
    %dma_start3A_16 = tpu.memref_slice %arg4[%add3A, %dma_start3A_14, %dma_start3A_15] : memref<32x125x80xi32, #tpu.memory_space<hbm>> -> memref<1x125x80xi32, #tpu.memory_space<hbm>>
    %dma_start3A_17 = tpu.memref_squeeze %dma_start3A_16 : memref<1x125x80xi32, #tpu.memory_space<hbm>> -> memref<125x80xi32, #tpu.memory_space<hbm>>
    tpu.enqueue_dma source(%dma_start3A_17 : memref<125x80xi32, #tpu.memory_space<hbm>>) target(%arg7 : memref<125x80xi32, #tpu.memory_space<vmem>>) target_semaphore(%arg14 : memref<!tpu.dma_semaphore, #tpu.memory_space<semaphore_mem>>)
    %broadcast_in_dim3A = arith.constant 0.000000e+00 : f32
    %broadcast_in_dim3A_18 = vector.broadcast %broadcast_in_dim3A : f32 to vector<16xf32>
    %scan3A = arith.constant 0 : i32
    %scan3A_19 = arith.constant 0 : i32
    %scan3A_20 = arith.constant 80 : i32
    %scan3A_21 = arith.addi %scan3A_19, %scan3A_20 : i32
    %scan3A_22 = arith.constant 1 : i32
    %scan3A_23 = scf.for %scan3A_96 = %scan3A_19 to %scan3A_21 step %scan3A_22 iter_args(%scan3A_97 = %scan3A) -> (i32)  : i32 {
      %swap3A = arith.index_cast %scan3A_96 : i32 to index
      %swap3A_98 = arith.constant 0 : index
      %swap3A_99 = tpu.vector_load %arg8[%swap3A, %swap3A_98] {strides = array<i32>} : memref<80x128xf32, #tpu.memory_space<vmem>>, vector<1x16xf32>,
      %swap3A_100 = vector.shape_cast %swap3A_99 : vector<1x16xf32> to vector<16xf32>
      %swap3A_101 = vector.shape_cast %broadcast_in_dim3A_18 : vector<16xf32> to vector<1x16xf32>
      tpu.vector_store %arg8[%swap3A, %swap3A_98], %swap3A_101 {strides = array<i32>} : memref<80x128xf32, #tpu.memory_space<vmem>>, vector<1x16xf32>,
      %swap3A_102 = arith.index_cast %scan3A_96 : i32 to index
      %swap3A_103 = arith.constant 16 : index
      %swap3A_104 = tpu.vector_load %arg8[%swap3A_102, %swap3A_103] {strides = array<i32>} : memref<80x128xf32, #tpu.memory_space<vmem>>, vector<1x16xf32>,
      %swap3A_105 = vector.shape_cast %swap3A_104 : vector<1x16xf32> to vector<16xf32>
      %swap3A_106 = vector.shape_cast %broadcast_in_dim3A_18 : vector<16xf32> to vector<1x16xf32>
      tpu.vector_store %arg8[%swap3A_102, %swap3A_103], %swap3A_106 {strides = array<i32>} : memref<80x128xf32, #tpu.memory_space<vmem>>, vector<1x16xf32>,
      %swap3A_107 = arith.index_cast %scan3A_96 : i32 to index
      %swap3A_108 = arith.constant 32 : index
      %swap3A_109 = tpu.vector_load %arg8[%swap3A_107, %swap3A_108] {strides = array<i32>} : memref<80x128xf32, #tpu.memory_space<vmem>>, vector<1x16xf32>,
      %swap3A_110 = vector.shape_cast %swap3A_109 : vector<1x16xf32> to vector<16xf32>
      %swap3A_111 = vector.shape_cast %broadcast_in_dim3A_18 : vector<16xf32> to vector<1x16xf32>
      tpu.vector_store %arg8[%swap3A_107, %swap3A_108], %swap3A_111 {strides = array<i32>} : memref<80x128xf32, #tpu.memory_space<vmem>>, vector<1x16xf32>,
      %swap3A_112 = arith.index_cast %scan3A_96 : i32 to index
      %swap3A_113 = arith.constant 48 : index
      %swap3A_114 = tpu.vector_load %arg8[%swap3A_112, %swap3A_113] {strides = array<i32>} : memref<80x128xf32, #tpu.memory_space<vmem>>, vector<1x16xf32>,
      %swap3A_115 = vector.shape_cast %swap3A_114 : vector<1x16xf32> to vector<16xf32>
      %swap3A_116 = vector.shape_cast %broadcast_in_dim3A_18 : vector<16xf32> to vector<1x16xf32>
      tpu.vector_store %arg8[%swap3A_112, %swap3A_113], %swap3A_116 {strides = array<i32>} : memref<80x128xf32, #tpu.memory_space<vmem>>, vector<1x16xf32>,
      %swap3A_117 = arith.index_cast %scan3A_96 : i32 to index
      %swap3A_118 = arith.constant 64 : index
      %swap3A_119 = tpu.vector_load %arg8[%swap3A_117, %swap3A_118] {strides = array<i32>} : memref<80x128xf32, #tpu.memory_space<vmem>>, vector<1x16xf32>,
      %swap3A_120 = vector.shape_cast %swap3A_119 : vector<1x16xf32> to vector<16xf32>
      %swap3A_121 = vector.shape_cast %broadcast_in_dim3A_18 : vector<16xf32> to vector<1x16xf32>
      tpu.vector_store %arg8[%swap3A_117, %swap3A_118], %swap3A_121 {strides = array<i32>} : memref<80x128xf32, #tpu.memory_space<vmem>>, vector<1x16xf32>,
      %swap3A_122 = arith.index_cast %scan3A_96 : i32 to index
      %swap3A_123 = arith.constant 80 : index
      %swap3A_124 = tpu.vector_load %arg8[%swap3A_122, %swap3A_123] {strides = array<i32>} : memref<80x128xf32, #tpu.memory_space<vmem>>, vector<1x16xf32>,
      %swap3A_125 = vector.shape_cast %swap3A_124 : vector<1x16xf32> to vector<16xf32>
      %swap3A_126 = vector.shape_cast %broadcast_in_dim3A_18 : vector<16xf32> to vector<1x16xf32>
      tpu.vector_store %arg8[%swap3A_122, %swap3A_123], %swap3A_126 {strides = array<i32>} : memref<80x128xf32, #tpu.memory_space<vmem>>, vector<1x16xf32>,
      %swap3A_127 = arith.index_cast %scan3A_96 : i32 to index
      %swap3A_128 = arith.constant 96 : index
      %swap3A_129 = tpu.vector_load %arg8[%swap3A_127, %swap3A_128] {strides = array<i32>} : memref<80x128xf32, #tpu.memory_space<vmem>>, vector<1x16xf32>,
      %swap3A_130 = vector.shape_cast %swap3A_129 : vector<1x16xf32> to vector<16xf32>
      %swap3A_131 = vector.shape_cast %broadcast_in_dim3A_18 : vector<16xf32> to vector<1x16xf32>
      tpu.vector_store %arg8[%swap3A_127, %swap3A_128], %swap3A_131 {strides = array<i32>} : memref<80x128xf32, #tpu.memory_space<vmem>>, vector<1x16xf32>,
      %swap3A_132 = arith.index_cast %scan3A_96 : i32 to index
      %swap3A_133 = arith.constant 112 : index
      %swap3A_134 = tpu.vector_load %arg8[%swap3A_132, %swap3A_133] {strides = array<i32>} : memref<80x128xf32, #tpu.memory_space<vmem>>, vector<1x16xf32>,
      %swap3A_135 = vector.shape_cast %swap3A_134 : vector<1x16xf32> to vector<16xf32>
      %swap3A_136 = vector.shape_cast %broadcast_in_dim3A_18 : vector<16xf32> to vector<1x16xf32>
      tpu.vector_store %arg8[%swap3A_132, %swap3A_133], %swap3A_136 {strides = array<i32>} : memref<80x128xf32, #tpu.memory_space<vmem>>, vector<1x16xf32>,
      %scan3A_137 = arith.constant 0 : i32
      scf.yield %scan3A_137 : i32
    }
    %scan3A_24 = arith.constant 80 : i32
    %add3A_25 = arith.constant 0 : i32
    %add3A_26 = arith.addi %mul3A_2, %add3A_25 : i32
    "tpu.region"() ({
      %run_scoped3A = tpu.sem_alloc : memref<!tpu.dma_semaphore, #tpu.memory_space<semaphore_mem>>
      %dma_start3A_96 = arith.constant 0 : i32
      %dma_start3A_97 = tpu.memref_slice %arg13[%add3A_26, %dma_start3A_96] : memref<10240x128xf32, #tpu.memory_space<vmem_shared>> -> memref<80x128xf32, #tpu.memory_space<vmem_shared>>
      %dma_start3A_98 = arith.constant 0 : i32
      %dma_start3A_99 = tpu.memref_slice %arg13[%add3A_26, %dma_start3A_98] : memref<10240x128xf32, #tpu.memory_space<vmem_shared>> -> memref<80x128xf32, #tpu.memory_space<vmem_shared>>
      tpu.enqueue_dma source(%arg8 : memref<80x128xf32, #tpu.memory_space<vmem>>) target(%dma_start3A_99 : memref<80x128xf32, #tpu.memory_space<vmem_shared>>) target_semaphore(%run_scoped3A : memref<!tpu.dma_semaphore, #tpu.memory_space<semaphore_mem>>)
      %dma_wait3A_100 = arith.constant 0 : i32
      %dma_wait3A_101 = tpu.memref_slice %arg13[%add3A_26, %dma_wait3A_100] : memref<10240x128xf32, #tpu.memory_space<vmem_shared>> -> memref<80x128xf32, #tpu.memory_space<vmem_shared>>
      %dma_wait3A_102 = arith.constant 0 : i32
      %dma_wait3A_103 = tpu.memref_slice %arg13[%add3A_26, %dma_wait3A_102] : memref<10240x128xf32, #tpu.memory_space<vmem_shared>> -> memref<80x128xf32, #tpu.memory_space<vmem_shared>>
      tpu.wait_dma2 semaphore(%run_scoped3A : memref<!tpu.dma_semaphore, #tpu.memory_space<semaphore_mem>>) src(%arg8 : memref<80x128xf32, #tpu.memory_space<vmem>>) dst(%dma_wait3A_103 : memref<80x128xf32, #tpu.memory_space<vmem_shared>>)
      tpu.yield
    }) : () -> ()
    %add3A_27 = arith.constant 80 : i32
    %add3A_28 = arith.addi %mul3A_2, %add3A_27 : i32
    "tpu.region"() ({
      %run_scoped3A = tpu.sem_alloc : memref<!tpu.dma_semaphore, #tpu.memory_space<semaphore_mem>>
      %dma_start3A_96 = arith.constant 0 : i32
      %dma_start3A_97 = tpu.memref_slice %arg13[%add3A_28, %dma_start3A_96] : memref<10240x128xf32, #tpu.memory_space<vmem_shared>> -> memref<80x128xf32, #tpu.memory_space<vmem_shared>>
      %dma_start3A_98 = arith.constant 0 : i32
      %dma_start3A_99 = tpu.memref_slice %arg13[%add3A_28, %dma_start3A_98] : memref<10240x128xf32, #tpu.memory_space<vmem_shared>> -> memref<80x128xf32, #tpu.memory_space<vmem_shared>>
      tpu.enqueue_dma source(%arg8 : memref<80x128xf32, #tpu.memory_space<vmem>>) target(%dma_start3A_99 : memref<80x128xf32, #tpu.memory_space<vmem_shared>>) target_semaphore(%run_scoped3A : memref<!tpu.dma_semaphore, #tpu.memory_space<semaphore_mem>>)
      %dma_wait3A_100 = arith.constant 0 : i32
      %dma_wait3A_101 = tpu.memref_slice %arg13[%add3A_28, %dma_wait3A_100] : memref<10240x128xf32, #tpu.memory_space<vmem_shared>> -> memref<80x128xf32, #tpu.memory_space<vmem_shared>>
      %dma_wait3A_102 = arith.constant 0 : i32
      %dma_wait3A_103 = tpu.memref_slice %arg13[%add3A_28, %dma_wait3A_102] : memref<10240x128xf32, #tpu.memory_space<vmem_shared>> -> memref<80x128xf32, #tpu.memory_space<vmem_shared>>
      tpu.wait_dma2 semaphore(%run_scoped3A : memref<!tpu.dma_semaphore, #tpu.memory_space<semaphore_mem>>) src(%arg8 : memref<80x128xf32, #tpu.memory_space<vmem>>) dst(%dma_wait3A_103 : memref<80x128xf32, #tpu.memory_space<vmem_shared>>)
      tpu.yield
    }) : () -> ()
    %add3A_29 = arith.constant 160 : i32
    %add3A_30 = arith.addi %mul3A_2, %add3A_29 : i32
    "tpu.region"() ({
      %run_scoped3A = tpu.sem_alloc : memref<!tpu.dma_semaphore, #tpu.memory_space<semaphore_mem>>
      %dma_start3A_96 = arith.constant 0 : i32
      %dma_start3A_97 = tpu.memref_slice %arg13[%add3A_30, %dma_start3A_96] : memref<10240x128xf32, #tpu.memory_space<vmem_shared>> -> memref<80x128xf32, #tpu.memory_space<vmem_shared>>
      %dma_start3A_98 = arith.constant 0 : i32
      %dma_start3A_99 = tpu.memref_slice %arg13[%add3A_30, %dma_start3A_98] : memref<10240x128xf32, #tpu.memory_space<vmem_shared>> -> memref<80x128xf32, #tpu.memory_space<vmem_shared>>
      tpu.enqueue_dma source(%arg8 : memref<80x128xf32, #tpu.memory_space<vmem>>) target(%dma_start3A_99 : memref<80x128xf32, #tpu.memory_space<vmem_shared>>) target_semaphore(%run_scoped3A : memref<!tpu.dma_semaphore, #tpu.memory_space<semaphore_mem>>)
      %dma_wait3A_100 = arith.constant 0 : i32
      %dma_wait3A_101 = tpu.memref_slice %arg13[%add3A_30, %dma_wait3A_100] : memref<10240x128xf32, #tpu.memory_space<vmem_shared>> -> memref<80x128xf32, #tpu.memory_space<vmem_shared>>
      %dma_wait3A_102 = arith.constant 0 : i32
      %dma_wait3A_103 = tpu.memref_slice %arg13[%add3A_30, %dma_wait3A_102] : memref<10240x128xf32, #tpu.memory_space<vmem_shared>> -> memref<80x128xf32, #tpu.memory_space<vmem_shared>>
      tpu.wait_dma2 semaphore(%run_scoped3A : memref<!tpu.dma_semaphore, #tpu.memory_space<semaphore_mem>>) src(%arg8 : memref<80x128xf32, #tpu.memory_space<vmem>>) dst(%dma_wait3A_103 : memref<80x128xf32, #tpu.memory_space<vmem_shared>>)
      tpu.yield
    }) : () -> ()
    %add3A_31 = arith.constant 240 : i32
    %add3A_32 = arith.addi %mul3A_2, %add3A_31 : i32
    "tpu.region"() ({
      %run_scoped3A = tpu.sem_alloc : memref<!tpu.dma_semaphore, #tpu.memory_space<semaphore_mem>>
      %dma_start3A_96 = arith.constant 0 : i32
      %dma_start3A_97 = tpu.memref_slice %arg13[%add3A_32, %dma_start3A_96] : memref<10240x128xf32, #tpu.memory_space<vmem_shared>> -> memref<80x128xf32, #tpu.memory_space<vmem_shared>>
      %dma_start3A_98 = arith.constant 0 : i32
      %dma_start3A_99 = tpu.memref_slice %arg13[%add3A_32, %dma_start3A_98] : memref<10240x128xf32, #tpu.memory_space<vmem_shared>> -> memref<80x128xf32, #tpu.memory_space<vmem_shared>>
      tpu.enqueue_dma source(%arg8 : memref<80x128xf32, #tpu.memory_space<vmem>>) target(%dma_start3A_99 : memref<80x128xf32, #tpu.memory_space<vmem_shared>>) target_semaphore(%run_scoped3A : memref<!tpu.dma_semaphore, #tpu.memory_space<semaphore_mem>>)
      %dma_wait3A_100 = arith.constant 0 : i32
      %dma_wait3A_101 = tpu.memref_slice %arg13[%add3A_32, %dma_wait3A_100] : memref<10240x128xf32, #tpu.memory_space<vmem_shared>> -> memref<80x128xf32, #tpu.memory_space<vmem_shared>>
      %dma_wait3A_102 = arith.constant 0 : i32
      %dma_wait3A_103 = tpu.memref_slice %arg13[%add3A_32, %dma_wait3A_102] : memref<10240x128xf32, #tpu.memory_space<vmem_shared>> -> memref<80x128xf32, #tpu.memory_space<vmem_shared>>
      tpu.wait_dma2 semaphore(%run_scoped3A : memref<!tpu.dma_semaphore, #tpu.memory_space<semaphore_mem>>) src(%arg8 : memref<80x128xf32, #tpu.memory_space<vmem>>) dst(%dma_wait3A_103 : memref<80x128xf32, #tpu.memory_space<vmem_shared>>)
      tpu.yield
    }) : () -> ()
    %add3A_33 = arith.constant 320 : i32
    %add3A_34 = arith.addi %mul3A_2, %add3A_33 : i32
    "tpu.region"() ({
      %run_scoped3A = tpu.sem_alloc : memref<!tpu.dma_semaphore, #tpu.memory_space<semaphore_mem>>
      %dma_start3A_96 = arith.constant 0 : i32
      %dma_start3A_97 = tpu.memref_slice %arg13[%add3A_34, %dma_start3A_96] : memref<10240x128xf32, #tpu.memory_space<vmem_shared>> -> memref<80x128xf32, #tpu.memory_space<vmem_shared>>
      %dma_start3A_98 = arith.constant 0 : i32
      %dma_start3A_99 = tpu.memref_slice %arg13[%add3A_34, %dma_start3A_98] : memref<10240x128xf32, #tpu.memory_space<vmem_shared>> -> memref<80x128xf32, #tpu.memory_space<vmem_shared>>
      tpu.enqueue_dma source(%arg8 : memref<80x128xf32, #tpu.memory_space<vmem>>) target(%dma_start3A_99 : memref<80x128xf32, #tpu.memory_space<vmem_shared>>) target_semaphore(%run_scoped3A : memref<!tpu.dma_semaphore, #tpu.memory_space<semaphore_mem>>)
      %dma_wait3A_100 = arith.constant 0 : i32
      %dma_wait3A_101 = tpu.memref_slice %arg13[%add3A_34, %dma_wait3A_100] : memref<10240x128xf32, #tpu.memory_space<vmem_shared>> -> memref<80x128xf32, #tpu.memory_space<vmem_shared>>
      %dma_wait3A_102 = arith.constant 0 : i32
      %dma_wait3A_103 = tpu.memref_slice %arg13[%add3A_34, %dma_wait3A_102] : memref<10240x128xf32, #tpu.memory_space<vmem_shared>> -> memref<80x128xf32, #tpu.memory_space<vmem_shared>>
      tpu.wait_dma2 semaphore(%run_scoped3A : memref<!tpu.dma_semaphore, #tpu.memory_space<semaphore_mem>>) src(%arg8 : memref<80x128xf32, #tpu.memory_space<vmem>>) dst(%dma_wait3A_103 : memref<80x128xf32, #tpu.memory_space<vmem_shared>>)
      tpu.yield
    }) : () -> ()
    %add3A_35 = arith.constant 400 : i32
    %add3A_36 = arith.addi %mul3A_2, %add3A_35 : i32
    "tpu.region"() ({
      %run_scoped3A = tpu.sem_alloc : memref<!tpu.dma_semaphore, #tpu.memory_space<semaphore_mem>>
      %dma_start3A_96 = arith.constant 0 : i32
      %dma_start3A_97 = tpu.memref_slice %arg13[%add3A_36, %dma_start3A_96] : memref<10240x128xf32, #tpu.memory_space<vmem_shared>> -> memref<80x128xf32, #tpu.memory_space<vmem_shared>>
      %dma_start3A_98 = arith.constant 0 : i32
      %dma_start3A_99 = tpu.memref_slice %arg13[%add3A_36, %dma_start3A_98] : memref<10240x128xf32, #tpu.memory_space<vmem_shared>> -> memref<80x128xf32, #tpu.memory_space<vmem_shared>>
      tpu.enqueue_dma source(%arg8 : memref<80x128xf32, #tpu.memory_space<vmem>>) target(%dma_start3A_99 : memref<80x128xf32, #tpu.memory_space<vmem_shared>>) target_semaphore(%run_scoped3A : memref<!tpu.dma_semaphore, #tpu.memory_space<semaphore_mem>>)
      %dma_wait3A_100 = arith.constant 0 : i32
      %dma_wait3A_101 = tpu.memref_slice %arg13[%add3A_36, %dma_wait3A_100] : memref<10240x128xf32, #tpu.memory_space<vmem_shared>> -> memref<80x128xf32, #tpu.memory_space<vmem_shared>>
      %dma_wait3A_102 = arith.constant 0 : i32
      %dma_wait3A_103 = tpu.memref_slice %arg13[%add3A_36, %dma_wait3A_102] : memref<10240x128xf32, #tpu.memory_space<vmem_shared>> -> memref<80x128xf32, #tpu.memory_space<vmem_shared>>
      tpu.wait_dma2 semaphore(%run_scoped3A : memref<!tpu.dma_semaphore, #tpu.memory_space<semaphore_mem>>) src(%arg8 : memref<80x128xf32, #tpu.memory_space<vmem>>) dst(%dma_wait3A_103 : memref<80x128xf32, #tpu.memory_space<vmem_shared>>)
      tpu.yield
    }) : () -> ()
    %add3A_37 = arith.constant 480 : i32
    %add3A_38 = arith.addi %mul3A_2, %add3A_37 : i32
    "tpu.region"() ({
      %run_scoped3A = tpu.sem_alloc : memref<!tpu.dma_semaphore, #tpu.memory_space<semaphore_mem>>
      %dma_start3A_96 = arith.constant 0 : i32
      %dma_start3A_97 = tpu.memref_slice %arg13[%add3A_38, %dma_start3A_96] : memref<10240x128xf32, #tpu.memory_space<vmem_shared>> -> memref<80x128xf32, #tpu.memory_space<vmem_shared>>
      %dma_start3A_98 = arith.constant 0 : i32
      %dma_start3A_99 = tpu.memref_slice %arg13[%add3A_38, %dma_start3A_98] : memref<10240x128xf32, #tpu.memory_space<vmem_shared>> -> memref<80x128xf32, #tpu.memory_space<vmem_shared>>
      tpu.enqueue_dma source(%arg8 : memref<80x128xf32, #tpu.memory_space<vmem>>) target(%dma_start3A_99 : memref<80x128xf32, #tpu.memory_space<vmem_shared>>) target_semaphore(%run_scoped3A : memref<!tpu.dma_semaphore, #tpu.memory_space<semaphore_mem>>)
      %dma_wait3A_100 = arith.constant 0 : i32
      %dma_wait3A_101 = tpu.memref_slice %arg13[%add3A_38, %dma_wait3A_100] : memref<10240x128xf32, #tpu.memory_space<vmem_shared>> -> memref<80x128xf32, #tpu.memory_space<vmem_shared>>
      %dma_wait3A_102 = arith.constant 0 : i32
      %dma_wait3A_103 = tpu.memref_slice %arg13[%add3A_38, %dma_wait3A_102] : memref<10240x128xf32, #tpu.memory_space<vmem_shared>> -> memref<80x128xf32, #tpu.memory_space<vmem_shared>>
      tpu.wait_dma2 semaphore(%run_scoped3A : memref<!tpu.dma_semaphore, #tpu.memory_space<semaphore_mem>>) src(%arg8 : memref<80x128xf32, #tpu.memory_space<vmem>>) dst(%dma_wait3A_103 : memref<80x128xf32, #tpu.memory_space<vmem_shared>>)
      tpu.yield
    }) : () -> ()
    %add3A_39 = arith.constant 560 : i32
    %add3A_40 = arith.addi %mul3A_2, %add3A_39 : i32
    "tpu.region"() ({
      %run_scoped3A = tpu.sem_alloc : memref<!tpu.dma_semaphore, #tpu.memory_space<semaphore_mem>>
      %dma_start3A_96 = arith.constant 0 : i32
      %dma_start3A_97 = tpu.memref_slice %arg13[%add3A_40, %dma_start3A_96] : memref<10240x128xf32, #tpu.memory_space<vmem_shared>> -> memref<80x128xf32, #tpu.memory_space<vmem_shared>>
      %dma_start3A_98 = arith.constant 0 : i32
      %dma_start3A_99 = tpu.memref_slice %arg13[%add3A_40, %dma_start3A_98] : memref<10240x128xf32, #tpu.memory_space<vmem_shared>> -> memref<80x128xf32, #tpu.memory_space<vmem_shared>>
      tpu.enqueue_dma source(%arg8 : memref<80x128xf32, #tpu.memory_space<vmem>>) target(%dma_start3A_99 : memref<80x128xf32, #tpu.memory_space<vmem_shared>>) target_semaphore(%run_scoped3A : memref<!tpu.dma_semaphore, #tpu.memory_space<semaphore_mem>>)
      %dma_wait3A_100 = arith.constant 0 : i32
      %dma_wait3A_101 = tpu.memref_slice %arg13[%add3A_40, %dma_wait3A_100] : memref<10240x128xf32, #tpu.memory_space<vmem_shared>> -> memref<80x128xf32, #tpu.memory_space<vmem_shared>>
      %dma_wait3A_102 = arith.constant 0 : i32
      %dma_wait3A_103 = tpu.memref_slice %arg13[%add3A_40, %dma_wait3A_102] : memref<10240x128xf32, #tpu.memory_space<vmem_shared>> -> memref<80x128xf32, #tpu.memory_space<vmem_shared>>
      tpu.wait_dma2 semaphore(%run_scoped3A : memref<!tpu.dma_semaphore, #tpu.memory_space<semaphore_mem>>) src(%arg8 : memref<80x128xf32, #tpu.memory_space<vmem>>) dst(%dma_wait3A_103 : memref<80x128xf32, #tpu.memory_space<vmem_shared>>)
      tpu.yield
    }) : () -> ()
    %dma_wait3A = arith.constant 0 : i32
    %dma_wait3A_41 = arith.constant 0 : i32
    %dma_wait3A_42 = tpu.memref_slice %arg3[%add3A, %dma_wait3A, %dma_wait3A_41] : memref<32x125x80xi32, #tpu.memory_space<hbm>> -> memref<1x125x80xi32, #tpu.memory_space<hbm>>
    %dma_wait3A_43 = tpu.memref_squeeze %dma_wait3A_42 : memref<1x125x80xi32, #tpu.memory_space<hbm>> -> memref<125x80xi32, #tpu.memory_space<hbm>>
    %dma_wait3A_44 = arith.constant 0 : i32
    %dma_wait3A_45 = arith.constant 0 : i32
    %dma_wait3A_46 = tpu.memref_slice %arg3[%add3A, %dma_wait3A_44, %dma_wait3A_45] : memref<32x125x80xi32, #tpu.memory_space<hbm>> -> memref<1x125x80xi32, #tpu.memory_space<hbm>>
    %dma_wait3A_47 = tpu.memref_squeeze %dma_wait3A_46 : memref<1x125x80xi32, #tpu.memory_space<hbm>> -> memref<125x80xi32, #tpu.memory_space<hbm>>
    tpu.wait_dma2 semaphore(%arg14 : memref<!tpu.dma_semaphore, #tpu.memory_space<semaphore_mem>>) src(%dma_wait3A_47 : memref<125x80xi32, #tpu.memory_space<hbm>>) dst(%arg6 : memref<125x80xi32, #tpu.memory_space<vmem>>)
    %dma_wait3A_48 = arith.constant 0 : i32
    %dma_wait3A_49 = arith.constant 0 : i32
    %dma_wait3A_50 = tpu.memref_slice %arg4[%add3A, %dma_wait3A_48, %dma_wait3A_49] : memref<32x125x80xi32, #tpu.memory_space<hbm>> -> memref<1x125x80xi32, #tpu.memory_space<hbm>>
    %dma_wait3A_51 = tpu.memref_squeeze %dma_wait3A_50 : memref<1x125x80xi32, #tpu.memory_space<hbm>> -> memref<125x80xi32, #tpu.memory_space<hbm>>
    %dma_wait3A_52 = arith.constant 0 : i32
    %dma_wait3A_53 = arith.constant 0 : i32
    %dma_wait3A_54 = tpu.memref_slice %arg4[%add3A, %dma_wait3A_52, %dma_wait3A_53] : memref<32x125x80xi32, #tpu.memory_space<hbm>> -> memref<1x125x80xi32, #tpu.memory_space<hbm>>
    %dma_wait3A_55 = tpu.memref_squeeze %dma_wait3A_54 : memref<1x125x80xi32, #tpu.memory_space<hbm>> -> memref<125x80xi32, #tpu.memory_space<hbm>>
    tpu.wait_dma2 semaphore(%arg14 : memref<!tpu.dma_semaphore, #tpu.memory_space<semaphore_mem>>) src(%dma_wait3A_55 : memref<125x80xi32, #tpu.memory_space<hbm>>) dst(%arg7 : memref<125x80xi32, #tpu.memory_space<vmem>>)
    %barrier3A = arith.constant 0 : index
    tpu.barrier barrier_id(%barrier3A)
    %scan3A_56 = arith.constant 0 : i32
    %scan3A_57 = arith.constant 0 : i32
    %scan3A_58 = arith.constant 125 : i32
    %scan3A_59 = arith.addi %scan3A_57, %scan3A_58 : i32
    %scan3A_60 = arith.constant 1 : i32
    %scan3A_61 = scf.for %scan3A_96 = %scan3A_57 to %scan3A_59 step %scan3A_60 iter_args(%scan3A_97 = %scan3A_56) -> (i32)  : i32 {
      %dma_start3A_98 = arith.constant 0 : i32
      %dma_start3A_99 = tpu.memref_slice %arg6[%scan3A_96, %dma_start3A_98] : memref<125x80xi32, #tpu.memory_space<vmem>> -> memref<1x80xi32, #tpu.memory_space<vmem>>
      %dma_start3A_100 = tpu.memref_squeeze %dma_start3A_99 : memref<1x80xi32, #tpu.memory_space<vmem>> -> memref<80xi32, #tpu.memory_space<vmem>>
      %dma_start3A_101 = arith.constant 0 : i32
      %dma_start3A_102 = arith.constant 0 : i32
      %dma_start3A_103 = tpu.memref_slice %arg2[%dma_start3A_101, %dma_start3A_102] : memref<10000x128xf32, #tpu.memory_space<hbm>> -> memref<10000x128xf32, #tpu.memory_space<hbm>>
      tpu.enqueue_indirect_dma source(%dma_start3A_103 : memref<10000x128xf32, #tpu.memory_space<hbm>>) target(%arg8 : memref<80x128xf32, #tpu.memory_space<vmem>>) offsets(%dma_start3A_100 : memref<80xi32, #tpu.memory_space<vmem>>) semaphore(%arg14 : memref<!tpu.dma_semaphore, #tpu.memory_space<semaphore_mem>>)
      %dma_wait3A_104 = arith.constant 0 : i32
      %dma_wait3A_105 = tpu.memref_slice %arg6[%scan3A_96, %dma_wait3A_104] : memref<125x80xi32, #tpu.memory_space<vmem>> -> memref<1x80xi32, #tpu.memory_space<vmem>>
      %dma_wait3A_106 = tpu.memref_squeeze %dma_wait3A_105 : memref<1x80xi32, #tpu.memory_space<vmem>> -> memref<80xi32, #tpu.memory_space<vmem>>
      %dma_wait3A_107 = arith.constant 0 : i32
      %dma_wait3A_108 = arith.constant 0 : i32
      %dma_wait3A_109 = tpu.memref_slice %arg2[%dma_wait3A_107, %dma_wait3A_108] : memref<10000x128xf32, #tpu.memory_space<hbm>> -> memref<10000x128xf32, #tpu.memory_space<hbm>>
      tpu.wait_indirect_dma semaphore(%arg14 : memref<!tpu.dma_semaphore, #tpu.memory_space<semaphore_mem>>) src(%dma_wait3A_109 : memref<10000x128xf32, #tpu.memory_space<hbm>>) dst(%arg8 : memref<80x128xf32, #tpu.memory_space<vmem>>)
      %dma_start3A_110 = arith.constant 0 : i32
      %dma_start3A_111 = tpu.memref_slice %arg7[%scan3A_96, %dma_start3A_110] : memref<125x80xi32, #tpu.memory_space<vmem>> -> memref<1x80xi32, #tpu.memory_space<vmem>>
      %dma_start3A_112 = tpu.memref_squeeze %dma_start3A_111 : memref<1x80xi32, #tpu.memory_space<vmem>> -> memref<80xi32, #tpu.memory_space<vmem>>
      %dma_start3A_113 = arith.constant 0 : i32
      %dma_start3A_114 = arith.constant 0 : i32
      %dma_start3A_115 = tpu.memref_slice %arg13[%dma_start3A_113, %dma_start3A_114] : memref<10240x128xf32, #tpu.memory_space<vmem_shared>> -> memref<10240x128xf32, #tpu.memory_space<vmem_shared>>
      tpu.enqueue_indirect_dma source(%arg8 : memref<80x128xf32, #tpu.memory_space<vmem>>) target(%dma_start3A_115 : memref<10240x128xf32, #tpu.memory_space<vmem_shared>>) offsets(%dma_start3A_112 : memref<80xi32, #tpu.memory_space<vmem>>) semaphore(%arg14 : memref<!tpu.dma_semaphore, #tpu.memory_space<semaphore_mem>>) {add = true}
      %dma_wait3A_116 = arith.constant 0 : i32
      %dma_wait3A_117 = tpu.memref_slice %arg7[%scan3A_96, %dma_wait3A_116] : memref<125x80xi32, #tpu.memory_space<vmem>> -> memref<1x80xi32, #tpu.memory_space<vmem>>
      %dma_wait3A_118 = tpu.memref_squeeze %dma_wait3A_117 : memref<1x80xi32, #tpu.memory_space<vmem>> -> memref<80xi32, #tpu.memory_space<vmem>>
      %dma_wait3A_119 = arith.constant 0 : i32
      %dma_wait3A_120 = arith.constant 0 : i32
      %dma_wait3A_121 = tpu.memref_slice %arg13[%dma_wait3A_119, %dma_wait3A_120] : memref<10240x128xf32, #tpu.memory_space<vmem_shared>> -> memref<10240x128xf32, #tpu.memory_space<vmem_shared>>
      tpu.wait_indirect_dma semaphore(%arg14 : memref<!tpu.dma_semaphore, #tpu.memory_space<semaphore_mem>>) src(%arg8 : memref<80x128xf32, #tpu.memory_space<vmem>>) dst(%dma_wait3A_121 : memref<10240x128xf32, #tpu.memory_space<vmem_shared>>)
      %scan3A_122 = arith.constant 0 : i32
      scf.yield %scan3A_122 : i32
    }
    %scan3A_62 = arith.constant 125 : i32
    %barrier3A_63 = arith.constant 0 : index
    tpu.barrier barrier_id(%barrier3A_63)
    %add3A_64 = arith.constant 0 : i32
    %add3A_65 = arith.addi %mul3A_2, %add3A_64 : i32
    "tpu.region"() ({
      %run_scoped3A = tpu.sem_alloc : memref<!tpu.dma_semaphore, #tpu.memory_space<semaphore_mem>>
      %dma_start3A_96 = arith.constant 0 : i32
      %dma_start3A_97 = tpu.memref_slice %arg13[%add3A_65, %dma_start3A_96] : memref<10240x128xf32, #tpu.memory_space<vmem_shared>> -> memref<80x128xf32, #tpu.memory_space<vmem_shared>>
      %dma_start3A_98 = arith.constant 0 : i32
      %dma_start3A_99 = tpu.memref_slice %arg13[%add3A_65, %dma_start3A_98] : memref<10240x128xf32, #tpu.memory_space<vmem_shared>> -> memref<80x128xf32, #tpu.memory_space<vmem_shared>>
      tpu.enqueue_dma source(%dma_start3A_99 : memref<80x128xf32, #tpu.memory_space<vmem_shared>>) target(%arg8 : memref<80x128xf32, #tpu.memory_space<vmem>>) target_semaphore(%run_scoped3A : memref<!tpu.dma_semaphore, #tpu.memory_space<semaphore_mem>>)
      %dma_wait3A_100 = arith.constant 0 : i32
      %dma_wait3A_101 = tpu.memref_slice %arg13[%add3A_65, %dma_wait3A_100] : memref<10240x128xf32, #tpu.memory_space<vmem_shared>> -> memref<80x128xf32, #tpu.memory_space<vmem_shared>>
      %dma_wait3A_102 = arith.constant 0 : i32
      %dma_wait3A_103 = tpu.memref_slice %arg13[%add3A_65, %dma_wait3A_102] : memref<10240x128xf32, #tpu.memory_space<vmem_shared>> -> memref<80x128xf32, #tpu.memory_space<vmem_shared>>
      tpu.wait_dma2 semaphore(%run_scoped3A : memref<!tpu.dma_semaphore, #tpu.memory_space<semaphore_mem>>) src(%dma_wait3A_103 : memref<80x128xf32, #tpu.memory_space<vmem_shared>>) dst(%arg8 : memref<80x128xf32, #tpu.memory_space<vmem>>)
      tpu.yield
    }) : () -> ()
    %add3A_66 = arith.constant 0 : i32
    %add3A_67 = arith.addi %mul3A_2, %add3A_66 : i32
    "tpu.region"() ({
      %run_scoped3A = tpu.sem_alloc : memref<!tpu.dma_semaphore, #tpu.memory_space<semaphore_mem>>
      %dma_start3A_96 = arith.constant 0 : i32
      %dma_start3A_97 = tpu.memref_slice %arg5[%arg0, %add3A_67, %dma_start3A_96] : memref<2x10240x128xf32, #tpu.memory_space<hbm>> -> memref<1x80x128xf32, #tpu.memory_space<hbm>>
      %dma_start3A_98 = tpu.memref_squeeze %dma_start3A_97 : memref<1x80x128xf32, #tpu.memory_space<hbm>> -> memref<80x128xf32, #tpu.memory_space<hbm>>
      %dma_start3A_99 = arith.constant 0 : i32
      %dma_start3A_100 = tpu.memref_slice %arg5[%arg0, %add3A_67, %dma_start3A_99] : memref<2x10240x128xf32, #tpu.memory_space<hbm>> -> memref<1x80x128xf32, #tpu.memory_space<hbm>>
      %dma_start3A_101 = tpu.memref_squeeze %dma_start3A_100 : memref<1x80x128xf32, #tpu.memory_space<hbm>> -> memref<80x128xf32, #tpu.memory_space<hbm>>
      tpu.enqueue_dma source(%arg8 : memref<80x128xf32, #tpu.memory_space<vmem>>) target(%dma_start3A_101 : memref<80x128xf32, #tpu.memory_space<hbm>>) target_semaphore(%run_scoped3A : memref<!tpu.dma_semaphore, #tpu.memory_space<semaphore_mem>>)
      %dma_wait3A_102 = arith.constant 0 : i32
      %dma_wait3A_103 = tpu.memref_slice %arg5[%arg0, %add3A_67, %dma_wait3A_102] : memref<2x10240x128xf32, #tpu.memory_space<hbm>> -> memref<1x80x128xf32, #tpu.memory_space<hbm>>
      %dma_wait3A_104 = tpu.memref_squeeze %dma_wait3A_103 : memref<1x80x128xf32, #tpu.memory_space<hbm>> -> memref<80x128xf32, #tpu.memory_space<hbm>>
      %dma_wait3A_105 = arith.constant 0 : i32
      %dma_wait3A_106 = tpu.memref_slice %arg5[%arg0, %add3A_67, %dma_wait3A_105] : memref<2x10240x128xf32, #tpu.memory_space<hbm>> -> memref<1x80x128xf32, #tpu.memory_space<hbm>>
      %dma_wait3A_107 = tpu.memref_squeeze %dma_wait3A_106 : memref<1x80x128xf32, #tpu.memory_space<hbm>> -> memref<80x128xf32, #tpu.memory_space<hbm>>
      tpu.wait_dma2 semaphore(%run_scoped3A : memref<!tpu.dma_semaphore, #tpu.memory_space<semaphore_mem>>) src(%arg8 : memref<80x128xf32, #tpu.memory_space<vmem>>) dst(%dma_wait3A_107 : memref<80x128xf32, #tpu.memory_space<hbm>>)
      tpu.yield
    }) : () -> ()
    %add3A_68 = arith.constant 80 : i32
    %add3A_69 = arith.addi %mul3A_2, %add3A_68 : i32
    "tpu.region"() ({
      %run_scoped3A = tpu.sem_alloc : memref<!tpu.dma_semaphore, #tpu.memory_space<semaphore_mem>>
      %dma_start3A_96 = arith.constant 0 : i32
      %dma_start3A_97 = tpu.memref_slice %arg13[%add3A_69, %dma_start3A_96] : memref<10240x128xf32, #tpu.memory_space<vmem_shared>> -> memref<80x128xf32, #tpu.memory_space<vmem_shared>>
      %dma_start3A_98 = arith.constant 0 : i32
      %dma_start3A_99 = tpu.memref_slice %arg13[%add3A_69, %dma_start3A_98] : memref<10240x128xf32, #tpu.memory_space<vmem_shared>> -> memref<80x128xf32, #tpu.memory_space<vmem_shared>>
      tpu.enqueue_dma source(%dma_start3A_99 : memref<80x128xf32, #tpu.memory_space<vmem_shared>>) target(%arg8 : memref<80x128xf32, #tpu.memory_space<vmem>>) target_semaphore(%run_scoped3A : memref<!tpu.dma_semaphore, #tpu.memory_space<semaphore_mem>>)
      %dma_wait3A_100 = arith.constant 0 : i32
      %dma_wait3A_101 = tpu.memref_slice %arg13[%add3A_69, %dma_wait3A_100] : memref<10240x128xf32, #tpu.memory_space<vmem_shared>> -> memref<80x128xf32, #tpu.memory_space<vmem_shared>>
      %dma_wait3A_102 = arith.constant 0 : i32
      %dma_wait3A_103 = tpu.memref_slice %arg13[%add3A_69, %dma_wait3A_102] : memref<10240x128xf32, #tpu.memory_space<vmem_shared>> -> memref<80x128xf32, #tpu.memory_space<vmem_shared>>
      tpu.wait_dma2 semaphore(%run_scoped3A : memref<!tpu.dma_semaphore, #tpu.memory_space<semaphore_mem>>) src(%dma_wait3A_103 : memref<80x128xf32, #tpu.memory_space<vmem_shared>>) dst(%arg8 : memref<80x128xf32, #tpu.memory_space<vmem>>)
      tpu.yield
    }) : () -> ()
    %add3A_70 = arith.constant 80 : i32
    %add3A_71 = arith.addi %mul3A_2, %add3A_70 : i32
    "tpu.region"() ({
      %run_scoped3A = tpu.sem_alloc : memref<!tpu.dma_semaphore, #tpu.memory_space<semaphore_mem>>
      %dma_start3A_96 = arith.constant 0 : i32
      %dma_start3A_97 = tpu.memref_slice %arg5[%arg0, %add3A_71, %dma_start3A_96] : memref<2x10240x128xf32, #tpu.memory_space<hbm>> -> memref<1x80x128xf32, #tpu.memory_space<hbm>>
      %dma_start3A_98 = tpu.memref_squeeze %dma_start3A_97 : memref<1x80x128xf32, #tpu.memory_space<hbm>> -> memref<80x128xf32, #tpu.memory_space<hbm>>
      %dma_start3A_99 = arith.constant 0 : i32
      %dma_start3A_100 = tpu.memref_slice %arg5[%arg0, %add3A_71, %dma_start3A_99] : memref<2x10240x128xf32, #tpu.memory_space<hbm>> -> memref<1x80x128xf32, #tpu.memory_space<hbm>>
      %dma_start3A_101 = tpu.memref_squeeze %dma_start3A_100 : memref<1x80x128xf32, #tpu.memory_space<hbm>> -> memref<80x128xf32, #tpu.memory_space<hbm>>
      tpu.enqueue_dma source(%arg8 : memref<80x128xf32, #tpu.memory_space<vmem>>) target(%dma_start3A_101 : memref<80x128xf32, #tpu.memory_space<hbm>>) target_semaphore(%run_scoped3A : memref<!tpu.dma_semaphore, #tpu.memory_space<semaphore_mem>>)
      %dma_wait3A_102 = arith.constant 0 : i32
      %dma_wait3A_103 = tpu.memref_slice %arg5[%arg0, %add3A_71, %dma_wait3A_102] : memref<2x10240x128xf32, #tpu.memory_space<hbm>> -> memref<1x80x128xf32, #tpu.memory_space<hbm>>
      %dma_wait3A_104 = tpu.memref_squeeze %dma_wait3A_103 : memref<1x80x128xf32, #tpu.memory_space<hbm>> -> memref<80x128xf32, #tpu.memory_space<hbm>>
      %dma_wait3A_105 = arith.constant 0 : i32
      %dma_wait3A_106 = tpu.memref_slice %arg5[%arg0, %add3A_71, %dma_wait3A_105] : memref<2x10240x128xf32, #tpu.memory_space<hbm>> -> memref<1x80x128xf32, #tpu.memory_space<hbm>>
      %dma_wait3A_107 = tpu.memref_squeeze %dma_wait3A_106 : memref<1x80x128xf32, #tpu.memory_space<hbm>> -> memref<80x128xf32, #tpu.memory_space<hbm>>
      tpu.wait_dma2 semaphore(%run_scoped3A : memref<!tpu.dma_semaphore, #tpu.memory_space<semaphore_mem>>) src(%arg8 : memref<80x128xf32, #tpu.memory_space<vmem>>) dst(%dma_wait3A_107 : memref<80x128xf32, #tpu.memory_space<hbm>>)
      tpu.yield
    }) : () -> ()
    %add3A_72 = arith.constant 160 : i32
    %add3A_73 = arith.addi %mul3A_2, %add3A_72 : i32
    "tpu.region"() ({
      %run_scoped3A = tpu.sem_alloc : memref<!tpu.dma_semaphore, #tpu.memory_space<semaphore_mem>>
      %dma_start3A_96 = arith.constant 0 : i32
      %dma_start3A_97 = tpu.memref_slice %arg13[%add3A_73, %dma_start3A_96] : memref<10240x128xf32, #tpu.memory_space<vmem_shared>> -> memref<80x128xf32, #tpu.memory_space<vmem_shared>>
      %dma_start3A_98 = arith.constant 0 : i32
      %dma_start3A_99 = tpu.memref_slice %arg13[%add3A_73, %dma_start3A_98] : memref<10240x128xf32, #tpu.memory_space<vmem_shared>> -> memref<80x128xf32, #tpu.memory_space<vmem_shared>>
      tpu.enqueue_dma source(%dma_start3A_99 : memref<80x128xf32, #tpu.memory_space<vmem_shared>>) target(%arg8 : memref<80x128xf32, #tpu.memory_space<vmem>>) target_semaphore(%run_scoped3A : memref<!tpu.dma_semaphore, #tpu.memory_space<semaphore_mem>>)
      %dma_wait3A_100 = arith.constant 0 : i32
      %dma_wait3A_101 = tpu.memref_slice %arg13[%add3A_73, %dma_wait3A_100] : memref<10240x128xf32, #tpu.memory_space<vmem_shared>> -> memref<80x128xf32, #tpu.memory_space<vmem_shared>>
      %dma_wait3A_102 = arith.constant 0 : i32
      %dma_wait3A_103 = tpu.memref_slice %arg13[%add3A_73, %dma_wait3A_102] : memref<10240x128xf32, #tpu.memory_space<vmem_shared>> -> memref<80x128xf32, #tpu.memory_space<vmem_shared>>
      tpu.wait_dma2 semaphore(%run_scoped3A : memref<!tpu.dma_semaphore, #tpu.memory_space<semaphore_mem>>) src(%dma_wait3A_103 : memref<80x128xf32, #tpu.memory_space<vmem_shared>>) dst(%arg8 : memref<80x128xf32, #tpu.memory_space<vmem>>)
      tpu.yield
    }) : () -> ()
    %add3A_74 = arith.constant 160 : i32
    %add3A_75 = arith.addi %mul3A_2, %add3A_74 : i32
    "tpu.region"() ({
      %run_scoped3A = tpu.sem_alloc : memref<!tpu.dma_semaphore, #tpu.memory_space<semaphore_mem>>
      %dma_start3A_96 = arith.constant 0 : i32
      %dma_start3A_97 = tpu.memref_slice %arg5[%arg0, %add3A_75, %dma_start3A_96] : memref<2x10240x128xf32, #tpu.memory_space<hbm>> -> memref<1x80x128xf32, #tpu.memory_space<hbm>>
      %dma_start3A_98 = tpu.memref_squeeze %dma_start3A_97 : memref<1x80x128xf32, #tpu.memory_space<hbm>> -> memref<80x128xf32, #tpu.memory_space<hbm>>
      %dma_start3A_99 = arith.constant 0 : i32
      %dma_start3A_100 = tpu.memref_slice %arg5[%arg0, %add3A_75, %dma_start3A_99] : memref<2x10240x128xf32, #tpu.memory_space<hbm>> -> memref<1x80x128xf32, #tpu.memory_space<hbm>>
      %dma_start3A_101 = tpu.memref_squeeze %dma_start3A_100 : memref<1x80x128xf32, #tpu.memory_space<hbm>> -> memref<80x128xf32, #tpu.memory_space<hbm>>
      tpu.enqueue_dma source(%arg8 : memref<80x128xf32, #tpu.memory_space<vmem>>) target(%dma_start3A_101 : memref<80x128xf32, #tpu.memory_space<hbm>>) target_semaphore(%run_scoped3A : memref<!tpu.dma_semaphore, #tpu.memory_space<semaphore_mem>>)
      %dma_wait3A_102 = arith.constant 0 : i32
      %dma_wait3A_103 = tpu.memref_slice %arg5[%arg0, %add3A_75, %dma_wait3A_102] : memref<2x10240x128xf32, #tpu.memory_space<hbm>> -> memref<1x80x128xf32, #tpu.memory_space<hbm>>
      %dma_wait3A_104 = tpu.memref_squeeze %dma_wait3A_103 : memref<1x80x128xf32, #tpu.memory_space<hbm>> -> memref<80x128xf32, #tpu.memory_space<hbm>>
      %dma_wait3A_105 = arith.constant 0 : i32
      %dma_wait3A_106 = tpu.memref_slice %arg5[%arg0, %add3A_75, %dma_wait3A_105] : memref<2x10240x128xf32, #tpu.memory_space<hbm>> -> memref<1x80x128xf32, #tpu.memory_space<hbm>>
      %dma_wait3A_107 = tpu.memref_squeeze %dma_wait3A_106 : memref<1x80x128xf32, #tpu.memory_space<hbm>> -> memref<80x128xf32, #tpu.memory_space<hbm>>
      tpu.wait_dma2 semaphore(%run_scoped3A : memref<!tpu.dma_semaphore, #tpu.memory_space<semaphore_mem>>) src(%arg8 : memref<80x128xf32, #tpu.memory_space<vmem>>) dst(%dma_wait3A_107 : memref<80x128xf32, #tpu.memory_space<hbm>>)
      tpu.yield
    }) : () -> ()
    %add3A_76 = arith.constant 240 : i32
    %add3A_77 = arith.addi %mul3A_2, %add3A_76 : i32
    "tpu.region"() ({
      %run_scoped3A = tpu.sem_alloc : memref<!tpu.dma_semaphore, #tpu.memory_space<semaphore_mem>>
      %dma_start3A_96 = arith.constant 0 : i32
      %dma_start3A_97 = tpu.memref_slice %arg13[%add3A_77, %dma_start3A_96] : memref<10240x128xf32, #tpu.memory_space<vmem_shared>> -> memref<80x128xf32, #tpu.memory_space<vmem_shared>>
      %dma_start3A_98 = arith.constant 0 : i32
      %dma_start3A_99 = tpu.memref_slice %arg13[%add3A_77, %dma_start3A_98] : memref<10240x128xf32, #tpu.memory_space<vmem_shared>> -> memref<80x128xf32, #tpu.memory_space<vmem_shared>>
      tpu.enqueue_dma source(%dma_start3A_99 : memref<80x128xf32, #tpu.memory_space<vmem_shared>>) target(%arg8 : memref<80x128xf32, #tpu.memory_space<vmem>>) target_semaphore(%run_scoped3A : memref<!tpu.dma_semaphore, #tpu.memory_space<semaphore_mem>>)
      %dma_wait3A_100 = arith.constant 0 : i32
      %dma_wait3A_101 = tpu.memref_slice %arg13[%add3A_77, %dma_wait3A_100] : memref<10240x128xf32, #tpu.memory_space<vmem_shared>> -> memref<80x128xf32, #tpu.memory_space<vmem_shared>>
      %dma_wait3A_102 = arith.constant 0 : i32
      %dma_wait3A_103 = tpu.memref_slice %arg13[%add3A_77, %dma_wait3A_102] : memref<10240x128xf32, #tpu.memory_space<vmem_shared>> -> memref<80x128xf32, #tpu.memory_space<vmem_shared>>
      tpu.wait_dma2 semaphore(%run_scoped3A : memref<!tpu.dma_semaphore, #tpu.memory_space<semaphore_mem>>) src(%dma_wait3A_103 : memref<80x128xf32, #tpu.memory_space<vmem_shared>>) dst(%arg8 : memref<80x128xf32, #tpu.memory_space<vmem>>)
      tpu.yield
    }) : () -> ()
    %add3A_78 = arith.constant 240 : i32
    %add3A_79 = arith.addi %mul3A_2, %add3A_78 : i32
    "tpu.region"() ({
      %run_scoped3A = tpu.sem_alloc : memref<!tpu.dma_semaphore, #tpu.memory_space<semaphore_mem>>
      %dma_start3A_96 = arith.constant 0 : i32
      %dma_start3A_97 = tpu.memref_slice %arg5[%arg0, %add3A_79, %dma_start3A_96] : memref<2x10240x128xf32, #tpu.memory_space<hbm>> -> memref<1x80x128xf32, #tpu.memory_space<hbm>>
      %dma_start3A_98 = tpu.memref_squeeze %dma_start3A_97 : memref<1x80x128xf32, #tpu.memory_space<hbm>> -> memref<80x128xf32, #tpu.memory_space<hbm>>
      %dma_start3A_99 = arith.constant 0 : i32
      %dma_start3A_100 = tpu.memref_slice %arg5[%arg0, %add3A_79, %dma_start3A_99] : memref<2x10240x128xf32, #tpu.memory_space<hbm>> -> memref<1x80x128xf32, #tpu.memory_space<hbm>>
      %dma_start3A_101 = tpu.memref_squeeze %dma_start3A_100 : memref<1x80x128xf32, #tpu.memory_space<hbm>> -> memref<80x128xf32, #tpu.memory_space<hbm>>
      tpu.enqueue_dma source(%arg8 : memref<80x128xf32, #tpu.memory_space<vmem>>) target(%dma_start3A_101 : memref<80x128xf32, #tpu.memory_space<hbm>>) target_semaphore(%run_scoped3A : memref<!tpu.dma_semaphore, #tpu.memory_space<semaphore_mem>>)
      %dma_wait3A_102 = arith.constant 0 : i32
      %dma_wait3A_103 = tpu.memref_slice %arg5[%arg0, %add3A_79, %dma_wait3A_102] : memref<2x10240x128xf32, #tpu.memory_space<hbm>> -> memref<1x80x128xf32, #tpu.memory_space<hbm>>
      %dma_wait3A_104 = tpu.memref_squeeze %dma_wait3A_103 : memref<1x80x128xf32, #tpu.memory_space<hbm>> -> memref<80x128xf32, #tpu.memory_space<hbm>>
      %dma_wait3A_105 = arith.constant 0 : i32
      %dma_wait3A_106 = tpu.memref_slice %arg5[%arg0, %add3A_79, %dma_wait3A_105] : memref<2x10240x128xf32, #tpu.memory_space<hbm>> -> memref<1x80x128xf32, #tpu.memory_space<hbm>>
      %dma_wait3A_107 = tpu.memref_squeeze %dma_wait3A_106 : memref<1x80x128xf32, #tpu.memory_space<hbm>> -> memref<80x128xf32, #tpu.memory_space<hbm>>
      tpu.wait_dma2 semaphore(%run_scoped3A : memref<!tpu.dma_semaphore, #tpu.memory_space<semaphore_mem>>) src(%arg8 : memref<80x128xf32, #tpu.memory_space<vmem>>) dst(%dma_wait3A_107 : memref<80x128xf32, #tpu.memory_space<hbm>>)
      tpu.yield
    }) : () -> ()
    %add3A_80 = arith.constant 320 : i32
    %add3A_81 = arith.addi %mul3A_2, %add3A_80 : i32
    "tpu.region"() ({
      %run_scoped3A = tpu.sem_alloc : memref<!tpu.dma_semaphore, #tpu.memory_space<semaphore_mem>>
      %dma_start3A_96 = arith.constant 0 : i32
      %dma_start3A_97 = tpu.memref_slice %arg13[%add3A_81, %dma_start3A_96] : memref<10240x128xf32, #tpu.memory_space<vmem_shared>> -> memref<80x128xf32, #tpu.memory_space<vmem_shared>>
      %dma_start3A_98 = arith.constant 0 : i32
      %dma_start3A_99 = tpu.memref_slice %arg13[%add3A_81, %dma_start3A_98] : memref<10240x128xf32, #tpu.memory_space<vmem_shared>> -> memref<80x128xf32, #tpu.memory_space<vmem_shared>>
      tpu.enqueue_dma source(%dma_start3A_99 : memref<80x128xf32, #tpu.memory_space<vmem_shared>>) target(%arg8 : memref<80x128xf32, #tpu.memory_space<vmem>>) target_semaphore(%run_scoped3A : memref<!tpu.dma_semaphore, #tpu.memory_space<semaphore_mem>>)
      %dma_wait3A_100 = arith.constant 0 : i32
      %dma_wait3A_101 = tpu.memref_slice %arg13[%add3A_81, %dma_wait3A_100] : memref<10240x128xf32, #tpu.memory_space<vmem_shared>> -> memref<80x128xf32, #tpu.memory_space<vmem_shared>>
      %dma_wait3A_102 = arith.constant 0 : i32
      %dma_wait3A_103 = tpu.memref_slice %arg13[%add3A_81, %dma_wait3A_102] : memref<10240x128xf32, #tpu.memory_space<vmem_shared>> -> memref<80x128xf32, #tpu.memory_space<vmem_shared>>
      tpu.wait_dma2 semaphore(%run_scoped3A : memref<!tpu.dma_semaphore, #tpu.memory_space<semaphore_mem>>) src(%dma_wait3A_103 : memref<80x128xf32, #tpu.memory_space<vmem_shared>>) dst(%arg8 : memref<80x128xf32, #tpu.memory_space<vmem>>)
      tpu.yield
    }) : () -> ()
    %add3A_82 = arith.constant 320 : i32
    %add3A_83 = arith.addi %mul3A_2, %add3A_82 : i32
    "tpu.region"() ({
      %run_scoped3A = tpu.sem_alloc : memref<!tpu.dma_semaphore, #tpu.memory_space<semaphore_mem>>
      %dma_start3A_96 = arith.constant 0 : i32
      %dma_start3A_97 = tpu.memref_slice %arg5[%arg0, %add3A_83, %dma_start3A_96] : memref<2x10240x128xf32, #tpu.memory_space<hbm>> -> memref<1x80x128xf32, #tpu.memory_space<hbm>>
      %dma_start3A_98 = tpu.memref_squeeze %dma_start3A_97 : memref<1x80x128xf32, #tpu.memory_space<hbm>> -> memref<80x128xf32, #tpu.memory_space<hbm>>
      %dma_start3A_99 = arith.constant 0 : i32
      %dma_start3A_100 = tpu.memref_slice %arg5[%arg0, %add3A_83, %dma_start3A_99] : memref<2x10240x128xf32, #tpu.memory_space<hbm>> -> memref<1x80x128xf32, #tpu.memory_space<hbm>>
      %dma_start3A_101 = tpu.memref_squeeze %dma_start3A_100 : memref<1x80x128xf32, #tpu.memory_space<hbm>> -> memref<80x128xf32, #tpu.memory_space<hbm>>
      tpu.enqueue_dma source(%arg8 : memref<80x128xf32, #tpu.memory_space<vmem>>) target(%dma_start3A_101 : memref<80x128xf32, #tpu.memory_space<hbm>>) target_semaphore(%run_scoped3A : memref<!tpu.dma_semaphore, #tpu.memory_space<semaphore_mem>>)
      %dma_wait3A_102 = arith.constant 0 : i32
      %dma_wait3A_103 = tpu.memref_slice %arg5[%arg0, %add3A_83, %dma_wait3A_102] : memref<2x10240x128xf32, #tpu.memory_space<hbm>> -> memref<1x80x128xf32, #tpu.memory_space<hbm>>
      %dma_wait3A_104 = tpu.memref_squeeze %dma_wait3A_103 : memref<1x80x128xf32, #tpu.memory_space<hbm>> -> memref<80x128xf32, #tpu.memory_space<hbm>>
      %dma_wait3A_105 = arith.constant 0 : i32
      %dma_wait3A_106 = tpu.memref_slice %arg5[%arg0, %add3A_83, %dma_wait3A_105] : memref<2x10240x128xf32, #tpu.memory_space<hbm>> -> memref<1x80x128xf32, #tpu.memory_space<hbm>>
      %dma_wait3A_107 = tpu.memref_squeeze %dma_wait3A_106 : memref<1x80x128xf32, #tpu.memory_space<hbm>> -> memref<80x128xf32, #tpu.memory_space<hbm>>
      tpu.wait_dma2 semaphore(%run_scoped3A : memref<!tpu.dma_semaphore, #tpu.memory_space<semaphore_mem>>) src(%arg8 : memref<80x128xf32, #tpu.memory_space<vmem>>) dst(%dma_wait3A_107 : memref<80x128xf32, #tpu.memory_space<hbm>>)
      tpu.yield
    }) : () -> ()
    %add3A_84 = arith.constant 400 : i32
    %add3A_85 = arith.addi %mul3A_2, %add3A_84 : i32
    "tpu.region"() ({
      %run_scoped3A = tpu.sem_alloc : memref<!tpu.dma_semaphore, #tpu.memory_space<semaphore_mem>>
      %dma_start3A_96 = arith.constant 0 : i32
      %dma_start3A_97 = tpu.memref_slice %arg13[%add3A_85, %dma_start3A_96] : memref<10240x128xf32, #tpu.memory_space<vmem_shared>> -> memref<80x128xf32, #tpu.memory_space<vmem_shared>>
      %dma_start3A_98 = arith.constant 0 : i32
      %dma_start3A_99 = tpu.memref_slice %arg13[%add3A_85, %dma_start3A_98] : memref<10240x128xf32, #tpu.memory_space<vmem_shared>> -> memref<80x128xf32, #tpu.memory_space<vmem_shared>>
      tpu.enqueue_dma source(%dma_start3A_99 : memref<80x128xf32, #tpu.memory_space<vmem_shared>>) target(%arg8 : memref<80x128xf32, #tpu.memory_space<vmem>>) target_semaphore(%run_scoped3A : memref<!tpu.dma_semaphore, #tpu.memory_space<semaphore_mem>>)
      %dma_wait3A_100 = arith.constant 0 : i32
      %dma_wait3A_101 = tpu.memref_slice %arg13[%add3A_85, %dma_wait3A_100] : memref<10240x128xf32, #tpu.memory_space<vmem_shared>> -> memref<80x128xf32, #tpu.memory_space<vmem_shared>>
      %dma_wait3A_102 = arith.constant 0 : i32
      %dma_wait3A_103 = tpu.memref_slice %arg13[%add3A_85, %dma_wait3A_102] : memref<10240x128xf32, #tpu.memory_space<vmem_shared>> -> memref<80x128xf32, #tpu.memory_space<vmem_shared>>
      tpu.wait_dma2 semaphore(%run_scoped3A : memref<!tpu.dma_semaphore, #tpu.memory_space<semaphore_mem>>) src(%dma_wait3A_103 : memref<80x128xf32, #tpu.memory_space<vmem_shared>>) dst(%arg8 : memref<80x128xf32, #tpu.memory_space<vmem>>)
      tpu.yield
    }) : () -> ()
    %add3A_86 = arith.constant 400 : i32
    %add3A_87 = arith.addi %mul3A_2, %add3A_86 : i32
    "tpu.region"() ({
      %run_scoped3A = tpu.sem_alloc : memref<!tpu.dma_semaphore, #tpu.memory_space<semaphore_mem>>
      %dma_start3A_96 = arith.constant 0 : i32
      %dma_start3A_97 = tpu.memref_slice %arg5[%arg0, %add3A_87, %dma_start3A_96] : memref<2x10240x128xf32, #tpu.memory_space<hbm>> -> memref<1x80x128xf32, #tpu.memory_space<hbm>>
      %dma_start3A_98 = tpu.memref_squeeze %dma_start3A_97 : memref<1x80x128xf32, #tpu.memory_space<hbm>> -> memref<80x128xf32, #tpu.memory_space<hbm>>
      %dma_start3A_99 = arith.constant 0 : i32
      %dma_start3A_100 = tpu.memref_slice %arg5[%arg0, %add3A_87, %dma_start3A_99] : memref<2x10240x128xf32, #tpu.memory_space<hbm>> -> memref<1x80x128xf32, #tpu.memory_space<hbm>>
      %dma_start3A_101 = tpu.memref_squeeze %dma_start3A_100 : memref<1x80x128xf32, #tpu.memory_space<hbm>> -> memref<80x128xf32, #tpu.memory_space<hbm>>
      tpu.enqueue_dma source(%arg8 : memref<80x128xf32, #tpu.memory_space<vmem>>) target(%dma_start3A_101 : memref<80x128xf32, #tpu.memory_space<hbm>>) target_semaphore(%run_scoped3A : memref<!tpu.dma_semaphore, #tpu.memory_space<semaphore_mem>>)
      %dma_wait3A_102 = arith.constant 0 : i32
      %dma_wait3A_103 = tpu.memref_slice %arg5[%arg0, %add3A_87, %dma_wait3A_102] : memref<2x10240x128xf32, #tpu.memory_space<hbm>> -> memref<1x80x128xf32, #tpu.memory_space<hbm>>
      %dma_wait3A_104 = tpu.memref_squeeze %dma_wait3A_103 : memref<1x80x128xf32, #tpu.memory_space<hbm>> -> memref<80x128xf32, #tpu.memory_space<hbm>>
      %dma_wait3A_105 = arith.constant 0 : i32
      %dma_wait3A_106 = tpu.memref_slice %arg5[%arg0, %add3A_87, %dma_wait3A_105] : memref<2x10240x128xf32, #tpu.memory_space<hbm>> -> memref<1x80x128xf32, #tpu.memory_space<hbm>>
      %dma_wait3A_107 = tpu.memref_squeeze %dma_wait3A_106 : memref<1x80x128xf32, #tpu.memory_space<hbm>> -> memref<80x128xf32, #tpu.memory_space<hbm>>
      tpu.wait_dma2 semaphore(%run_scoped3A : memref<!tpu.dma_semaphore, #tpu.memory_space<semaphore_mem>>) src(%arg8 : memref<80x128xf32, #tpu.memory_space<vmem>>) dst(%dma_wait3A_107 : memref<80x128xf32, #tpu.memory_space<hbm>>)
      tpu.yield
    }) : () -> ()
    %add3A_88 = arith.constant 480 : i32
    %add3A_89 = arith.addi %mul3A_2, %add3A_88 : i32
    "tpu.region"() ({
      %run_scoped3A = tpu.sem_alloc : memref<!tpu.dma_semaphore, #tpu.memory_space<semaphore_mem>>
      %dma_start3A_96 = arith.constant 0 : i32
      %dma_start3A_97 = tpu.memref_slice %arg13[%add3A_89, %dma_start3A_96] : memref<10240x128xf32, #tpu.memory_space<vmem_shared>> -> memref<80x128xf32, #tpu.memory_space<vmem_shared>>
      %dma_start3A_98 = arith.constant 0 : i32
      %dma_start3A_99 = tpu.memref_slice %arg13[%add3A_89, %dma_start3A_98] : memref<10240x128xf32, #tpu.memory_space<vmem_shared>> -> memref<80x128xf32, #tpu.memory_space<vmem_shared>>
      tpu.enqueue_dma source(%dma_start3A_99 : memref<80x128xf32, #tpu.memory_space<vmem_shared>>) target(%arg8 : memref<80x128xf32, #tpu.memory_space<vmem>>) target_semaphore(%run_scoped3A : memref<!tpu.dma_semaphore, #tpu.memory_space<semaphore_mem>>)
      %dma_wait3A_100 = arith.constant 0 : i32
      %dma_wait3A_101 = tpu.memref_slice %arg13[%add3A_89, %dma_wait3A_100] : memref<10240x128xf32, #tpu.memory_space<vmem_shared>> -> memref<80x128xf32, #tpu.memory_space<vmem_shared>>
      %dma_wait3A_102 = arith.constant 0 : i32
      %dma_wait3A_103 = tpu.memref_slice %arg13[%add3A_89, %dma_wait3A_102] : memref<10240x128xf32, #tpu.memory_space<vmem_shared>> -> memref<80x128xf32, #tpu.memory_space<vmem_shared>>
      tpu.wait_dma2 semaphore(%run_scoped3A : memref<!tpu.dma_semaphore, #tpu.memory_space<semaphore_mem>>) src(%dma_wait3A_103 : memref<80x128xf32, #tpu.memory_space<vmem_shared>>) dst(%arg8 : memref<80x128xf32, #tpu.memory_space<vmem>>)
      tpu.yield
    }) : () -> ()
    %add3A_90 = arith.constant 480 : i32
    %add3A_91 = arith.addi %mul3A_2, %add3A_90 : i32
    "tpu.region"() ({
      %run_scoped3A = tpu.sem_alloc : memref<!tpu.dma_semaphore, #tpu.memory_space<semaphore_mem>>
      %dma_start3A_96 = arith.constant 0 : i32
      %dma_start3A_97 = tpu.memref_slice %arg5[%arg0, %add3A_91, %dma_start3A_96] : memref<2x10240x128xf32, #tpu.memory_space<hbm>> -> memref<1x80x128xf32, #tpu.memory_space<hbm>>
      %dma_start3A_98 = tpu.memref_squeeze %dma_start3A_97 : memref<1x80x128xf32, #tpu.memory_space<hbm>> -> memref<80x128xf32, #tpu.memory_space<hbm>>
      %dma_start3A_99 = arith.constant 0 : i32
      %dma_start3A_100 = tpu.memref_slice %arg5[%arg0, %add3A_91, %dma_start3A_99] : memref<2x10240x128xf32, #tpu.memory_space<hbm>> -> memref<1x80x128xf32, #tpu.memory_space<hbm>>
      %dma_start3A_101 = tpu.memref_squeeze %dma_start3A_100 : memref<1x80x128xf32, #tpu.memory_space<hbm>> -> memref<80x128xf32, #tpu.memory_space<hbm>>
      tpu.enqueue_dma source(%arg8 : memref<80x128xf32, #tpu.memory_space<vmem>>) target(%dma_start3A_101 : memref<80x128xf32, #tpu.memory_space<hbm>>) target_semaphore(%run_scoped3A : memref<!tpu.dma_semaphore, #tpu.memory_space<semaphore_mem>>)
      %dma_wait3A_102 = arith.constant 0 : i32
      %dma_wait3A_103 = tpu.memref_slice %arg5[%arg0, %add3A_91, %dma_wait3A_102] : memref<2x10240x128xf32, #tpu.memory_space<hbm>> -> memref<1x80x128xf32, #tpu.memory_space<hbm>>
      %dma_wait3A_104 = tpu.memref_squeeze %dma_wait3A_103 : memref<1x80x128xf32, #tpu.memory_space<hbm>> -> memref<80x128xf32, #tpu.memory_space<hbm>>
      %dma_wait3A_105 = arith.constant 0 : i32
      %dma_wait3A_106 = tpu.memref_slice %arg5[%arg0, %add3A_91, %dma_wait3A_105] : memref<2x10240x128xf32, #tpu.memory_space<hbm>> -> memref<1x80x128xf32, #tpu.memory_space<hbm>>
      %dma_wait3A_107 = tpu.memref_squeeze %dma_wait3A_106 : memref<1x80x128xf32, #tpu.memory_space<hbm>> -> memref<80x128xf32, #tpu.memory_space<hbm>>
      tpu.wait_dma2 semaphore(%run_scoped3A : memref<!tpu.dma_semaphore, #tpu.memory_space<semaphore_mem>>) src(%arg8 : memref<80x128xf32, #tpu.memory_space<vmem>>) dst(%dma_wait3A_107 : memref<80x128xf32, #tpu.memory_space<hbm>>)
      tpu.yield
    }) : () -> ()
    %add3A_92 = arith.constant 560 : i32
    %add3A_93 = arith.addi %mul3A_2, %add3A_92 : i32
    "tpu.region"() ({
      %run_scoped3A = tpu.sem_alloc : memref<!tpu.dma_semaphore, #tpu.memory_space<semaphore_mem>>
      %dma_start3A_96 = arith.constant 0 : i32
      %dma_start3A_97 = tpu.memref_slice %arg13[%add3A_93, %dma_start3A_96] : memref<10240x128xf32, #tpu.memory_space<vmem_shared>> -> memref<80x128xf32, #tpu.memory_space<vmem_shared>>
      %dma_start3A_98 = arith.constant 0 : i32
      %dma_start3A_99 = tpu.memref_slice %arg13[%add3A_93, %dma_start3A_98] : memref<10240x128xf32, #tpu.memory_space<vmem_shared>> -> memref<80x128xf32, #tpu.memory_space<vmem_shared>>
      tpu.enqueue_dma source(%dma_start3A_99 : memref<80x128xf32, #tpu.memory_space<vmem_shared>>) target(%arg8 : memref<80x128xf32, #tpu.memory_space<vmem>>) target_semaphore(%run_scoped3A : memref<!tpu.dma_semaphore, #tpu.memory_space<semaphore_mem>>)
      %dma_wait3A_100 = arith.constant 0 : i32
      %dma_wait3A_101 = tpu.memref_slice %arg13[%add3A_93, %dma_wait3A_100] : memref<10240x128xf32, #tpu.memory_space<vmem_shared>> -> memref<80x128xf32, #tpu.memory_space<vmem_shared>>
      %dma_wait3A_102 = arith.constant 0 : i32
      %dma_wait3A_103 = tpu.memref_slice %arg13[%add3A_93, %dma_wait3A_102] : memref<10240x128xf32, #tpu.memory_space<vmem_shared>> -> memref<80x128xf32, #tpu.memory_space<vmem_shared>>
      tpu.wait_dma2 semaphore(%run_scoped3A : memref<!tpu.dma_semaphore, #tpu.memory_space<semaphore_mem>>) src(%dma_wait3A_103 : memref<80x128xf32, #tpu.memory_space<vmem_shared>>) dst(%arg8 : memref<80x128xf32, #tpu.memory_space<vmem>>)
      tpu.yield
    }) : () -> ()
    %add3A_94 = arith.constant 560 : i32
    %add3A_95 = arith.addi %mul3A_2, %add3A_94 : i32
    "tpu.region"() ({
      %run_scoped3A = tpu.sem_alloc : memref<!tpu.dma_semaphore, #tpu.memory_space<semaphore_mem>>
      %dma_start3A_96 = arith.constant 0 : i32
      %dma_start3A_97 = tpu.memref_slice %arg5[%arg0, %add3A_95, %dma_start3A_96] : memref<2x10240x128xf32, #tpu.memory_space<hbm>> -> memref<1x80x128xf32, #tpu.memory_space<hbm>>
      %dma_start3A_98 = tpu.memref_squeeze %dma_start3A_97 : memref<1x80x128xf32, #tpu.memory_space<hbm>> -> memref<80x128xf32, #tpu.memory_space<hbm>>
      %dma_start3A_99 = arith.constant 0 : i32
      %dma_start3A_100 = tpu.memref_slice %arg5[%arg0, %add3A_95, %dma_start3A_99] : memref<2x10240x128xf32, #tpu.memory_space<hbm>> -> memref<1x80x128xf32, #tpu.memory_space<hbm>>
      %dma_start3A_101 = tpu.memref_squeeze %dma_start3A_100 : memref<1x80x128xf32, #tpu.memory_space<hbm>> -> memref<80x128xf32, #tpu.memory_space<hbm>>
      tpu.enqueue_dma source(%arg8 : memref<80x128xf32, #tpu.memory_space<vmem>>) target(%dma_start3A_101 : memref<80x128xf32, #tpu.memory_space<hbm>>) target_semaphore(%run_scoped3A : memref<!tpu.dma_semaphore, #tpu.memory_space<semaphore_mem>>)
      %dma_wait3A_102 = arith.constant 0 : i32
      %dma_wait3A_103 = tpu.memref_slice %arg5[%arg0, %add3A_95, %dma_wait3A_102] : memref<2x10240x128xf32, #tpu.memory_space<hbm>> -> memref<1x80x128xf32, #tpu.memory_space<hbm>>
      %dma_wait3A_104 = tpu.memref_squeeze %dma_wait3A_103 : memref<1x80x128xf32, #tpu.memory_space<hbm>> -> memref<80x128xf32, #tpu.memory_space<hbm>>
      %dma_wait3A_105 = arith.constant 0 : i32
      %dma_wait3A_106 = tpu.memref_slice %arg5[%arg0, %add3A_95, %dma_wait3A_105] : memref<2x10240x128xf32, #tpu.memory_space<hbm>> -> memref<1x80x128xf32, #tpu.memory_space<hbm>>
      %dma_wait3A_107 = tpu.memref_squeeze %dma_wait3A_106 : memref<1x80x128xf32, #tpu.memory_space<hbm>> -> memref<80x128xf32, #tpu.memory_space<hbm>>
      tpu.wait_dma2 semaphore(%run_scoped3A : memref<!tpu.dma_semaphore, #tpu.memory_space<semaphore_mem>>) src(%arg8 : memref<80x128xf32, #tpu.memory_space<vmem>>) dst(%dma_wait3A_107 : memref<80x128xf32, #tpu.memory_space<hbm>>)
      tpu.yield
    }) : () -> ()
    return
  }
}

module attributes {stable_mosaic.version = 14 : i64} {
  func.func @_t1_body(%arg0: i32, %arg1: memref<2x2000x1xf32, #tpu.memory_space<vmem>>, %arg2: memref<2000x128xf32, #tpu.memory_space<vmem>>, %arg3: memref<128x128xf32, #tpu.memory_space<vmem>>, %arg4: memref<2000x1xf32, #tpu.memory_space<vmem>>, %arg5: memref<2000x128xf32, #tpu.memory_space<vmem>>) attributes {dimension_semantics = [#tpu.dimension_semantics<arbitrary>], iteration_bounds = array<i64: 5>, scalar_prefetch = 0 : i64, scratch_operands = 0 : i64, tpu.core_type = #tpu.core_type<tc>, window_params = [{transform_indices = @transform_0, window_bounds = array<i64: 2, 2000, 1>}, {transform_indices = @transform_1, window_bounds = array<i64: 2000, 128>}, {pipeline_mode = #tpu.pipeline_mode<synchronous>, transform_indices = @transform_2, window_bounds = array<i64: 128, 128>}, {transform_indices = @transform_3, window_bounds = array<i64: 2000, 1>}, {transform_indices = @transform_4, window_bounds = array<i64: 2000, 128>}]} {
    %get3A = arith.constant 0 : index
    %get3A_0 = arith.constant 0 : index
    %get3A_1 = arith.constant 0 : index
    %get3A_2 = vector.load %arg1[%get3A, %get3A_0, %get3A_1] : memref<2x2000x1xf32, #tpu.memory_space<vmem>>, vector<1x2000x1xf32>
    %get3A_3 = vector.shape_cast %get3A_2 : vector<1x2000x1xf32> to vector<2000x1xf32>
    %get3A_4 = arith.constant 1 : index
    %get3A_5 = arith.constant 0 : index
    %get3A_6 = arith.constant 0 : index
    %get3A_7 = vector.load %arg1[%get3A_4, %get3A_5, %get3A_6] : memref<2x2000x1xf32, #tpu.memory_space<vmem>>, vector<1x2000x1xf32>
    %get3A_8 = vector.shape_cast %get3A_7 : vector<1x2000x1xf32> to vector<2000x1xf32>
    %add3A = arith.addf %get3A_3, %get3A_8 : vector<2000x1xf32>
    %add3A_9 = arith.constant 1.000000e+00 : f32
    %add3A_10 = vector.broadcast %add3A_9 : f32 to vector<2000x1xf32>
    %add3A_11 = arith.addf %add3A, %add3A_10 : vector<2000x1xf32>
    %rsqrt3A = math.rsqrt %add3A_11 : vector<2000x1xf32>
    %get3A_12 = arith.constant 0 : index
    %get3A_13 = arith.constant 0 : index
    %get3A_14 = vector.load %arg2[%get3A_12, %get3A_13] : memref<2000x128xf32, #tpu.memory_space<vmem>>, vector<2000x128xf32>
    %get3A_15 = arith.constant 0 : index
    %get3A_16 = arith.constant 0 : index
    %get3A_17 = vector.load %arg3[%get3A_15, %get3A_16] : memref<128x128xf32, #tpu.memory_space<vmem>>, vector<128x128xf32>
    %dot_general3A = arith.constant dense<0.000000e+00> : vector<2000x128xf32>
    %dot_general3A_18 = tpu.matmul %get3A_14, %get3A_17, %dot_general3A {dimension_numbers = #tpu.dot_dimension_numbers<[1], [0], [0], [1], [0, 0, 1, 1], [], []>, transpose_lhs_hint = false} : vector<2000x128xf32>, vector<128x128xf32>, vector<2000x128xf32> -> vector<2000x128xf32>
    %swap3A = arith.constant 0 : index
    %swap3A_19 = arith.constant 0 : index
    %swap3A_20 = vector.load %arg4[%swap3A, %swap3A_19] : memref<2000x1xf32, #tpu.memory_space<vmem>>, vector<2000x1xf32>
    tpu.vector_store %arg4[%swap3A, %swap3A_19], %rsqrt3A {strides = array<i32>} : memref<2000x1xf32, #tpu.memory_space<vmem>>, vector<2000x1xf32>,
    %mul3A = vector.broadcast %rsqrt3A : vector<2000x1xf32> to vector<2000x128xf32>
    %mul3A_21 = arith.mulf %dot_general3A_18, %mul3A : vector<2000x128xf32>
    %swap3A_22 = arith.constant 0 : index
    %swap3A_23 = arith.constant 0 : index
    %swap3A_24 = vector.load %arg5[%swap3A_22, %swap3A_23] : memref<2000x128xf32, #tpu.memory_space<vmem>>, vector<2000x128xf32>
    tpu.vector_store %arg5[%swap3A_22, %swap3A_23], %mul3A_21 {strides = array<i32>} : memref<2000x128xf32, #tpu.memory_space<vmem>>, vector<2000x128xf32>,
    return
  }
  func.func @transform_0(%arg0: i32) -> (i32, i32, i32) {
    %c0_i32 = arith.constant 0 : i32
    %c0_i32_0 = arith.constant 0 : i32
    %c0_i32_1 = arith.constant 0 : i32
    return %c0_i32, %arg0, %c0_i32_0 : i32, i32, i32
  }
  func.func @transform_1(%arg0: i32) -> (i32, i32) {
    %c0_i32 = arith.constant 0 : i32
    %c0_i32_0 = arith.constant 0 : i32
    return %arg0, %c0_i32 : i32, i32
  }
  func.func @transform_2(%arg0: i32) -> (i32, i32) {
    %c0_i32 = arith.constant 0 : i32
    %c0_i32_0 = arith.constant 0 : i32
    %c0_i32_1 = arith.constant 0 : i32
    return %c0_i32, %c0_i32_0 : i32, i32
  }
  func.func @transform_3(%arg0: i32) -> (i32, i32) {
    %c0_i32 = arith.constant 0 : i32
    %c0_i32_0 = arith.constant 0 : i32
    return %arg0, %c0_i32 : i32, i32
  }
  func.func @transform_4(%arg0: i32) -> (i32, i32) {
    %c0_i32 = arith.constant 0 : i32
    %c0_i32_0 = arith.constant 0 : i32
    return %arg0, %c0_i32 : i32, i32
  }
}

module attributes {stable_mosaic.version = 14 : i64} {
  func.func @_t2_body(%arg0: i32, %arg1: memref<2x2000x128xf32, #tpu.memory_space<vmem>>, %arg2: memref<2000x128xf32, #tpu.memory_space<vmem>>, %arg3: memref<2000x1xf32, #tpu.memory_space<vmem>>, %arg4: memref<128x128xf32, #tpu.memory_space<vmem>>, %arg5: memref<1x128xf32, #tpu.memory_space<vmem>>, %arg6: memref<2000x128xf32, #tpu.memory_space<vmem>>) attributes {dimension_semantics = [#tpu.dimension_semantics<arbitrary>], iteration_bounds = array<i64: 5>, scalar_prefetch = 0 : i64, scratch_operands = 0 : i64, tpu.core_type = #tpu.core_type<tc>, window_params = [{transform_indices = @transform_0, window_bounds = array<i64: 2, 2000, 128>}, {transform_indices = @transform_1, window_bounds = array<i64: 2000, 128>}, {transform_indices = @transform_2, window_bounds = array<i64: 2000, 1>}, {pipeline_mode = #tpu.pipeline_mode<synchronous>, transform_indices = @transform_3, window_bounds = array<i64: 128, 128>}, {pipeline_mode = #tpu.pipeline_mode<synchronous>, transform_indices = @transform_4, window_bounds = array<i64: 1, 128>}, {transform_indices = @transform_5, window_bounds = array<i64: 2000, 128>}]} {
    %get3A = arith.constant 0 : index
    %get3A_0 = arith.constant 0 : index
    %get3A_1 = arith.constant 0 : index
    %get3A_2 = vector.load %arg1[%get3A, %get3A_0, %get3A_1] : memref<2x2000x128xf32, #tpu.memory_space<vmem>>, vector<1x2000x128xf32>
    %get3A_3 = vector.shape_cast %get3A_2 : vector<1x2000x128xf32> to vector<2000x128xf32>
    %get3A_4 = arith.constant 1 : index
    %get3A_5 = arith.constant 0 : index
    %get3A_6 = arith.constant 0 : index
    %get3A_7 = vector.load %arg1[%get3A_4, %get3A_5, %get3A_6] : memref<2x2000x128xf32, #tpu.memory_space<vmem>>, vector<1x2000x128xf32>
    %get3A_8 = vector.shape_cast %get3A_7 : vector<1x2000x128xf32> to vector<2000x128xf32>
    %add3A = arith.addf %get3A_3, %get3A_8 : vector<2000x128xf32>
    %get3A_9 = arith.constant 0 : index
    %get3A_10 = arith.constant 0 : index
    %get3A_11 = vector.load %arg2[%get3A_9, %get3A_10] : memref<2000x128xf32, #tpu.memory_space<vmem>>, vector<2000x128xf32>
    %add3A_12 = arith.addf %add3A, %get3A_11 : vector<2000x128xf32>
    %get3A_13 = arith.constant 0 : index
    %get3A_14 = arith.constant 0 : index
    %get3A_15 = vector.load %arg3[%get3A_13, %get3A_14] : memref<2000x1xf32, #tpu.memory_space<vmem>>, vector<2000x1xf32>
    %mul3A = vector.broadcast %get3A_15 : vector<2000x1xf32> to vector<2000x128xf32>
    %mul3A_16 = arith.mulf %add3A_12, %mul3A : vector<2000x128xf32>
    %get3A_17 = arith.constant 0 : index
    %get3A_18 = arith.constant 0 : index
    %get3A_19 = vector.load %arg5[%get3A_17, %get3A_18] : memref<1x128xf32, #tpu.memory_space<vmem>>, vector<1x128xf32>
    %add3A_20 = vector.broadcast %get3A_19 : vector<1x128xf32> to vector<2000x128xf32>
    %add3A_21 = arith.addf %mul3A_16, %add3A_20 : vector<2000x128xf32>
    %max3A = arith.constant 0.000000e+00 : f32
    %max3A_22 = vector.broadcast %max3A : f32 to vector<2000x128xf32>
    %max3A_23 = arith.maximumf %add3A_21, %max3A_22 : vector<2000x128xf32>
    %get3A_24 = arith.constant 0 : index
    %get3A_25 = arith.constant 0 : index
    %get3A_26 = vector.load %arg4[%get3A_24, %get3A_25] : memref<128x128xf32, #tpu.memory_space<vmem>>, vector<128x128xf32>
    %dot_general3A = arith.constant dense<0.000000e+00> : vector<2000x128xf32>
    %dot_general3A_27 = tpu.matmul %max3A_23, %get3A_26, %dot_general3A {dimension_numbers = #tpu.dot_dimension_numbers<[1], [0], [0], [1], [0, 0, 1, 1], [], []>, transpose_lhs_hint = false} : vector<2000x128xf32>, vector<128x128xf32>, vector<2000x128xf32> -> vector<2000x128xf32>
    %get3A_28 = arith.constant 0 : index
    %get3A_29 = arith.constant 0 : index
    %get3A_30 = vector.load %arg3[%get3A_28, %get3A_29] : memref<2000x1xf32, #tpu.memory_space<vmem>>, vector<2000x1xf32>
    %mul3A_31 = vector.broadcast %get3A_30 : vector<2000x1xf32> to vector<2000x128xf32>
    %mul3A_32 = arith.mulf %dot_general3A_27, %mul3A_31 : vector<2000x128xf32>
    %swap3A = arith.constant 0 : index
    %swap3A_33 = arith.constant 0 : index
    %swap3A_34 = vector.load %arg6[%swap3A, %swap3A_33] : memref<2000x128xf32, #tpu.memory_space<vmem>>, vector<2000x128xf32>
    tpu.vector_store %arg6[%swap3A, %swap3A_33], %mul3A_32 {strides = array<i32>} : memref<2000x128xf32, #tpu.memory_space<vmem>>, vector<2000x128xf32>,
    return
  }
  func.func @transform_0(%arg0: i32) -> (i32, i32, i32) {
    %c0_i32 = arith.constant 0 : i32
    %c0_i32_0 = arith.constant 0 : i32
    %c0_i32_1 = arith.constant 0 : i32
    return %c0_i32, %arg0, %c0_i32_0 : i32, i32, i32
  }
  func.func @transform_1(%arg0: i32) -> (i32, i32) {
    %c0_i32 = arith.constant 0 : i32
    %c0_i32_0 = arith.constant 0 : i32
    return %arg0, %c0_i32 : i32, i32
  }
  func.func @transform_2(%arg0: i32) -> (i32, i32) {
    %c0_i32 = arith.constant 0 : i32
    %c0_i32_0 = arith.constant 0 : i32
    return %arg0, %c0_i32 : i32, i32
  }
  func.func @transform_3(%arg0: i32) -> (i32, i32) {
    %c0_i32 = arith.constant 0 : i32
    %c0_i32_0 = arith.constant 0 : i32
    %c0_i32_1 = arith.constant 0 : i32
    return %c0_i32, %c0_i32_0 : i32, i32
  }
  func.func @transform_4(%arg0: i32) -> (i32, i32) {
    %c0_i32 = arith.constant 0 : i32
    %c0_i32_0 = arith.constant 0 : i32
    %c0_i32_1 = arith.constant 0 : i32
    return %c0_i32, %c0_i32_0 : i32, i32
  }
  func.func @transform_5(%arg0: i32) -> (i32, i32) {
    %c0_i32 = arith.constant 0 : i32
    %c0_i32_0 = arith.constant 0 : i32
    return %arg0, %c0_i32 : i32, i32
  }
}

module attributes {stable_mosaic.version = 14 : i64} {
  func.func @_t3_body(%arg0: i32, %arg1: memref<2x2000x128xf32, #tpu.memory_space<vmem>>, %arg2: memref<2000x128xf32, #tpu.memory_space<vmem>>, %arg3: memref<2000x1xf32, #tpu.memory_space<vmem>>, %arg4: memref<1x128xf32, #tpu.memory_space<vmem>>, %arg5: memref<2000x1xf32, #tpu.memory_space<vmem>>, %arg6: memref<2000x128xf32, #tpu.memory_space<vmem>>) attributes {dimension_semantics = [#tpu.dimension_semantics<arbitrary>], iteration_bounds = array<i64: 5>, scalar_prefetch = 0 : i64, scratch_operands = 0 : i64, tpu.core_type = #tpu.core_type<tc>, window_params = [{transform_indices = @transform_0, window_bounds = array<i64: 2, 2000, 128>}, {transform_indices = @transform_1, window_bounds = array<i64: 2000, 128>}, {transform_indices = @transform_2, window_bounds = array<i64: 2000, 1>}, {pipeline_mode = #tpu.pipeline_mode<synchronous>, transform_indices = @transform_3, window_bounds = array<i64: 1, 128>}, {transform_indices = @transform_4, window_bounds = array<i64: 2000, 1>}, {transform_indices = @transform_5, window_bounds = array<i64: 2000, 128>}]} {
    %get3A = arith.constant 0 : index
    %get3A_0 = arith.constant 0 : index
    %get3A_1 = arith.constant 0 : index
    %get3A_2 = vector.load %arg1[%get3A, %get3A_0, %get3A_1] : memref<2x2000x128xf32, #tpu.memory_space<vmem>>, vector<1x2000x128xf32>
    %get3A_3 = vector.shape_cast %get3A_2 : vector<1x2000x128xf32> to vector<2000x128xf32>
    %get3A_4 = arith.constant 1 : index
    %get3A_5 = arith.constant 0 : index
    %get3A_6 = arith.constant 0 : index
    %get3A_7 = vector.load %arg1[%get3A_4, %get3A_5, %get3A_6] : memref<2x2000x128xf32, #tpu.memory_space<vmem>>, vector<1x2000x128xf32>
    %get3A_8 = vector.shape_cast %get3A_7 : vector<1x2000x128xf32> to vector<2000x128xf32>
    %add3A = arith.addf %get3A_3, %get3A_8 : vector<2000x128xf32>
    %get3A_9 = arith.constant 0 : index
    %get3A_10 = arith.constant 0 : index
    %get3A_11 = vector.load %arg2[%get3A_9, %get3A_10] : memref<2000x128xf32, #tpu.memory_space<vmem>>, vector<2000x128xf32>
    %add3A_12 = arith.addf %add3A, %get3A_11 : vector<2000x128xf32>
    %get3A_13 = arith.constant 0 : index
    %get3A_14 = arith.constant 0 : index
    %get3A_15 = vector.load %arg3[%get3A_13, %get3A_14] : memref<2000x1xf32, #tpu.memory_space<vmem>>, vector<2000x1xf32>
    %mul3A = vector.broadcast %get3A_15 : vector<2000x1xf32> to vector<2000x128xf32>
    %mul3A_16 = arith.mulf %add3A_12, %mul3A : vector<2000x128xf32>
    %get3A_17 = arith.constant 0 : index
    %get3A_18 = arith.constant 0 : index
    %get3A_19 = vector.load %arg4[%get3A_17, %get3A_18] : memref<1x128xf32, #tpu.memory_space<vmem>>, vector<1x128xf32>
    %add3A_20 = vector.broadcast %get3A_19 : vector<1x128xf32> to vector<2000x128xf32>
    %add3A_21 = arith.addf %mul3A_16, %add3A_20 : vector<2000x128xf32>
    %get3A_22 = arith.constant 0 : index
    %get3A_23 = arith.constant 0 : index
    %get3A_24 = vector.load %arg5[%get3A_22, %get3A_23] : memref<2000x1xf32, #tpu.memory_space<vmem>>, vector<2000x1xf32>
    %gt3A = arith.constant 0.000000e+00 : f32
    %gt3A_25 = vector.broadcast %gt3A : f32 to vector<2000x1xf32>
    %gt3A_26 = arith.cmpf ogt, %get3A_24, %gt3A_25 : vector<2000x1xf32>
    %jit3A = arith.constant 0.000000e+00 : f32
    %broadcast_in_dim3A = vector.shape_cast %gt3A_26 : vector<2000x1xi1> to vector<2000x1xi1>
    %broadcast_in_dim3A_27 = vector.broadcast %broadcast_in_dim3A : vector<2000x1xi1> to vector<2000x128xi1>
    %broadcast_in_dim3A_28 = vector.broadcast %jit3A : f32 to vector<2000x128xf32>
    %select_n3A = arith.select %broadcast_in_dim3A_27, %broadcast_in_dim3A_28, %add3A_21 : vector<2000x128xi1>, vector<2000x128xf32>
    %swap3A = arith.constant 0 : index
    %swap3A_29 = arith.constant 0 : index
    %swap3A_30 = vector.load %arg6[%swap3A, %swap3A_29] : memref<2000x128xf32, #tpu.memory_space<vmem>>, vector<2000x128xf32>
    tpu.vector_store %arg6[%swap3A, %swap3A_29], %select_n3A {strides = array<i32>} : memref<2000x128xf32, #tpu.memory_space<vmem>>, vector<2000x128xf32>,
    return
  }
  func.func @transform_0(%arg0: i32) -> (i32, i32, i32) {
    %c0_i32 = arith.constant 0 : i32
    %c0_i32_0 = arith.constant 0 : i32
    %c0_i32_1 = arith.constant 0 : i32
    return %c0_i32, %arg0, %c0_i32_0 : i32, i32, i32
  }
  func.func @transform_1(%arg0: i32) -> (i32, i32) {
    %c0_i32 = arith.constant 0 : i32
    %c0_i32_0 = arith.constant 0 : i32
    return %arg0, %c0_i32 : i32, i32
  }
  func.func @transform_2(%arg0: i32) -> (i32, i32) {
    %c0_i32 = arith.constant 0 : i32
    %c0_i32_0 = arith.constant 0 : i32
    return %arg0, %c0_i32 : i32, i32
  }
  func.func @transform_3(%arg0: i32) -> (i32, i32) {
    %c0_i32 = arith.constant 0 : i32
    %c0_i32_0 = arith.constant 0 : i32
    %c0_i32_1 = arith.constant 0 : i32
    return %c0_i32, %c0_i32_0 : i32, i32
  }
  func.func @transform_4(%arg0: i32) -> (i32, i32) {
    %c0_i32 = arith.constant 0 : i32
    %c0_i32_0 = arith.constant 0 : i32
    return %arg0, %c0_i32 : i32, i32
  }
  func.func @transform_5(%arg0: i32) -> (i32, i32) {
    %c0_i32 = arith.constant 0 : i32
    %c0_i32_0 = arith.constant 0 : i32
    return %arg0, %c0_i32 : i32, i32
  }
}

</mosaic_0001>

<sc_bundles>
// kernel: kernel.11.cloned.1.call-start
scs
__scs_entry_jumppad:
0x0: {  	(pc) =	sbr.rel $0x88, $3  }
0x1: {  	(tag) =	ssettag $0x0;
	lr =	simm.s32 $0x1  }
0x2: {  	[smem:$0x3F9A] =	sst lr;
	_ =	strace $0xD0000000  }
0x3: {  	_ = 	snop  }
0x4: {  	_ = 	snop  }
0x5: {  	_ = 	snop  }
0x6: {  	_ = 	snop  }
0x7: {  	_ = 	snop  }
__scs_overlays_trampoline_lowered:
0x8: {  	[smem:$0x3FA9] =	sst s0  }
0x9: {  	[smem:$0x3FAA] =	sst s1  }
0xa: {  	[smem:$0x3FAB] =	sst s2  }
0xb: {  	[smem:$0x3FAC] =	sst s3  }
0xc: {  	[smem:$0x3FAD] =	sst s4  }
0xd: {  	[smem:$0x3FAE] =	sst s5  }
0xe: {  	[smem:$0x3FAF] =	sst s6  }
0xf: {  	[smem:$0x3FB0] =	sst s7  }
0x10: {  	[smem:$0x3FB1] =	sst s8  }
0x11: {  	[smem:$0x3FB2] =	sst s9;
	s0 =	simm.s32 @!p0 $0x0  }
0x12: {  	s1 =	sld [smem:$0x3F98];
	s0 =	simm.s32 @p0 $0x1  }
0x13: {  	[smem:$0x3FB3] =	sst s0;
	s0 =	simm.s32 @!p1 $0x0  }
0x14: {  	s2 =	sld [smem:$0x3F97];
	s0 =	simm.s32 @p1 $0x1  }
0x15: {  	[smem:$0x3FB4] =	sst s0;
	s0 =	simm.s32 @!p2 $0x0  }
0x16: {  	s3 =	sld [smem:$0x3FDB];
	s0 =	simm.s32 @p2 $0x1  }
0x17: {  	s4 =	simm.s32 $0x1BF5;
	[smem:$0x3FB6] =	sst s0  }
0x18: {  	s0 =	sld [smem:$0x3F99];
	_ =	swait.ge [sflag:s4], $0x0  }
0x19: {  	s7 =	sld [smem:$0x3F9A]  }
0x1a: {  	s8 =	sadd.s32 $0xFFFFE003, lr  }
0x1b: {  	s9 =	sadd.s32 $0xFFFFFEF7, lr;
	s5 =	simm.s32 $0xFFFFFFFF;
	p2 =	slt.u32 s8, $0xFFFFF086  }
0x1c: {  	p1 =	slt.u32 s9, $0xF7A;
	s5 =	simm.s32 @!p2 $0x0  }
0x1d: {  	s5 =	simm.s32 @p1 $0x1;
	p0 =	seq.s32 s7, s2  }
0x1e: {  	s7 =	smul.u32 @!p0 $0xF7A, s2;
	p2 =	seq.s32 @!p0 s5, $0x0  }
0x1f: {  	s9 =	smul.u32 $0xF7A, s1;
	s8 =	simm.s32 @!p0 $0x1BF5;
	p2 =	por !p2, p0  }
0x20: {  	[sflag:s8] =	ssyncset.s32 @!p0 $0xFFFFF086;
	s6 =	sadd.s32 @!p0 s3, s7;
	s7 =	simm.s32 @!p0 $0x108  }
0x21: {  	s3 =	sadd.s32 s3, s9;
	s6 =	sadd.s32 @!p0 $0x88, s6;
	s7 =	simm.s32 @p2 $0x1082  }
0x22: {  	[simem:s7], [sflag:s8] =	dma.local @!p0 [hbm:s6], $0xF7A  }
0x23: {  	s9 =	sor.u32 $0xD0000000, s2;
	s6 =	simm.s32 $0x108;
	_ =	swait.ge @!p0 [sflag:s8], $0x0  }
0x24: {  	s3 =	sadd.s32 $0x88, s3;
	s6 =	simm.s32 @!p1 $0x1082;
	[sflag:s4] =	ssyncset.s32 $0xFFFFF086  }
0x25: {  	[simem:s6], [sflag:s4] =	dma.local [hbm:s3], $0xF7A  }
0x26: {  	[smem:$0x3F9A] =	sst s1;
	(tag) =	ssettag s2;
	_ =	strace s9  }
0x27: {  	s1 =	sld [smem:$0x3FAA]  }
0x28: {  	s2 =	sld [smem:$0x3FAB]  }
0x29: {  	s4 =	sld [smem:$0x3FAD]  }
0x2a: {  	p0 =	seq.s32 s5, $0x0;
	s5 =	sld [smem:$0x3FAE]  }
0x2b: {  	s6 =	sld [smem:$0x3FAF]  }
0x2c: {  	s7 =	sld [smem:$0x3FB0]  }
0x2d: {  	s3 =	simm.s32 $0x108;
	s8 =	sld [smem:$0x3FB1]  }
0x2e: {  	s3 =	simm.s32 @!p0 $0x1082;
	s9 =	sld [smem:$0x3FB2]  }
0x2f: {  	lr =	sadd.s32 s0, s3;
	s0 =	sld [smem:$0x3FA9]  }
0x30: {  	s3 =	sld [smem:$0x3FAC]  }
0x31: {  	[smem:$0x3FB5] =	sst s10  }
0x32: {  	s10 =	sld [smem:$0x3FB3];
	_ =	sdelay $0x3  }
0x33: {  	p0 =	seq.s32 s10, $0x1;
	s10 =	sld [smem:$0x3FB5];
	_ =	sdelay $0x3  }
0x34: {  	[smem:$0x3FB5] =	sst s10  }
0x35: {  	s10 =	sld [smem:$0x3FB4];
	_ =	sdelay $0x3  }
0x36: {  	p1 =	seq.s32 s10, $0x1;
	s10 =	sld [smem:$0x3FB5];
	_ =	sdelay $0x3  }
0x37: {  	[smem:$0x3FB5] =	sst s10  }
0x38: {  	s10 =	sld [smem:$0x3FB6]  }
0x39: {  	_ = 	snop;
	(pc) =	sbr.ind lr, $3  }
0x3a: {  	_ = 	snop  }
0x3b: {  	_ = 	snop  }
0x3c: {  	p2 =	seq.s32 s10, $0x1;
	s10 =	sld [smem:$0x3FB5]  }
0x3d: {  	_ =	shalt  }
0x3e: {  	_ =	shalt  }
0x3f: {  	_ =	shalt  }
0x40: {  	_ =	shalt  }
0x41: {  	_ =	shalt  }
0x42: {  	_ =	shalt  }
0x43: {  	_ =	shalt  }
0x44: {  	_ =	shalt  }
0x45: {  	_ =	shalt  }
0x46: {  	_ =	shalt  }
0x47: {  	_ =	shalt  }
0x48: {  	_ =	shalt  }
0x49: {  	_ =	shalt  }
0x4a: {  	_ =	shalt  }
0x4b: {  	_ =	shalt  }
0x4c: {  	_ =	shalt  }
0x4d: {  	_ =	shalt  }
0x4e: {  	_ =	shalt  }
0x4f: {  	_ =	shalt  }
0x50: {  	_ =	shalt  }
0x51: {  	_ =	shalt  }
0x52: {  	_ =	shalt  }
0x53: {  	_ =	shalt  }
0x54: {  	_ =	shalt  }
0x55: {  	_ =	shalt  }
0x56: {  	_ =	shalt  }
0x57: {  	_ =	shalt  }
0x58: {  	_ =	shalt  }
0x59: {  	_ =	shalt  }
0x5a: {  	_ =	shalt  }
0x5b: {  	_ =	shalt  }
0x5c: {  	_ =	shalt  }
0x5d: {  	_ =	shalt  }
0x5e: {  	_ =	shalt  }
0x5f: {  	_ =	shalt  }
0x60: {  	_ =	shalt  }
0x61: {  	_ =	shalt  }
0x62: {  	_ =	shalt  }
0x63: {  	_ =	shalt  }
0x64: {  	_ =	shalt  }
0x65: {  	_ =	shalt  }
0x66: {  	_ =	shalt  }
0x67: {  	_ =	shalt  }
0x68: {  	_ =	shalt  }
0x69: {  	_ =	shalt  }
0x6a: {  	_ =	shalt  }
0x6b: {  	_ =	shalt  }
0x6c: {  	_ =	shalt  }
0x6d: {  	_ =	shalt  }
0x6e: {  	_ =	shalt  }
0x6f: {  	_ =	shalt  }
0x70: {  	_ =	shalt  }
0x71: {  	_ =	shalt  }
0x72: {  	_ =	shalt  }
0x73: {  	_ =	shalt  }
0x74: {  	_ =	shalt  }
0x75: {  	_ =	shalt  }
0x76: {  	_ =	shalt  }
0x77: {  	_ =	shalt  }
0x78: {  	_ =	shalt  }
0x79: {  	_ =	shalt  }
0x7a: {  	_ =	shalt  }
0x7b: {  	_ =	shalt  }
0x7c: {  	_ =	shalt  }
0x7d: {  	_ =	shalt  }
0x7e: {  	_ =	shalt  }
0x7f: {  	_ =	shalt  }
0x80: {  	_ =	shalt  }
0x81: {  	_ =	shalt  }
0x82: {  	_ =	shalt  }
0x83: {  	_ =	shalt  }
0x84: {  	_ =	shalt  }
0x85: {  	_ =	shalt  }
0x86: {  	_ =	shalt  }
0x87: {  	_ =	shalt  }
.Lfunc_end0:
.L_simem_size_0:
called_computation.1_lowered:
.L_overlay_start_0:
0x88: {  	s2 =	sld [smem:$0x3FD9]  }
0x89: {  	s3 =	sld [smem:$0x3FFE];
	_ =	sdelay $0x1  }
0x8a: {  	s1 =	srdreg.scid  }
0x8b: {  	s0 =	sand.u32 $0x1, s1  }
0x8c: {  	s17 =	sshll.u32 s0, $0xA;
	s2 =	sadd.s32 s3, s2  }
0x8d: {  	s2 =	sadd.s32 s2, s17  }
0x8e: {  	[smem:$0x3FC1] =	sst s2  }
0x8f: {  	_ = 	snop  }
0x90: {  	s2 =	sld [smem:$0x3FD0];
	(tm) =	ssettm $0x1  }
0x91: {  	s18 =	sld [smem:$0x3FFB];
	_ =	sdelay $0x3  }
0x92: {  	_ =	strace s18  }
0x93: {  	s3 =	sld [smem:$0x3FFC];
	_ =	sdelay $0x3  }
0x94: {  	_ =	strace s3  }
0x95: {  	s3 =	sld [smem:$0x3FFD];
	_ =	sdelay $0x3  }
0x96: {  	_ =	strace s3  }
0x97: {  	_ =	strace $0x8FFFFFFF  }
0x98: {  	s19 =	sld [smem:$0x3FDB];
	_ =	sdelay $0x1  }
0x99: {  	s4 =	simm.s32 $_scs_section_size  }
0x9a: {  	s5 =	simm.s32 $_size__tile_overlayer_lowered;
	s6 =	simm.s32 $_tile_overlayer_lowered  }
0x9b: {  	s22 =	simm.s32 $0x1BFF;
	s21 =	sshll.u32 s6, $0x1;
	s3 =	sadd.s32 s4, s19  }
0x9c: {  	s7 =	simm.s32 $0x0;
	s20 =	sshll.u32 s5, $0x1;
	s5 =	sadd.s32 s21, s3  }
0x9d: {  	[timem:s7], [sflag:s22] =	dma.local [hbm:s5], s20  }
0x9e: {  	_ =	swait.ge [sflag:s22], s20  }
0x9f: {  	s4 =	ssub.s32 $0x0, s20;
	[sflag:s22] =	ssyncset.done $0x0  }
0xa0: {  	[sflag:s22] =	ssyncadd.s32 s4;
	_ =	sdelay $0x1  }
0xa1: {  	s23 =	simm.s32 $0x1B8B  }
0xa2: {  	_ =	swait.ge [sflag:s23], $0x1  }
0xa3: {  	[sflag:s23] =	ssyncset.done $0x0  }
0xa4: {  	s25 =	simm.s32 $0x1B8E;
	s24 =	sld [smem:$0x3FFE];
	[sflag:s23] =	ssyncadd.s32 $0xFFFFFFFF  }
0xa5: {  	s26 =	simm.s32 $execute0_lowered;
	[smem:$0x3FD2] =	sst s25  }
0xa6: {  	s5 =	sshll.u32 s26, $0x1;
	_ =	strace $0x80000049;
	[dreg:$0x1] =	wrdreg $0xFFFFFFFF  }
0xa7: {  	s28 =	simm.s32 $_size_execute0_lowered;
	s3 =	sadd.s32 s3, s5;
	[dreg:$0x0] =	wrdreg $0x0  }
0xa8: {  	s5 =	sshll.u32 s28, $0x1;
	[dreg:$0x2] =	wrdreg s3  }
0xa9: {  	[dreg:$0x3] =	wrdreg s5  }
0xaa: {  	[dreg:$0x4] =	wrdreg $0xC0  }
0xab: {  	_ =	task [dreg:s7], $0x5FFFF  }
0xac: {  	[dreg:$0x1] =	wrdreg $0xFFFFFFFF  }
0xad: {  	[dreg:$0x0] =	wrdreg $0x60  }
0xae: {  	[dreg:$0x2] =	wrdreg s2  }
0xaf: {  	[dreg:$0x3] =	wrdreg s24  }
0xb0: {  	[dreg:$0x4] =	wrdreg $0xA8000  }
0xb1: {  	[dreg:$0x5] =	wrdreg $0x9  }
0xb2: {  	_ =	task.clear_ibuf [dreg:s7], $0x6FFFF;
	_ =	strace $0x90000049  }
0xb3: {  	s29 =	simm.s32 $0x9;
	_ =	strace $0x8000004B  }
0xb4: {  	_ =	swait.ge [sflag:s29], $0x1  }
0xb5: {  	[sflag:s29] =	ssyncadd.s32 $0xFFFFFFFF  }
0xb6: {  	_ =	strace $0x9000004B  }
0xb7: {  	_ =	sfence  }
0xb8: {  	s30 =	sld [smem:$0x0];
	_ =	sdelay $0x2  }
0xb9: {  	s31 =	sshll.u32 s1, $0xD;
	s1 =	sshrl.u32 s1, $0x2  }
0xba: {  	s3 =	sand.u32 $0x4000, s31;
	s1 =	sadd.s32 s1, s30  }
0xbb: {  	s0 =	sor.u32 s3, s0;
	s1 =	sshll.u32 s1, $0x11  }
0xbc: {  	s0 =	sor.u32 s1, s0  }
0xbd: {  	s0 =	sadd.s32 $0x8F2B, s0  }
0xbe: {  	[sflag:s0] =	ssyncadd.remote.s32 $0x1  }
0xbf: {  	_ =	sfence.sel $0xFFFF  }
0xc0: {  	[dreg:$0x0] =	wrdreg $0xFFFFFFFF;
	(pc) =	sbr.abs _section_cstart, $3  }
0xc1: {  	[dreg:$0x1] =	wrdreg $0xFFFFFFFF  }
0xc2: {  	_ =	task.clear_ibuf [dreg:s7], $0x2FFFF;
	_ =	strace $0x9FFFFFFF  }
0xc3: {  	(tm) =	ssettm $0x7FFFFFFF  }
tec
execute0_lowered:
.L_overlay_start_1:
0x0: {  	(tag) =	ssettag $0x1  }
0x1: {  	s1 =	rddreg [dreg:$0x0]  }
0x2: {  	s0 =	rddreg [dreg:$0x1]  }
0x3: {  	s3 =	rddreg [dreg:$0x2];
	s5 =	srdreg.scid;
	s4 =	simm.s32 $0x0  }
0x4: {  	s2 =	stileid.u32;
	s26 =	simm.s32 $0x2;
	s28 =	simm.s32 $0x1  }
0x5: {  	s29 =	simm.s32 $0x50;
	s30 =	simm.s32 $0x0;
	s11 =	sand.u32 $0x1, s5  }
0x6: {  	[smem:$0x7FF] =	sst s4;
	s6 =	sshll.u32 s2, $0xB;
	s7 =	smul.u32 $0x50000, s2  }
0x7: {  	s14 =	smul.u32 $0x14000, s2;
	s5 =	sshll.u32 s11, $0xF;
	_ =	strace $0x8000004A  }
0x8: {  	s31 =	ssub.s32 $0x2, s11;
	s22 =	smul.u32 $0x140000, s11;
	s5 =	sor.u32 s6, s5  }
0x9: {  	s8 =	sshrl.u32 s31, $0x1;
	s7 =	sshrl.u32 s7, $0x2;
	s15 =	sor.u32 $0x2800, s14  }
0xa: {  	s17 =	sadd.s32 $0x5000, s14;
	s18 =	sadd.s32 $0x7800, s14;
	s19 =	sadd.s32 $0xA000, s14  }
0xb: {  	s20 =	sadd.s32 $0xC800, s14;
	s21 =	sadd.s32 $0xF000, s14;
	s24 =	sadd.s32 $0x11800, s14  }
0xc: {  	s6 =	sadd.s32 s5, s0;
	s0 =	sadd.s32 $0x22600, s0;
	s23 =	ssub.s32 s31, s8  }
0xd: {  	s7 =	sadd.s32 s7, s3;
	s8 =	sadd.s32 s15, s3;
	s9 =	sadd.s32 s17, s3  }
0xe: {  	s10 =	sadd.s32 s18, s3;
	s11 =	sadd.s32 s19, s3;
	s12 =	sadd.s32 s20, s3  }
0xf: {  	s13 =	sadd.s32 s21, s3;
	s16 =	sadd.s32 s14, s22;
	s15 =	sadd.s32 s22, s15  }
0x10: {  	s14 =	sadd.s32 s24, s3;
	s17 =	sadd.s32 s22, s17;
	s18 =	sadd.s32 s22, s18  }
0x11: {  	s19 =	sadd.s32 s22, s19;
	s20 =	sadd.s32 s22, s20;
	s21 =	sadd.s32 s22, s21  }
0x12: {  	s22 =	sadd.s32 s22, s24;
	s5 =	sadd.s32 $0x12600, s6;
	s6 =	sadd.s32 $0x2600, s6  }
0x13: {  	s16 =	sshrl.u32 s16, $0x3;
	s25 =	sshrl.u32 s15, $0x3;
	s17 =	sshrl.u32 s17, $0x3  }
0x14: {  	s18 =	sshrl.u32 s18, $0x3;
	s19 =	sshrl.u32 s19, $0x3;
	s20 =	sshrl.u32 s20, $0x3  }
0x15: {  	s21 =	sshrl.u32 s21, $0x3;
	s22 =	sshrl.u32 s22, $0x3;
	s23 =	smax.u32 s23, $0x1  }
0x16: {  	s15 =	sadd.s32 s0, s16;
	s16 =	sadd.s32 s0, s25;
	s17 =	sadd.s32 s0, s17  }
0x17: {  	s18 =	sadd.s32 s0, s18;
	s19 =	sadd.s32 s0, s19;
	s20 =	sadd.s32 s0, s20  }
0x18: {  	v0 =	vimm.f32 $0.0e+00;
	s21 =	sadd.s32 s0, s21;
	s22 =	sadd.s32 s0, s22;
	s25 =	simm.s32 $0x8000  }
.LBB2_1:
0x19: {  	[tilespmem:s4], [sflag:$0x1] =	stream.linear.gather [hbm4b:s5+s4], $0x3E80, $0x38;
	[tilespmem:$0x1E800] =	vst v63  }
0x1a: {  	s0 =	simm.s32 $0x4000  }
0x1b: {  	[tilespmem:s0], [sflag:$0x1] =	stream.linear.gather [hbm4b:s6+s4], $0x3E80, $0x38;
	[tilespmem:$0x1E800] =	vst v63  }
0x1c: {  	s31 =	simm.s32 $0x0;
	s0 =	simm.s32 $0x200  }
.LBB2_2:
0x1d: {  	p0 =	sne.s32 s0, $0x9E00;
	[tilespmem:s31+$0x8070] =	vst v0  }
0x1e: {  	[tilespmem:s31+$0x8000] =	vst v0  }
0x1f: {  	[tilespmem:s31+$0x8010] =	vst v0  }
.Ltmp0:
0x20: {  	[tilespmem:s31+$0x8020] =	vst v0;
	(pc) =	sbr.rel @p0 .LBB2_2-.Ltmp0, $4  }
0x21: {  	[tilespmem:s31+$0x8030] =	vst v0  }
0x22: {  	[tilespmem:s31+$0x8040] =	vst v0  }
0x23: {  	[tilespmem:s31+$0x8050] =	vst v0  }
0x24: {  	[tilespmem:s31+$0x8060] =	vst v0;
	s31 =	sshra.s32 s0, $0x2;
	s0 =	sadd.s32 $0x200, s0  }
0x25: {  	[tilespmem:s31+$0x8070] =	vst v0  }
0x26: {  	[tilespmem:s31+$0x8000] =	vst v0  }
0x27: {  	[tilespmem:s31+$0x8010] =	vst v0  }
0x28: {  	[tilespmem:s31+$0x8020] =	vst v0  }
0x29: {  	[tilespmem:s31+$0x8030] =	vst v0  }
0x2a: {  	[tilespmem:s31+$0x8040] =	vst v0  }
0x2b: {  	[tilespmem:s31+$0x8050] =	vst v0  }
0x2c: {  	[tilespmem:s31+$0x8060] =	vst v0  }
0x2d: {  	[spmem:s7] =	stream.linear.scatter [tilespmem:s25], [sflag:$0x2], $0x2800, $0x38;
	[tilespmem:$0x1E800] =	vst v63  }
0x2e: {  	_ =	swait.ge [sflag:s26], $0x2800  }
0x2f: {  	[sflag:s26] =	ssyncset.done $0x0  }
0x30: {  	[sflag:s26] =	ssyncadd.s32 $0xFFFFD800  }
0x31: {  	[spmem:s8] =	stream.linear.scatter [tilespmem:s25], [sflag:$0x2], $0x2800, $0x38;
	[tilespmem:$0x1E800] =	vst v63  }
0x32: {  	_ =	swait.ge [sflag:s26], $0x2800  }
0x33: {  	[sflag:s26] =	ssyncset.done $0x0  }
0x34: {  	[sflag:s26] =	ssyncadd.s32 $0xFFFFD800  }
0x35: {  	[spmem:s9] =	stream.linear.scatter [tilespmem:s25], [sflag:$0x2], $0x2800, $0x38;
	[tilespmem:$0x1E800] =	vst v63  }
0x36: {  	_ =	swait.ge [sflag:s26], $0x2800  }
0x37: {  	[sflag:s26] =	ssyncset.done $0x0  }
0x38: {  	[sflag:s26] =	ssyncadd.s32 $0xFFFFD800  }
0x39: {  	[spmem:s10] =	stream.linear.scatter [tilespmem:s25], [sflag:$0x2], $0x2800, $0x38;
	[tilespmem:$0x1E800] =	vst v63  }
0x3a: {  	_ =	swait.ge [sflag:s26], $0x2800  }
0x3b: {  	[sflag:s26] =	ssyncset.done $0x0  }
0x3c: {  	[sflag:s26] =	ssyncadd.s32 $0xFFFFD800  }
0x3d: {  	[spmem:s11] =	stream.linear.scatter [tilespmem:s25], [sflag:$0x2], $0x2800, $0x38;
	[tilespmem:$0x1E800] =	vst v63  }
0x3e: {  	_ =	swait.ge [sflag:s26], $0x2800  }
0x3f: {  	[sflag:s26] =	ssyncset.done $0x0  }
0x40: {  	[sflag:s26] =	ssyncadd.s32 $0xFFFFD800  }
0x41: {  	[spmem:s12] =	stream.linear.scatter [tilespmem:s25], [sflag:$0x2], $0x2800, $0x38;
	[tilespmem:$0x1E800] =	vst v63  }
0x42: {  	_ =	swait.ge [sflag:s26], $0x2800  }
0x43: {  	[sflag:s26] =	ssyncset.done $0x0  }
0x44: {  	[sflag:s26] =	ssyncadd.s32 $0xFFFFD800  }
0x45: {  	[spmem:s13] =	stream.linear.scatter [tilespmem:s25], [sflag:$0x2], $0x2800, $0x38;
	[tilespmem:$0x1E800] =	vst v63  }
0x46: {  	_ =	swait.ge [sflag:s26], $0x2800  }
0x47: {  	[sflag:s26] =	ssyncset.done $0x0  }
0x48: {  	[sflag:s26] =	ssyncadd.s32 $0xFFFFD800  }
0x49: {  	[spmem:s14] =	stream.linear.scatter [tilespmem:s25], [sflag:$0x2], $0x2800, $0x38;
	[tilespmem:$0x1E800] =	vst v63  }
0x4a: {  	_ =	swait.ge [sflag:s26], $0x2800  }
0x4b: {  	[sflag:s26] =	ssyncset.done $0x0  }
0x4c: {  	[sflag:s26] =	ssyncadd.s32 $0xFFFFD800  }
0x4d: {  	_ =	swait.ge [sflag:s28], $0x3E80  }
0x4e: {  	[sflag:s28] =	ssyncset.done $0x0  }
0x4f: {  	[sflag:s28] =	ssyncadd.s32 $0xFFFFC180  }
0x50: {  	_ =	swait.ge [sflag:s28], $0x3E80  }
0x51: {  	[sflag:s28] =	ssyncset.done $0x0  }
0x52: {  	[sflag:s28] =	ssyncadd.s32 $0xFFFFC180  }
0x53: {  	s0 =	simm.s32 $0x0;
	[bflag:$0x0] =	sbarrier.arrive $0xFFFF  }
0x54: {  	[tilespmem:s25], [sflag:$0x1] =	stream.indirect.gather [hbm4b:s1+s29], $0x80, s0, s29, $0xb8;
	[tilespmem:$0x1E800] =	vst v63  }
0x55: {  	_ =	swait.ge [sflag:s28], $0x2800  }
0x56: {  	[sflag:s28] =	ssyncset.done $0x0  }
0x57: {  	s24 =	simm.s32 $0x4000;
	[sflag:s28] =	ssyncadd.s32 $0xFFFFD800  }
0x58: {  	[spmem:s3] =	stream.indirect.scatter.add.f32 [tilespmem:s25], [sflag:$0x1], $0x80, s24, s29, $0xb8;
	[tilespmem:$0x1E800] =	vst v63  }
0x59: {  	_ =	swait.ge [sflag:s28], $0x2800  }
0x5a: {  	s31 =	simm.s32 $0x200;
	s0 =	simm.s32 $0x400;
	[sflag:s28] =	ssyncset.done $0x0  }
.LBB2_4:
0x5b: {  	s2 =	sshra.s32 s31, $0x2  }
0x5c: {  	[sflag:s28] =	ssyncadd.s32 $0xFFFFD800;
	s31 =	smov.u32 s0;
	s24 =	sadd.s32 $0x200, s0  }
0x5d: {  	[tilespmem:s25], [sflag:$0x1] =	stream.indirect.gather [hbm4b:s1+s29], $0x80, s2, s29, $0xb8;
	[tilespmem:$0x1E800] =	vst v63  }
0x5e: {  	p0 =	sne.s32 s0, $0xF800;
	_ =	swait.ge [sflag:s28], $0x2800  }
.Ltmp1:
0x5f: {  	[sflag:s28] =	ssyncset.done $0x0;
	(pc) =	sbr.rel @p0 .LBB2_4-.Ltmp1, $4  }
0x60: {  	s0 =	sadd.s32 $0x4000, s2;
	[sflag:s28] =	ssyncadd.s32 $0xFFFFD800  }
0x61: {  	[spmem:s3] =	stream.indirect.scatter.add.f32 [tilespmem:s25], [sflag:$0x1], $0x80, s0, s29, $0xb8;
	[tilespmem:$0x1E800] =	vst v63  }
0x62: {  	_ =	swait.ge [sflag:s28], $0x2800  }
0x63: {  	s0 =	smov.u32 s24;
	[sflag:s28] =	ssyncset.done $0x0  }
0x64: {  	s0 =	sshra.s32 s31, $0x2;
	[sflag:s28] =	ssyncadd.s32 $0xFFFFD800  }
0x65: {  	[tilespmem:s25], [sflag:$0x1] =	stream.indirect.gather [hbm4b:s1+s29], $0x80, s0, s29, $0xb8;
	[tilespmem:$0x1E800] =	vst v63  }
0x66: {  	_ =	swait.ge [sflag:s28], $0x2800  }
0x67: {  	[sflag:s28] =	ssyncset.done $0x0  }
0x68: {  	s0 =	sadd.s32 $0x4000, s0;
	[sflag:s28] =	ssyncadd.s32 $0xFFFFD800  }
0x69: {  	[spmem:s3] =	stream.indirect.scatter.add.f32 [tilespmem:s25], [sflag:$0x1], $0x80, s0, s29, $0xb8;
	[tilespmem:$0x1E800] =	vst v63  }
0x6a: {  	_ =	swait.ge [sflag:s28], $0x2800  }
0x6b: {  	[sflag:s28] =	ssyncset.done $0x0  }
0x6c: {  	[sflag:s28] =	ssyncadd.s32 $0xFFFFD800  }
0x6d: {  	[bflag:$0x0] =	sbarrier.arrive $0xFFFF  }
0x6e: {  	[tilespmem:s25], [sflag:$0x2] =	stream.linear.gather [spmem:s7], $0x2800, $0x38;
	[tilespmem:$0x1E800] =	vst v63  }
0x6f: {  	_ =	swait.ge [sflag:s26], $0x2800  }
0x70: {  	[sflag:s26] =	ssyncset.done $0x0  }
0x71: {  	[sflag:s26] =	ssyncadd.s32 $0xFFFFD800  }
0x72: {  	[hbm4b:s15+s4] =	stream.linear.scatter [tilespmem:s25], [sflag:$0x2], $0x2800, $0x38;
	[tilespmem:$0x1E800] =	vst v63  }
0x73: {  	_ =	swait.ge [sflag:s26], $0x2800  }
0x74: {  	[sflag:s26] =	ssyncset.done $0x0  }
0x75: {  	[sflag:s26] =	ssyncadd.s32 $0xFFFFD800  }
0x76: {  	[tilespmem:s25], [sflag:$0x2] =	stream.linear.gather [spmem:s8], $0x2800, $0x38;
	[tilespmem:$0x1E800] =	vst v63  }
0x77: {  	_ =	swait.ge [sflag:s26], $0x2800  }
0x78: {  	[sflag:s26] =	ssyncset.done $0x0  }
0x79: {  	[sflag:s26] =	ssyncadd.s32 $0xFFFFD800  }
0x7a: {  	[hbm4b:s16+s4] =	stream.linear.scatter [tilespmem:s25], [sflag:$0x2], $0x2800, $0x38;
	[tilespmem:$0x1E800] =	vst v63  }
0x7b: {  	_ =	swait.ge [sflag:s26], $0x2800  }
0x7c: {  	[sflag:s26] =	ssyncset.done $0x0  }
0x7d: {  	[sflag:s26] =	ssyncadd.s32 $0xFFFFD800  }
0x7e: {  	[tilespmem:s25], [sflag:$0x2] =	stream.linear.gather [spmem:s9], $0x2800, $0x38;
	[tilespmem:$0x1E800] =	vst v63  }
0x7f: {  	_ =	swait.ge [sflag:s26], $0x2800  }
0x80: {  	[sflag:s26] =	ssyncset.done $0x0  }
0x81: {  	[sflag:s26] =	ssyncadd.s32 $0xFFFFD800  }
0x82: {  	[hbm4b:s17+s4] =	stream.linear.scatter [tilespmem:s25], [sflag:$0x2], $0x2800, $0x38;
	[tilespmem:$0x1E800] =	vst v63  }
0x83: {  	_ =	swait.ge [sflag:s26], $0x2800  }
0x84: {  	[sflag:s26] =	ssyncset.done $0x0  }
0x85: {  	[sflag:s26] =	ssyncadd.s32 $0xFFFFD800  }
0x86: {  	[tilespmem:s25], [sflag:$0x2] =	stream.linear.gather [spmem:s10], $0x2800, $0x38;
	[tilespmem:$0x1E800] =	vst v63  }
0x87: {  	_ =	swait.ge [sflag:s26], $0x2800  }
0x88: {  	[sflag:s26] =	ssyncset.done $0x0  }
0x89: {  	[sflag:s26] =	ssyncadd.s32 $0xFFFFD800  }
0x8a: {  	[hbm4b:s18+s4] =	stream.linear.scatter [tilespmem:s25], [sflag:$0x2], $0x2800, $0x38;
	[tilespmem:$0x1E800] =	vst v63  }
0x8b: {  	_ =	swait.ge [sflag:s26], $0x2800  }
0x8c: {  	[sflag:s26] =	ssyncset.done $0x0  }
0x8d: {  	[sflag:s26] =	ssyncadd.s32 $0xFFFFD800  }
0x8e: {  	[tilespmem:s25], [sflag:$0x2] =	stream.linear.gather [spmem:s11], $0x2800, $0x38;
	[tilespmem:$0x1E800] =	vst v63  }
0x8f: {  	_ =	swait.ge [sflag:s26], $0x2800  }
0x90: {  	[sflag:s26] =	ssyncset.done $0x0  }
0x91: {  	[sflag:s26] =	ssyncadd.s32 $0xFFFFD800  }
0x92: {  	[hbm4b:s19+s4] =	stream.linear.scatter [tilespmem:s25], [sflag:$0x2], $0x2800, $0x38;
	[tilespmem:$0x1E800] =	vst v63  }
0x93: {  	_ =	swait.ge [sflag:s26], $0x2800  }
0x94: {  	[sflag:s26] =	ssyncset.done $0x0  }
0x95: {  	[sflag:s26] =	ssyncadd.s32 $0xFFFFD800  }
0x96: {  	[tilespmem:s25], [sflag:$0x2] =	stream.linear.gather [spmem:s12], $0x2800, $0x38;
	[tilespmem:$0x1E800] =	vst v63  }
0x97: {  	_ =	swait.ge [sflag:s26], $0x2800  }
0x98: {  	[sflag:s26] =	ssyncset.done $0x0  }
0x99: {  	[sflag:s26] =	ssyncadd.s32 $0xFFFFD800  }
0x9a: {  	[hbm4b:s20+s4] =	stream.linear.scatter [tilespmem:s25], [sflag:$0x2], $0x2800, $0x38;
	[tilespmem:$0x1E800] =	vst v63  }
0x9b: {  	_ =	swait.ge [sflag:s26], $0x2800  }
0x9c: {  	[sflag:s26] =	ssyncset.done $0x0  }
0x9d: {  	[sflag:s26] =	ssyncadd.s32 $0xFFFFD800  }
0x9e: {  	[tilespmem:s25], [sflag:$0x2] =	stream.linear.gather [spmem:s13], $0x2800, $0x38;
	[tilespmem:$0x1E800] =	vst v63  }
0x9f: {  	_ =	swait.ge [sflag:s26], $0x2800  }
0xa0: {  	[sflag:s26] =	ssyncset.done $0x0  }
0xa1: {  	[sflag:s26] =	ssyncadd.s32 $0xFFFFD800  }
0xa2: {  	[hbm4b:s21+s4] =	stream.linear.scatter [tilespmem:s25], [sflag:$0x2], $0x2800, $0x38;
	[tilespmem:$0x1E800] =	vst v63  }
0xa3: {  	_ =	swait.ge [sflag:s26], $0x2800  }
0xa4: {  	[sflag:s26] =	ssyncset.done $0x0  }
0xa5: {  	[sflag:s26] =	ssyncadd.s32 $0xFFFFD800  }
0xa6: {  	[tilespmem:s25], [sflag:$0x2] =	stream.linear.gather [spmem:s14], $0x2800, $0x38;
	[tilespmem:$0x1E800] =	vst v63  }
0xa7: {  	s30 =	sadd.s32 $0x1, s30;
	_ =	swait.ge [sflag:s26], $0x2800  }
0xa8: {  	p0 =	sne.s32 s30, s23;
	[sflag:s26] =	ssyncset.done $0x0  }
.Ltmp2:
0xa9: {  	[sflag:s26] =	ssyncadd.s32 $0xFFFFD800;
	(pc) =	sbr.rel @p0 .LBB2_1-.Ltmp2, $4  }
0xaa: {  	[hbm4b:s22+s4] =	stream.linear.scatter [tilespmem:s25], [sflag:$0x2], $0x2800, $0x38;
	[tilespmem:$0x1E800] =	vst v63  }
0xab: {  	_ =	swait.ge [sflag:s26], $0x2800  }
0xac: {  	[sflag:s26] =	ssyncset.done $0x0  }
0xad: {  	[sflag:s26] =	ssyncadd.s32 $0xFFFFD800  }
0xae: {  	_ =	sfence.sel $0x180000  }
0xaf: {  	[bflag:$0x0] =	sbarrier.arrive $0xFFFF  }
0xb0: {  	_ =	strace $0x9000004A  }
0xb1: {  	s0 =	stileid.u32;
	[bflag:$0x2] =	sbarrier.arrive $0xFFFF  }
0xb2: {  	p0 =	sne.s32 s0, $0x0;
	s0 =	rddreg [dreg:$0x3]  }
0xb3: {  	s0 =	sadd.s32 @!p0 $0x100000, s0  }
0xb4: {  	[sflag:s0] =	ssyncadd.tile.s32 @!p0 $0x1;
	_ =	shalt  }
.Lfunc_end2:
_tile_overlayer_lowered:
.L_overlay_start_2:
0xb5: {  	(tag) =	ssettag $0x2  }
0xb6: {  	s0 =	rddreg [dreg:$0x0];
	s2 =	stileid.u32  }
0xb7: {  	s1 =	rddreg [dreg:$0x1];
	p0 =	sne.s32 s2, $0x0  }
0xb8: {  	s3 =	rddreg [dreg:$0x2];
	[bflag:$0x3] =	sbarrier.arrive $0xFFFF;
	s2 =	simm.s32 @!p0 $0x1C02  }
0xb9: {  	[timem:s3], [sflag:s2] =	dma.local @!p0 [hbm:s0], s1  }
0xba: {  	s0 =	simm.s32 @!p0 $0x2  }
0xbb: {  	_ =	swait.ge @!p0 [sflag:s0], s1  }
0xbc: {  	s1 =	ssub.s32 @!p0 $0x0, s1;
	[sflag:s0] =	ssyncset.done @!p0 $0x0  }
0xbd: {  	[sflag:s0] =	ssyncadd.s32 @!p0 s1  }
0xbe: {  	[bflag:$0x3] =	sbarrier.arrive $0xFFFF  }
0xbf: {  	_ =	shalt  }

// kernel: kernel.14.cloned.1.call-start
scs
__scs_entry_jumppad:
0x0: {  	(pc) =	sbr.rel $0x88, $3  }
0x1: {  	(tag) =	ssettag $0x0;
	lr =	simm.s32 $0x1  }
0x2: {  	[smem:$0x3F9A] =	sst lr;
	_ =	strace $0xD0000000  }
0x3: {  	_ = 	snop  }
0x4: {  	_ = 	snop  }
0x5: {  	_ = 	snop  }
0x6: {  	_ = 	snop  }
0x7: {  	_ = 	snop  }
__scs_overlays_trampoline_lowered:
0x8: {  	[smem:$0x3FA9] =	sst s0  }
0x9: {  	[smem:$0x3FAA] =	sst s1  }
0xa: {  	[smem:$0x3FAB] =	sst s2  }
0xb: {  	[smem:$0x3FAC] =	sst s3  }
0xc: {  	[smem:$0x3FAD] =	sst s4  }
0xd: {  	[smem:$0x3FAE] =	sst s5  }
0xe: {  	[smem:$0x3FAF] =	sst s6  }
0xf: {  	[smem:$0x3FB0] =	sst s7  }
0x10: {  	[smem:$0x3FB1] =	sst s8  }
0x11: {  	[smem:$0x3FB2] =	sst s9;
	s0 =	simm.s32 @!p0 $0x0  }
0x12: {  	s1 =	sld [smem:$0x3F98];
	s0 =	simm.s32 @p0 $0x1  }
0x13: {  	[smem:$0x3FB3] =	sst s0;
	s0 =	simm.s32 @!p1 $0x0  }
0x14: {  	s2 =	sld [smem:$0x3F97];
	s0 =	simm.s32 @p1 $0x1  }
0x15: {  	[smem:$0x3FB4] =	sst s0;
	s0 =	simm.s32 @!p2 $0x0  }
0x16: {  	s3 =	sld [smem:$0x3FDB];
	s0 =	simm.s32 @p2 $0x1  }
0x17: {  	s4 =	simm.s32 $0x1BF5;
	[smem:$0x3FB6] =	sst s0  }
0x18: {  	s0 =	sld [smem:$0x3F99];
	_ =	swait.ge [sflag:s4], $0x0  }
0x19: {  	s7 =	sld [smem:$0x3F9A]  }
0x1a: {  	s8 =	sadd.s32 $0xFFFFE003, lr  }
0x1b: {  	s9 =	sadd.s32 $0xFFFFFEF7, lr;
	s5 =	simm.s32 $0xFFFFFFFF;
	p2 =	slt.u32 s8, $0xFFFFF086  }
0x1c: {  	p1 =	slt.u32 s9, $0xF7A;
	s5 =	simm.s32 @!p2 $0x0  }
0x1d: {  	s5 =	simm.s32 @p1 $0x1;
	p0 =	seq.s32 s7, s2  }
0x1e: {  	s7 =	smul.u32 @!p0 $0xF7A, s2;
	p2 =	seq.s32 @!p0 s5, $0x0  }
0x1f: {  	s9 =	smul.u32 $0xF7A, s1;
	s8 =	simm.s32 @!p0 $0x1BF5;
	p2 =	por !p2, p0  }
0x20: {  	[sflag:s8] =	ssyncset.s32 @!p0 $0xFFFFF086;
	s6 =	sadd.s32 @!p0 s3, s7;
	s7 =	simm.s32 @!p0 $0x108  }
0x21: {  	s3 =	sadd.s32 s3, s9;
	s6 =	sadd.s32 @!p0 $0x88, s6;
	s7 =	simm.s32 @p2 $0x1082  }
0x22: {  	[simem:s7], [sflag:s8] =	dma.local @!p0 [hbm:s6], $0xF7A  }
0x23: {  	s9 =	sor.u32 $0xD0000000, s2;
	s6 =	simm.s32 $0x108;
	_ =	swait.ge @!p0 [sflag:s8], $0x0  }
0x24: {  	s3 =	sadd.s32 $0x88, s3;
	s6 =	simm.s32 @!p1 $0x1082;
	[sflag:s4] =	ssyncset.s32 $0xFFFFF086  }
0x25: {  	[simem:s6], [sflag:s4] =	dma.local [hbm:s3], $0xF7A  }
0x26: {  	[smem:$0x3F9A] =	sst s1;
	(tag) =	ssettag s2;
	_ =	strace s9  }
0x27: {  	s1 =	sld [smem:$0x3FAA]  }
0x28: {  	s2 =	sld [smem:$0x3FAB]  }
0x29: {  	s4 =	sld [smem:$0x3FAD]  }
0x2a: {  	p0 =	seq.s32 s5, $0x0;
	s5 =	sld [smem:$0x3FAE]  }
0x2b: {  	s6 =	sld [smem:$0x3FAF]  }
0x2c: {  	s7 =	sld [smem:$0x3FB0]  }
0x2d: {  	s3 =	simm.s32 $0x108;
	s8 =	sld [smem:$0x3FB1]  }
0x2e: {  	s3 =	simm.s32 @!p0 $0x1082;
	s9 =	sld [smem:$0x3FB2]  }
0x2f: {  	lr =	sadd.s32 s0, s3;
	s0 =	sld [smem:$0x3FA9]  }
0x30: {  	s3 =	sld [smem:$0x3FAC]  }
0x31: {  	[smem:$0x3FB5] =	sst s10  }
0x32: {  	s10 =	sld [smem:$0x3FB3];
	_ =	sdelay $0x3  }
0x33: {  	p0 =	seq.s32 s10, $0x1;
	s10 =	sld [smem:$0x3FB5];
	_ =	sdelay $0x3  }
0x34: {  	[smem:$0x3FB5] =	sst s10  }
0x35: {  	s10 =	sld [smem:$0x3FB4];
	_ =	sdelay $0x3  }
0x36: {  	p1 =	seq.s32 s10, $0x1;
	s10 =	sld [smem:$0x3FB5];
	_ =	sdelay $0x3  }
0x37: {  	[smem:$0x3FB5] =	sst s10  }
0x38: {  	s10 =	sld [smem:$0x3FB6]  }
0x39: {  	_ = 	snop;
	(pc) =	sbr.ind lr, $3  }
0x3a: {  	_ = 	snop  }
0x3b: {  	_ = 	snop  }
0x3c: {  	p2 =	seq.s32 s10, $0x1;
	s10 =	sld [smem:$0x3FB5]  }
0x3d: {  	_ =	shalt  }
0x3e: {  	_ =	shalt  }
0x3f: {  	_ =	shalt  }
0x40: {  	_ =	shalt  }
0x41: {  	_ =	shalt  }
0x42: {  	_ =	shalt  }
0x43: {  	_ =	shalt  }
0x44: {  	_ =	shalt  }
0x45: {  	_ =	shalt  }
0x46: {  	_ =	shalt  }
0x47: {  	_ =	shalt  }
0x48: {  	_ =	shalt  }
0x49: {  	_ =	shalt  }
0x4a: {  	_ =	shalt  }
0x4b: {  	_ =	shalt  }
0x4c: {  	_ =	shalt  }
0x4d: {  	_ =	shalt  }
0x4e: {  	_ =	shalt  }
0x4f: {  	_ =	shalt  }
0x50: {  	_ =	shalt  }
0x51: {  	_ =	shalt  }
0x52: {  	_ =	shalt  }
0x53: {  	_ =	shalt  }
0x54: {  	_ =	shalt  }
0x55: {  	_ =	shalt  }
0x56: {  	_ =	shalt  }
0x57: {  	_ =	shalt  }
0x58: {  	_ =	shalt  }
0x59: {  	_ =	shalt  }
0x5a: {  	_ =	shalt  }
0x5b: {  	_ =	shalt  }
0x5c: {  	_ =	shalt  }
0x5d: {  	_ =	shalt  }
0x5e: {  	_ =	shalt  }
0x5f: {  	_ =	shalt  }
0x60: {  	_ =	shalt  }
0x61: {  	_ =	shalt  }
0x62: {  	_ =	shalt  }
0x63: {  	_ =	shalt  }
0x64: {  	_ =	shalt  }
0x65: {  	_ =	shalt  }
0x66: {  	_ =	shalt  }
0x67: {  	_ =	shalt  }
0x68: {  	_ =	shalt  }
0x69: {  	_ =	shalt  }
0x6a: {  	_ =	shalt  }
0x6b: {  	_ =	shalt  }
0x6c: {  	_ =	shalt  }
0x6d: {  	_ =	shalt  }
0x6e: {  	_ =	shalt  }
0x6f: {  	_ =	shalt  }
0x70: {  	_ =	shalt  }
0x71: {  	_ =	shalt  }
0x72: {  	_ =	shalt  }
0x73: {  	_ =	shalt  }
0x74: {  	_ =	shalt  }
0x75: {  	_ =	shalt  }
0x76: {  	_ =	shalt  }
0x77: {  	_ =	shalt  }
0x78: {  	_ =	shalt  }
0x79: {  	_ =	shalt  }
0x7a: {  	_ =	shalt  }
0x7b: {  	_ =	shalt  }
0x7c: {  	_ =	shalt  }
0x7d: {  	_ =	shalt  }
0x7e: {  	_ =	shalt  }
0x7f: {  	_ =	shalt  }
0x80: {  	_ =	shalt  }
0x81: {  	_ =	shalt  }
0x82: {  	_ =	shalt  }
0x83: {  	_ =	shalt  }
0x84: {  	_ =	shalt  }
0x85: {  	_ =	shalt  }
0x86: {  	_ =	shalt  }
0x87: {  	_ =	shalt  }
.Lfunc_end0:
.L_simem_size_0:
called_computation.2_lowered:
.L_overlay_start_0:
0x88: {  	s2 =	sld [smem:$0x3FD9]  }
0x89: {  	s3 =	sld [smem:$0x3FFE];
	_ =	sdelay $0x1  }
0x8a: {  	s1 =	srdreg.scid  }
0x8b: {  	s0 =	sand.u32 $0x1, s1  }
0x8c: {  	s17 =	sshll.u32 s0, $0xA;
	s2 =	sadd.s32 s3, s2  }
0x8d: {  	s2 =	sadd.s32 s2, s17  }
0x8e: {  	[smem:$0x3FC1] =	sst s2  }
0x8f: {  	_ = 	snop  }
0x90: {  	s2 =	sld [smem:$0x3FD0];
	(tm) =	ssettm $0x1  }
0x91: {  	s18 =	sld [smem:$0x3FFB];
	_ =	sdelay $0x3  }
0x92: {  	_ =	strace s18  }
0x93: {  	s3 =	sld [smem:$0x3FFC];
	_ =	sdelay $0x3  }
0x94: {  	_ =	strace s3  }
0x95: {  	s3 =	sld [smem:$0x3FFD];
	_ =	sdelay $0x3  }
0x96: {  	_ =	strace s3  }
0x97: {  	_ =	strace $0x8FFFFFFF  }
0x98: {  	s19 =	sld [smem:$0x3FDB];
	_ =	sdelay $0x1  }
0x99: {  	s4 =	simm.s32 $_scs_section_size  }
0x9a: {  	s5 =	simm.s32 $_size__tile_overlayer_lowered;
	s6 =	simm.s32 $_tile_overlayer_lowered  }
0x9b: {  	s22 =	simm.s32 $0x1BFF;
	s21 =	sshll.u32 s6, $0x1;
	s3 =	sadd.s32 s4, s19  }
0x9c: {  	s7 =	simm.s32 $0x0;
	s20 =	sshll.u32 s5, $0x1;
	s5 =	sadd.s32 s21, s3  }
0x9d: {  	[timem:s7], [sflag:s22] =	dma.local [hbm:s5], s20  }
0x9e: {  	_ =	swait.ge [sflag:s22], s20  }
0x9f: {  	s4 =	ssub.s32 $0x0, s20;
	[sflag:s22] =	ssyncset.done $0x0  }
0xa0: {  	[sflag:s22] =	ssyncadd.s32 s4;
	_ =	sdelay $0x1  }
0xa1: {  	s23 =	simm.s32 $0x1B8B  }
0xa2: {  	_ =	swait.ge [sflag:s23], $0x1  }
0xa3: {  	[sflag:s23] =	ssyncset.done $0x0  }
0xa4: {  	s25 =	simm.s32 $0x1B8E;
	s24 =	sld [smem:$0x3FFE];
	[sflag:s23] =	ssyncadd.s32 $0xFFFFFFFF  }
0xa5: {  	s26 =	simm.s32 $execute0_lowered;
	[smem:$0x3FD2] =	sst s25  }
0xa6: {  	s5 =	sshll.u32 s26, $0x1;
	_ =	strace $0x8000004C;
	[dreg:$0x1] =	wrdreg $0xFFFFFFFF  }
0xa7: {  	s28 =	simm.s32 $_size_execute0_lowered;
	s3 =	sadd.s32 s3, s5;
	[dreg:$0x0] =	wrdreg $0x0  }
0xa8: {  	s5 =	sshll.u32 s28, $0x1;
	[dreg:$0x2] =	wrdreg s3  }
0xa9: {  	[dreg:$0x3] =	wrdreg s5  }
0xaa: {  	[dreg:$0x4] =	wrdreg $0xC0  }
0xab: {  	_ =	task [dreg:s7], $0x5FFFF  }
0xac: {  	[dreg:$0x1] =	wrdreg $0xFFFFFFFF  }
0xad: {  	[dreg:$0x0] =	wrdreg $0x60  }
0xae: {  	[dreg:$0x2] =	wrdreg s2  }
0xaf: {  	[dreg:$0x3] =	wrdreg s24  }
0xb0: {  	[dreg:$0x4] =	wrdreg $0xA8000  }
0xb1: {  	[dreg:$0x5] =	wrdreg $0x9  }
0xb2: {  	_ =	task.clear_ibuf [dreg:s7], $0x6FFFF;
	_ =	strace $0x9000004C  }
0xb3: {  	s29 =	simm.s32 $0x9;
	_ =	strace $0x8000004E  }
0xb4: {  	_ =	swait.ge [sflag:s29], $0x1  }
0xb5: {  	[sflag:s29] =	ssyncadd.s32 $0xFFFFFFFF  }
0xb6: {  	_ =	strace $0x9000004E  }
0xb7: {  	_ =	sfence  }
0xb8: {  	s30 =	sld [smem:$0x0];
	_ =	sdelay $0x2  }
0xb9: {  	s31 =	sshll.u32 s1, $0xD;
	s1 =	sshrl.u32 s1, $0x2  }
0xba: {  	s3 =	sand.u32 $0x4000, s31;
	s1 =	sadd.s32 s1, s30  }
0xbb: {  	s0 =	sor.u32 s3, s0;
	s1 =	sshll.u32 s1, $0x11  }
0xbc: {  	s0 =	sor.u32 s1, s0  }
0xbd: {  	s0 =	sadd.s32 $0x8F2B, s0  }
0xbe: {  	[sflag:s0] =	ssyncadd.remote.s32 $0x1  }
0xbf: {  	_ =	sfence.sel $0xFFFF  }
0xc0: {  	[dreg:$0x0] =	wrdreg $0xFFFFFFFF;
	(pc) =	sbr.abs _section_cstart, $3  }
0xc1: {  	[dreg:$0x1] =	wrdreg $0xFFFFFFFF  }
0xc2: {  	_ =	task.clear_ibuf [dreg:s7], $0x2FFFF;
	_ =	strace $0x9FFFFFFF  }
0xc3: {  	(tm) =	ssettm $0x7FFFFFFF  }
tec
execute0_lowered:
.L_overlay_start_1:
0x0: {  	(tag) =	ssettag $0x1  }
0x1: {  	s1 =	rddreg [dreg:$0x0]  }
0x2: {  	s0 =	rddreg [dreg:$0x1]  }
0x3: {  	s3 =	rddreg [dreg:$0x2];
	s5 =	srdreg.scid;
	s4 =	simm.s32 $0x0  }
0x4: {  	s2 =	stileid.u32;
	s26 =	simm.s32 $0x2;
	s28 =	simm.s32 $0x1  }
0x5: {  	s29 =	simm.s32 $0x50;
	s30 =	simm.s32 $0x0;
	s11 =	sand.u32 $0x1, s5  }
0x6: {  	[smem:$0x7FF] =	sst s4;
	s6 =	sshll.u32 s2, $0xB;
	s7 =	smul.u32 $0x50000, s2  }
0x7: {  	s14 =	smul.u32 $0x14000, s2;
	s5 =	sshll.u32 s11, $0xF;
	_ =	strace $0x8000004D  }
0x8: {  	s31 =	ssub.s32 $0x2, s11;
	s22 =	smul.u32 $0x140000, s11;
	s5 =	sor.u32 s6, s5  }
0x9: {  	s8 =	sshrl.u32 s31, $0x1;
	s7 =	sshrl.u32 s7, $0x2;
	s15 =	sor.u32 $0x2800, s14  }
0xa: {  	s17 =	sadd.s32 $0x5000, s14;
	s18 =	sadd.s32 $0x7800, s14;
	s19 =	sadd.s32 $0xA000, s14  }
0xb: {  	s20 =	sadd.s32 $0xC800, s14;
	s21 =	sadd.s32 $0xF000, s14;
	s24 =	sadd.s32 $0x11800, s14  }
0xc: {  	s6 =	sadd.s32 s5, s0;
	s0 =	sadd.s32 $0x22600, s0;
	s23 =	ssub.s32 s31, s8  }
0xd: {  	s7 =	sadd.s32 s7, s3;
	s8 =	sadd.s32 s15, s3;
	s9 =	sadd.s32 s17, s3  }
0xe: {  	s10 =	sadd.s32 s18, s3;
	s11 =	sadd.s32 s19, s3;
	s12 =	sadd.s32 s20, s3  }
0xf: {  	s13 =	sadd.s32 s21, s3;
	s16 =	sadd.s32 s14, s22;
	s15 =	sadd.s32 s22, s15  }
0x10: {  	s14 =	sadd.s32 s24, s3;
	s17 =	sadd.s32 s22, s17;
	s18 =	sadd.s32 s22, s18  }
0x11: {  	s19 =	sadd.s32 s22, s19;
	s20 =	sadd.s32 s22, s20;
	s21 =	sadd.s32 s22, s21  }
0x12: {  	s22 =	sadd.s32 s22, s24;
	s5 =	sadd.s32 $0x12600, s6;
	s6 =	sadd.s32 $0x2600, s6  }
0x13: {  	s16 =	sshrl.u32 s16, $0x3;
	s25 =	sshrl.u32 s15, $0x3;
	s17 =	sshrl.u32 s17, $0x3  }
0x14: {  	s18 =	sshrl.u32 s18, $0x3;
	s19 =	sshrl.u32 s19, $0x3;
	s20 =	sshrl.u32 s20, $0x3  }
0x15: {  	s21 =	sshrl.u32 s21, $0x3;
	s22 =	sshrl.u32 s22, $0x3;
	s23 =	smax.u32 s23, $0x1  }
0x16: {  	s15 =	sadd.s32 s0, s16;
	s16 =	sadd.s32 s0, s25;
	s17 =	sadd.s32 s0, s17  }
0x17: {  	s18 =	sadd.s32 s0, s18;
	s19 =	sadd.s32 s0, s19;
	s20 =	sadd.s32 s0, s20  }
0x18: {  	v0 =	vimm.f32 $0.0e+00;
	s21 =	sadd.s32 s0, s21;
	s22 =	sadd.s32 s0, s22;
	s25 =	simm.s32 $0x8000  }
.LBB2_1:
0x19: {  	[tilespmem:s4], [sflag:$0x1] =	stream.linear.gather [hbm4b:s5+s4], $0x3E80, $0x38;
	[tilespmem:$0x1E800] =	vst v63  }
0x1a: {  	s0 =	simm.s32 $0x4000  }
0x1b: {  	[tilespmem:s0], [sflag:$0x1] =	stream.linear.gather [hbm4b:s6+s4], $0x3E80, $0x38;
	[tilespmem:$0x1E800] =	vst v63  }
0x1c: {  	s31 =	simm.s32 $0x0;
	s0 =	simm.s32 $0x200  }
.LBB2_2:
0x1d: {  	p0 =	sne.s32 s0, $0x9E00;
	[tilespmem:s31+$0x8070] =	vst v0  }
0x1e: {  	[tilespmem:s31+$0x8000] =	vst v0  }
0x1f: {  	[tilespmem:s31+$0x8010] =	vst v0  }
.Ltmp0:
0x20: {  	[tilespmem:s31+$0x8020] =	vst v0;
	(pc) =	sbr.rel @p0 .LBB2_2-.Ltmp0, $4  }
0x21: {  	[tilespmem:s31+$0x8030] =	vst v0  }
0x22: {  	[tilespmem:s31+$0x8040] =	vst v0  }
0x23: {  	[tilespmem:s31+$0x8050] =	vst v0  }
0x24: {  	[tilespmem:s31+$0x8060] =	vst v0;
	s31 =	sshra.s32 s0, $0x2;
	s0 =	sadd.s32 $0x200, s0  }
0x25: {  	[tilespmem:s31+$0x8070] =	vst v0  }
0x26: {  	[tilespmem:s31+$0x8000] =	vst v0  }
0x27: {  	[tilespmem:s31+$0x8010] =	vst v0  }
0x28: {  	[tilespmem:s31+$0x8020] =	vst v0  }
0x29: {  	[tilespmem:s31+$0x8030] =	vst v0  }
0x2a: {  	[tilespmem:s31+$0x8040] =	vst v0  }
0x2b: {  	[tilespmem:s31+$0x8050] =	vst v0  }
0x2c: {  	[tilespmem:s31+$0x8060] =	vst v0  }
0x2d: {  	[spmem:s7] =	stream.linear.scatter [tilespmem:s25], [sflag:$0x2], $0x2800, $0x38;
	[tilespmem:$0x1E800] =	vst v63  }
0x2e: {  	_ =	swait.ge [sflag:s26], $0x2800  }
0x2f: {  	[sflag:s26] =	ssyncset.done $0x0  }
0x30: {  	[sflag:s26] =	ssyncadd.s32 $0xFFFFD800  }
0x31: {  	[spmem:s8] =	stream.linear.scatter [tilespmem:s25], [sflag:$0x2], $0x2800, $0x38;
	[tilespmem:$0x1E800] =	vst v63  }
0x32: {  	_ =	swait.ge [sflag:s26], $0x2800  }
0x33: {  	[sflag:s26] =	ssyncset.done $0x0  }
0x34: {  	[sflag:s26] =	ssyncadd.s32 $0xFFFFD800  }
0x35: {  	[spmem:s9] =	stream.linear.scatter [tilespmem:s25], [sflag:$0x2], $0x2800, $0x38;
	[tilespmem:$0x1E800] =	vst v63  }
0x36: {  	_ =	swait.ge [sflag:s26], $0x2800  }
0x37: {  	[sflag:s26] =	ssyncset.done $0x0  }
0x38: {  	[sflag:s26] =	ssyncadd.s32 $0xFFFFD800  }
0x39: {  	[spmem:s10] =	stream.linear.scatter [tilespmem:s25], [sflag:$0x2], $0x2800, $0x38;
	[tilespmem:$0x1E800] =	vst v63  }
0x3a: {  	_ =	swait.ge [sflag:s26], $0x2800  }
0x3b: {  	[sflag:s26] =	ssyncset.done $0x0  }
0x3c: {  	[sflag:s26] =	ssyncadd.s32 $0xFFFFD800  }
0x3d: {  	[spmem:s11] =	stream.linear.scatter [tilespmem:s25], [sflag:$0x2], $0x2800, $0x38;
	[tilespmem:$0x1E800] =	vst v63  }
0x3e: {  	_ =	swait.ge [sflag:s26], $0x2800  }
0x3f: {  	[sflag:s26] =	ssyncset.done $0x0  }
0x40: {  	[sflag:s26] =	ssyncadd.s32 $0xFFFFD800  }
0x41: {  	[spmem:s12] =	stream.linear.scatter [tilespmem:s25], [sflag:$0x2], $0x2800, $0x38;
	[tilespmem:$0x1E800] =	vst v63  }
0x42: {  	_ =	swait.ge [sflag:s26], $0x2800  }
0x43: {  	[sflag:s26] =	ssyncset.done $0x0  }
0x44: {  	[sflag:s26] =	ssyncadd.s32 $0xFFFFD800  }
0x45: {  	[spmem:s13] =	stream.linear.scatter [tilespmem:s25], [sflag:$0x2], $0x2800, $0x38;
	[tilespmem:$0x1E800] =	vst v63  }
0x46: {  	_ =	swait.ge [sflag:s26], $0x2800  }
0x47: {  	[sflag:s26] =	ssyncset.done $0x0  }
0x48: {  	[sflag:s26] =	ssyncadd.s32 $0xFFFFD800  }
0x49: {  	[spmem:s14] =	stream.linear.scatter [tilespmem:s25], [sflag:$0x2], $0x2800, $0x38;
	[tilespmem:$0x1E800] =	vst v63  }
0x4a: {  	_ =	swait.ge [sflag:s26], $0x2800  }
0x4b: {  	[sflag:s26] =	ssyncset.done $0x0  }
0x4c: {  	[sflag:s26] =	ssyncadd.s32 $0xFFFFD800  }
0x4d: {  	_ =	swait.ge [sflag:s28], $0x3E80  }
0x4e: {  	[sflag:s28] =	ssyncset.done $0x0  }
0x4f: {  	[sflag:s28] =	ssyncadd.s32 $0xFFFFC180  }
0x50: {  	_ =	swait.ge [sflag:s28], $0x3E80  }
0x51: {  	[sflag:s28] =	ssyncset.done $0x0  }
0x52: {  	[sflag:s28] =	ssyncadd.s32 $0xFFFFC180  }
0x53: {  	s0 =	simm.s32 $0x0;
	[bflag:$0x0] =	sbarrier.arrive $0xFFFF  }
0x54: {  	[tilespmem:s25], [sflag:$0x1] =	stream.indirect.gather [hbm4b:s1+s29], $0x80, s0, s29, $0xb8;
	[tilespmem:$0x1E800] =	vst v63  }
0x55: {  	_ =	swait.ge [sflag:s28], $0x2800  }
0x56: {  	[sflag:s28] =	ssyncset.done $0x0  }
0x57: {  	s24 =	simm.s32 $0x4000;
	[sflag:s28] =	ssyncadd.s32 $0xFFFFD800  }
0x58: {  	[spmem:s3] =	stream.indirect.scatter.add.f32 [tilespmem:s25], [sflag:$0x1], $0x80, s24, s29, $0xb8;
	[tilespmem:$0x1E800] =	vst v63  }
0x59: {  	_ =	swait.ge [sflag:s28], $0x2800  }
0x5a: {  	s31 =	simm.s32 $0x200;
	s0 =	simm.s32 $0x400;
	[sflag:s28] =	ssyncset.done $0x0  }
.LBB2_4:
0x5b: {  	s2 =	sshra.s32 s31, $0x2  }
0x5c: {  	[sflag:s28] =	ssyncadd.s32 $0xFFFFD800;
	s31 =	smov.u32 s0;
	s24 =	sadd.s32 $0x200, s0  }
0x5d: {  	[tilespmem:s25], [sflag:$0x1] =	stream.indirect.gather [hbm4b:s1+s29], $0x80, s2, s29, $0xb8;
	[tilespmem:$0x1E800] =	vst v63  }
0x5e: {  	p0 =	sne.s32 s0, $0xF800;
	_ =	swait.ge [sflag:s28], $0x2800  }
.Ltmp1:
0x5f: {  	[sflag:s28] =	ssyncset.done $0x0;
	(pc) =	sbr.rel @p0 .LBB2_4-.Ltmp1, $4  }
0x60: {  	s0 =	sadd.s32 $0x4000, s2;
	[sflag:s28] =	ssyncadd.s32 $0xFFFFD800  }
0x61: {  	[spmem:s3] =	stream.indirect.scatter.add.f32 [tilespmem:s25], [sflag:$0x1], $0x80, s0, s29, $0xb8;
	[tilespmem:$0x1E800] =	vst v63  }
0x62: {  	_ =	swait.ge [sflag:s28], $0x2800  }
0x63: {  	s0 =	smov.u32 s24;
	[sflag:s28] =	ssyncset.done $0x0  }
0x64: {  	s0 =	sshra.s32 s31, $0x2;
	[sflag:s28] =	ssyncadd.s32 $0xFFFFD800  }
0x65: {  	[tilespmem:s25], [sflag:$0x1] =	stream.indirect.gather [hbm4b:s1+s29], $0x80, s0, s29, $0xb8;
	[tilespmem:$0x1E800] =	vst v63  }
0x66: {  	_ =	swait.ge [sflag:s28], $0x2800  }
0x67: {  	[sflag:s28] =	ssyncset.done $0x0  }
0x68: {  	s0 =	sadd.s32 $0x4000, s0;
	[sflag:s28] =	ssyncadd.s32 $0xFFFFD800  }
0x69: {  	[spmem:s3] =	stream.indirect.scatter.add.f32 [tilespmem:s25], [sflag:$0x1], $0x80, s0, s29, $0xb8;
	[tilespmem:$0x1E800] =	vst v63  }
0x6a: {  	_ =	swait.ge [sflag:s28], $0x2800  }
0x6b: {  	[sflag:s28] =	ssyncset.done $0x0  }
0x6c: {  	[sflag:s28] =	ssyncadd.s32 $0xFFFFD800  }
0x6d: {  	[bflag:$0x0] =	sbarrier.arrive $0xFFFF  }
0x6e: {  	[tilespmem:s25], [sflag:$0x2] =	stream.linear.gather [spmem:s7], $0x2800, $0x38;
	[tilespmem:$0x1E800] =	vst v63  }
0x6f: {  	_ =	swait.ge [sflag:s26], $0x2800  }
0x70: {  	[sflag:s26] =	ssyncset.done $0x0  }
0x71: {  	[sflag:s26] =	ssyncadd.s32 $0xFFFFD800  }
0x72: {  	[hbm4b:s15+s4] =	stream.linear.scatter [tilespmem:s25], [sflag:$0x2], $0x2800, $0x38;
	[tilespmem:$0x1E800] =	vst v63  }
0x73: {  	_ =	swait.ge [sflag:s26], $0x2800  }
0x74: {  	[sflag:s26] =	ssyncset.done $0x0  }
0x75: {  	[sflag:s26] =	ssyncadd.s32 $0xFFFFD800  }
0x76: {  	[tilespmem:s25], [sflag:$0x2] =	stream.linear.gather [spmem:s8], $0x2800, $0x38;
	[tilespmem:$0x1E800] =	vst v63  }
0x77: {  	_ =	swait.ge [sflag:s26], $0x2800  }
0x78: {  	[sflag:s26] =	ssyncset.done $0x0  }
0x79: {  	[sflag:s26] =	ssyncadd.s32 $0xFFFFD800  }
0x7a: {  	[hbm4b:s16+s4] =	stream.linear.scatter [tilespmem:s25], [sflag:$0x2], $0x2800, $0x38;
	[tilespmem:$0x1E800] =	vst v63  }
0x7b: {  	_ =	swait.ge [sflag:s26], $0x2800  }
0x7c: {  	[sflag:s26] =	ssyncset.done $0x0  }
0x7d: {  	[sflag:s26] =	ssyncadd.s32 $0xFFFFD800  }
0x7e: {  	[tilespmem:s25], [sflag:$0x2] =	stream.linear.gather [spmem:s9], $0x2800, $0x38;
	[tilespmem:$0x1E800] =	vst v63  }
0x7f: {  	_ =	swait.ge [sflag:s26], $0x2800  }
0x80: {  	[sflag:s26] =	ssyncset.done $0x0  }
0x81: {  	[sflag:s26] =	ssyncadd.s32 $0xFFFFD800  }
0x82: {  	[hbm4b:s17+s4] =	stream.linear.scatter [tilespmem:s25], [sflag:$0x2], $0x2800, $0x38;
	[tilespmem:$0x1E800] =	vst v63  }
0x83: {  	_ =	swait.ge [sflag:s26], $0x2800  }
0x84: {  	[sflag:s26] =	ssyncset.done $0x0  }
0x85: {  	[sflag:s26] =	ssyncadd.s32 $0xFFFFD800  }
0x86: {  	[tilespmem:s25], [sflag:$0x2] =	stream.linear.gather [spmem:s10], $0x2800, $0x38;
	[tilespmem:$0x1E800] =	vst v63  }
0x87: {  	_ =	swait.ge [sflag:s26], $0x2800  }
0x88: {  	[sflag:s26] =	ssyncset.done $0x0  }
0x89: {  	[sflag:s26] =	ssyncadd.s32 $0xFFFFD800  }
0x8a: {  	[hbm4b:s18+s4] =	stream.linear.scatter [tilespmem:s25], [sflag:$0x2], $0x2800, $0x38;
	[tilespmem:$0x1E800] =	vst v63  }
0x8b: {  	_ =	swait.ge [sflag:s26], $0x2800  }
0x8c: {  	[sflag:s26] =	ssyncset.done $0x0  }
0x8d: {  	[sflag:s26] =	ssyncadd.s32 $0xFFFFD800  }
0x8e: {  	[tilespmem:s25], [sflag:$0x2] =	stream.linear.gather [spmem:s11], $0x2800, $0x38;
	[tilespmem:$0x1E800] =	vst v63  }
0x8f: {  	_ =	swait.ge [sflag:s26], $0x2800  }
0x90: {  	[sflag:s26] =	ssyncset.done $0x0  }
0x91: {  	[sflag:s26] =	ssyncadd.s32 $0xFFFFD800  }
0x92: {  	[hbm4b:s19+s4] =	stream.linear.scatter [tilespmem:s25], [sflag:$0x2], $0x2800, $0x38;
	[tilespmem:$0x1E800] =	vst v63  }
0x93: {  	_ =	swait.ge [sflag:s26], $0x2800  }
0x94: {  	[sflag:s26] =	ssyncset.done $0x0  }
0x95: {  	[sflag:s26] =	ssyncadd.s32 $0xFFFFD800  }
0x96: {  	[tilespmem:s25], [sflag:$0x2] =	stream.linear.gather [spmem:s12], $0x2800, $0x38;
	[tilespmem:$0x1E800] =	vst v63  }
0x97: {  	_ =	swait.ge [sflag:s26], $0x2800  }
0x98: {  	[sflag:s26] =	ssyncset.done $0x0  }
0x99: {  	[sflag:s26] =	ssyncadd.s32 $0xFFFFD800  }
0x9a: {  	[hbm4b:s20+s4] =	stream.linear.scatter [tilespmem:s25], [sflag:$0x2], $0x2800, $0x38;
	[tilespmem:$0x1E800] =	vst v63  }
0x9b: {  	_ =	swait.ge [sflag:s26], $0x2800  }
0x9c: {  	[sflag:s26] =	ssyncset.done $0x0  }
0x9d: {  	[sflag:s26] =	ssyncadd.s32 $0xFFFFD800  }
0x9e: {  	[tilespmem:s25], [sflag:$0x2] =	stream.linear.gather [spmem:s13], $0x2800, $0x38;
	[tilespmem:$0x1E800] =	vst v63  }
0x9f: {  	_ =	swait.ge [sflag:s26], $0x2800  }
0xa0: {  	[sflag:s26] =	ssyncset.done $0x0  }
0xa1: {  	[sflag:s26] =	ssyncadd.s32 $0xFFFFD800  }
0xa2: {  	[hbm4b:s21+s4] =	stream.linear.scatter [tilespmem:s25], [sflag:$0x2], $0x2800, $0x38;
	[tilespmem:$0x1E800] =	vst v63  }
0xa3: {  	_ =	swait.ge [sflag:s26], $0x2800  }
0xa4: {  	[sflag:s26] =	ssyncset.done $0x0  }
0xa5: {  	[sflag:s26] =	ssyncadd.s32 $0xFFFFD800  }
0xa6: {  	[tilespmem:s25], [sflag:$0x2] =	stream.linear.gather [spmem:s14], $0x2800, $0x38;
	[tilespmem:$0x1E800] =	vst v63  }
0xa7: {  	s30 =	sadd.s32 $0x1, s30;
	_ =	swait.ge [sflag:s26], $0x2800  }
0xa8: {  	p0 =	sne.s32 s30, s23;
	[sflag:s26] =	ssyncset.done $0x0  }
.Ltmp2:
0xa9: {  	[sflag:s26] =	ssyncadd.s32 $0xFFFFD800;
	(pc) =	sbr.rel @p0 .LBB2_1-.Ltmp2, $4  }
0xaa: {  	[hbm4b:s22+s4] =	stream.linear.scatter [tilespmem:s25], [sflag:$0x2], $0x2800, $0x38;
	[tilespmem:$0x1E800] =	vst v63  }
0xab: {  	_ =	swait.ge [sflag:s26], $0x2800  }
0xac: {  	[sflag:s26] =	ssyncset.done $0x0  }
0xad: {  	[sflag:s26] =	ssyncadd.s32 $0xFFFFD800  }
0xae: {  	_ =	sfence.sel $0x180000  }
0xaf: {  	[bflag:$0x0] =	sbarrier.arrive $0xFFFF  }
0xb0: {  	_ =	strace $0x9000004D  }
0xb1: {  	s0 =	stileid.u32;
	[bflag:$0x2] =	sbarrier.arrive $0xFFFF  }
0xb2: {  	p0 =	sne.s32 s0, $0x0;
	s0 =	rddreg [dreg:$0x3]  }
0xb3: {  	s0 =	sadd.s32 @!p0 $0x100000, s0  }
0xb4: {  	[sflag:s0] =	ssyncadd.tile.s32 @!p0 $0x1;
	_ =	shalt  }
.Lfunc_end2:
_tile_overlayer_lowered:
.L_overlay_start_2:
0xb5: {  	(tag) =	ssettag $0x2  }
0xb6: {  	s0 =	rddreg [dreg:$0x0];
	s2 =	stileid.u32  }
0xb7: {  	s1 =	rddreg [dreg:$0x1];
	p0 =	sne.s32 s2, $0x0  }
0xb8: {  	s3 =	rddreg [dreg:$0x2];
	[bflag:$0x3] =	sbarrier.arrive $0xFFFF;
	s2 =	simm.s32 @!p0 $0x1C02  }
0xb9: {  	[timem:s3], [sflag:s2] =	dma.local @!p0 [hbm:s0], s1  }
0xba: {  	s0 =	simm.s32 @!p0 $0x2  }
0xbb: {  	_ =	swait.ge @!p0 [sflag:s0], s1  }
0xbc: {  	s1 =	ssub.s32 @!p0 $0x0, s1;
	[sflag:s0] =	ssyncset.done @!p0 $0x0  }
0xbd: {  	[sflag:s0] =	ssyncadd.s32 @!p0 s1  }
0xbe: {  	[bflag:$0x3] =	sbarrier.arrive $0xFFFF  }
0xbf: {  	_ =	shalt  }

// kernel: kernel.8.cloned.1.call-start
scs
__scs_entry_jumppad:
0x0: {  	(pc) =	sbr.rel $0x88, $3  }
0x1: {  	(tag) =	ssettag $0x0;
	lr =	simm.s32 $0x1  }
0x2: {  	[smem:$0x3F9A] =	sst lr;
	_ =	strace $0xD0000000  }
0x3: {  	_ = 	snop  }
0x4: {  	_ = 	snop  }
0x5: {  	_ = 	snop  }
0x6: {  	_ = 	snop  }
0x7: {  	_ = 	snop  }
__scs_overlays_trampoline_lowered:
0x8: {  	[smem:$0x3FA9] =	sst s0  }
0x9: {  	[smem:$0x3FAA] =	sst s1  }
0xa: {  	[smem:$0x3FAB] =	sst s2  }
0xb: {  	[smem:$0x3FAC] =	sst s3  }
0xc: {  	[smem:$0x3FAD] =	sst s4  }
0xd: {  	[smem:$0x3FAE] =	sst s5  }
0xe: {  	[smem:$0x3FAF] =	sst s6  }
0xf: {  	[smem:$0x3FB0] =	sst s7  }
0x10: {  	[smem:$0x3FB1] =	sst s8  }
0x11: {  	[smem:$0x3FB2] =	sst s9;
	s0 =	simm.s32 @!p0 $0x0  }
0x12: {  	s1 =	sld [smem:$0x3F98];
	s0 =	simm.s32 @p0 $0x1  }
0x13: {  	[smem:$0x3FB3] =	sst s0;
	s0 =	simm.s32 @!p1 $0x0  }
0x14: {  	s2 =	sld [smem:$0x3F97];
	s0 =	simm.s32 @p1 $0x1  }
0x15: {  	[smem:$0x3FB4] =	sst s0;
	s0 =	simm.s32 @!p2 $0x0  }
0x16: {  	s3 =	sld [smem:$0x3FDB];
	s0 =	simm.s32 @p2 $0x1  }
0x17: {  	s4 =	simm.s32 $0x1BF5;
	[smem:$0x3FB6] =	sst s0  }
0x18: {  	s0 =	sld [smem:$0x3F99];
	_ =	swait.ge [sflag:s4], $0x0  }
0x19: {  	s7 =	sld [smem:$0x3F9A]  }
0x1a: {  	s8 =	sadd.s32 $0xFFFFE003, lr  }
0x1b: {  	s9 =	sadd.s32 $0xFFFFFEF7, lr;
	s5 =	simm.s32 $0xFFFFFFFF;
	p2 =	slt.u32 s8, $0xFFFFF086  }
0x1c: {  	p1 =	slt.u32 s9, $0xF7A;
	s5 =	simm.s32 @!p2 $0x0  }
0x1d: {  	s5 =	simm.s32 @p1 $0x1;
	p0 =	seq.s32 s7, s2  }
0x1e: {  	s7 =	smul.u32 @!p0 $0xF7A, s2;
	p2 =	seq.s32 @!p0 s5, $0x0  }
0x1f: {  	s9 =	smul.u32 $0xF7A, s1;
	s8 =	simm.s32 @!p0 $0x1BF5;
	p2 =	por !p2, p0  }
0x20: {  	[sflag:s8] =	ssyncset.s32 @!p0 $0xFFFFF086;
	s6 =	sadd.s32 @!p0 s3, s7;
	s7 =	simm.s32 @!p0 $0x108  }
0x21: {  	s3 =	sadd.s32 s3, s9;
	s6 =	sadd.s32 @!p0 $0x88, s6;
	s7 =	simm.s32 @p2 $0x1082  }
0x22: {  	[simem:s7], [sflag:s8] =	dma.local @!p0 [hbm:s6], $0xF7A  }
0x23: {  	s9 =	sor.u32 $0xD0000000, s2;
	s6 =	simm.s32 $0x108;
	_ =	swait.ge @!p0 [sflag:s8], $0x0  }
0x24: {  	s3 =	sadd.s32 $0x88, s3;
	s6 =	simm.s32 @!p1 $0x1082;
	[sflag:s4] =	ssyncset.s32 $0xFFFFF086  }
0x25: {  	[simem:s6], [sflag:s4] =	dma.local [hbm:s3], $0xF7A  }
0x26: {  	[smem:$0x3F9A] =	sst s1;
	(tag) =	ssettag s2;
	_ =	strace s9  }
0x27: {  	s1 =	sld [smem:$0x3FAA]  }
0x28: {  	s2 =	sld [smem:$0x3FAB]  }
0x29: {  	s4 =	sld [smem:$0x3FAD]  }
0x2a: {  	p0 =	seq.s32 s5, $0x0;
	s5 =	sld [smem:$0x3FAE]  }
0x2b: {  	s6 =	sld [smem:$0x3FAF]  }
0x2c: {  	s7 =	sld [smem:$0x3FB0]  }
0x2d: {  	s3 =	simm.s32 $0x108;
	s8 =	sld [smem:$0x3FB1]  }
0x2e: {  	s3 =	simm.s32 @!p0 $0x1082;
	s9 =	sld [smem:$0x3FB2]  }
0x2f: {  	lr =	sadd.s32 s0, s3;
	s0 =	sld [smem:$0x3FA9]  }
0x30: {  	s3 =	sld [smem:$0x3FAC]  }
0x31: {  	[smem:$0x3FB5] =	sst s10  }
0x32: {  	s10 =	sld [smem:$0x3FB3];
	_ =	sdelay $0x3  }
0x33: {  	p0 =	seq.s32 s10, $0x1;
	s10 =	sld [smem:$0x3FB5];
	_ =	sdelay $0x3  }
0x34: {  	[smem:$0x3FB5] =	sst s10  }
0x35: {  	s10 =	sld [smem:$0x3FB4];
	_ =	sdelay $0x3  }
0x36: {  	p1 =	seq.s32 s10, $0x1;
	s10 =	sld [smem:$0x3FB5];
	_ =	sdelay $0x3  }
0x37: {  	[smem:$0x3FB5] =	sst s10  }
0x38: {  	s10 =	sld [smem:$0x3FB6]  }
0x39: {  	_ = 	snop;
	(pc) =	sbr.ind lr, $3  }
0x3a: {  	_ = 	snop  }
0x3b: {  	_ = 	snop  }
0x3c: {  	p2 =	seq.s32 s10, $0x1;
	s10 =	sld [smem:$0x3FB5]  }
0x3d: {  	_ =	shalt  }
0x3e: {  	_ =	shalt  }
0x3f: {  	_ =	shalt  }
0x40: {  	_ =	shalt  }
0x41: {  	_ =	shalt  }
0x42: {  	_ =	shalt  }
0x43: {  	_ =	shalt  }
0x44: {  	_ =	shalt  }
0x45: {  	_ =	shalt  }
0x46: {  	_ =	shalt  }
0x47: {  	_ =	shalt  }
0x48: {  	_ =	shalt  }
0x49: {  	_ =	shalt  }
0x4a: {  	_ =	shalt  }
0x4b: {  	_ =	shalt  }
0x4c: {  	_ =	shalt  }
0x4d: {  	_ =	shalt  }
0x4e: {  	_ =	shalt  }
0x4f: {  	_ =	shalt  }
0x50: {  	_ =	shalt  }
0x51: {  	_ =	shalt  }
0x52: {  	_ =	shalt  }
0x53: {  	_ =	shalt  }
0x54: {  	_ =	shalt  }
0x55: {  	_ =	shalt  }
0x56: {  	_ =	shalt  }
0x57: {  	_ =	shalt  }
0x58: {  	_ =	shalt  }
0x59: {  	_ =	shalt  }
0x5a: {  	_ =	shalt  }
0x5b: {  	_ =	shalt  }
0x5c: {  	_ =	shalt  }
0x5d: {  	_ =	shalt  }
0x5e: {  	_ =	shalt  }
0x5f: {  	_ =	shalt  }
0x60: {  	_ =	shalt  }
0x61: {  	_ =	shalt  }
0x62: {  	_ =	shalt  }
0x63: {  	_ =	shalt  }
0x64: {  	_ =	shalt  }
0x65: {  	_ =	shalt  }
0x66: {  	_ =	shalt  }
0x67: {  	_ =	shalt  }
0x68: {  	_ =	shalt  }
0x69: {  	_ =	shalt  }
0x6a: {  	_ =	shalt  }
0x6b: {  	_ =	shalt  }
0x6c: {  	_ =	shalt  }
0x6d: {  	_ =	shalt  }
0x6e: {  	_ =	shalt  }
0x6f: {  	_ =	shalt  }
0x70: {  	_ =	shalt  }
0x71: {  	_ =	shalt  }
0x72: {  	_ =	shalt  }
0x73: {  	_ =	shalt  }
0x74: {  	_ =	shalt  }
0x75: {  	_ =	shalt  }
0x76: {  	_ =	shalt  }
0x77: {  	_ =	shalt  }
0x78: {  	_ =	shalt  }
0x79: {  	_ =	shalt  }
0x7a: {  	_ =	shalt  }
0x7b: {  	_ =	shalt  }
0x7c: {  	_ =	shalt  }
0x7d: {  	_ =	shalt  }
0x7e: {  	_ =	shalt  }
0x7f: {  	_ =	shalt  }
0x80: {  	_ =	shalt  }
0x81: {  	_ =	shalt  }
0x82: {  	_ =	shalt  }
0x83: {  	_ =	shalt  }
0x84: {  	_ =	shalt  }
0x85: {  	_ =	shalt  }
0x86: {  	_ =	shalt  }
0x87: {  	_ =	shalt  }
.Lfunc_end0:
.L_simem_size_0:
called_computation_lowered:
.L_overlay_start_0:
0x88: {  	s2 =	sld [smem:$0x3FD9]  }
0x89: {  	s3 =	sld [smem:$0x3FFE];
	_ =	sdelay $0x1  }
0x8a: {  	s1 =	srdreg.scid  }
0x8b: {  	s0 =	sand.u32 $0x1, s1  }
0x8c: {  	s17 =	sshll.u32 s0, $0xA;
	s2 =	sadd.s32 s3, s2  }
0x8d: {  	s2 =	sadd.s32 s2, s17  }
0x8e: {  	[smem:$0x3FC1] =	sst s2  }
0x8f: {  	_ = 	snop  }
0x90: {  	s2 =	sld [smem:$0x3FD0];
	(tm) =	ssettm $0x1  }
0x91: {  	s18 =	sld [smem:$0x3FFB];
	_ =	sdelay $0x3  }
0x92: {  	_ =	strace s18  }
0x93: {  	s3 =	sld [smem:$0x3FFC];
	_ =	sdelay $0x3  }
0x94: {  	_ =	strace s3  }
0x95: {  	s3 =	sld [smem:$0x3FFD];
	_ =	sdelay $0x3  }
0x96: {  	_ =	strace s3  }
0x97: {  	_ =	strace $0x8FFFFFFF  }
0x98: {  	s19 =	sld [smem:$0x3FDB];
	_ =	sdelay $0x1  }
0x99: {  	s4 =	simm.s32 $_scs_section_size  }
0x9a: {  	s5 =	simm.s32 $_size__tile_overlayer_lowered;
	s6 =	simm.s32 $_tile_overlayer_lowered  }
0x9b: {  	s22 =	simm.s32 $0x1BFF;
	s21 =	sshll.u32 s6, $0x1;
	s3 =	sadd.s32 s4, s19  }
0x9c: {  	s7 =	simm.s32 $0x0;
	s20 =	sshll.u32 s5, $0x1;
	s5 =	sadd.s32 s21, s3  }
0x9d: {  	[timem:s7], [sflag:s22] =	dma.local [hbm:s5], s20  }
0x9e: {  	_ =	swait.ge [sflag:s22], s20  }
0x9f: {  	s4 =	ssub.s32 $0x0, s20;
	[sflag:s22] =	ssyncset.done $0x0  }
0xa0: {  	[sflag:s22] =	ssyncadd.s32 s4;
	_ =	sdelay $0x1  }
0xa1: {  	s23 =	simm.s32 $0x1B8B  }
0xa2: {  	_ =	swait.ge [sflag:s23], $0x1  }
0xa3: {  	[sflag:s23] =	ssyncset.done $0x0  }
0xa4: {  	s25 =	simm.s32 $0x1B8E;
	s24 =	sld [smem:$0x3FFE];
	[sflag:s23] =	ssyncadd.s32 $0xFFFFFFFF  }
0xa5: {  	s26 =	simm.s32 $execute0_lowered;
	[smem:$0x3FD2] =	sst s25  }
0xa6: {  	s5 =	sshll.u32 s26, $0x1;
	_ =	strace $0x80000046;
	[dreg:$0x1] =	wrdreg $0xFFFFFFFF  }
0xa7: {  	s28 =	simm.s32 $_size_execute0_lowered;
	s3 =	sadd.s32 s3, s5;
	[dreg:$0x0] =	wrdreg $0x0  }
0xa8: {  	s5 =	sshll.u32 s28, $0x1;
	[dreg:$0x2] =	wrdreg s3  }
0xa9: {  	[dreg:$0x3] =	wrdreg s5  }
0xaa: {  	[dreg:$0x4] =	wrdreg $0xC0  }
0xab: {  	_ =	task [dreg:s7], $0x5FFFF  }
0xac: {  	[dreg:$0x1] =	wrdreg $0xFFFFFFFF  }
0xad: {  	[dreg:$0x0] =	wrdreg $0x60  }
0xae: {  	[dreg:$0x2] =	wrdreg s24  }
0xaf: {  	[dreg:$0x3] =	wrdreg s2  }
0xb0: {  	[dreg:$0x4] =	wrdreg $0x43000  }
0xb1: {  	[dreg:$0x5] =	wrdreg $0x9  }
0xb2: {  	_ =	task.clear_ibuf [dreg:s7], $0x6FFFF;
	_ =	strace $0x90000046  }
0xb3: {  	s29 =	simm.s32 $0x9;
	_ =	strace $0x80000048  }
0xb4: {  	_ =	swait.ge [sflag:s29], $0x1  }
0xb5: {  	[sflag:s29] =	ssyncadd.s32 $0xFFFFFFFF  }
0xb6: {  	_ =	strace $0x90000048  }
0xb7: {  	_ =	sfence  }
0xb8: {  	s30 =	sld [smem:$0x0];
	_ =	sdelay $0x2  }
0xb9: {  	s31 =	sshll.u32 s1, $0xD;
	s1 =	sshrl.u32 s1, $0x2  }
0xba: {  	s3 =	sand.u32 $0x4000, s31;
	s1 =	sadd.s32 s1, s30  }
0xbb: {  	s0 =	sor.u32 s3, s0;
	s1 =	sshll.u32 s1, $0x11  }
0xbc: {  	s0 =	sor.u32 s1, s0  }
0xbd: {  	s0 =	sadd.s32 $0x8F2B, s0  }
0xbe: {  	[sflag:s0] =	ssyncadd.remote.s32 $0x1  }
0xbf: {  	_ =	sfence.sel $0xFFFF  }
0xc0: {  	[dreg:$0x0] =	wrdreg $0xFFFFFFFF;
	(pc) =	sbr.abs _section_cstart, $3  }
0xc1: {  	[dreg:$0x1] =	wrdreg $0xFFFFFFFF  }
0xc2: {  	_ =	task.clear_ibuf [dreg:s7], $0x2FFFF;
	_ =	strace $0x9FFFFFFF  }
0xc3: {  	(tm) =	ssettm $0x7FFFFFFF  }
tec
execute0_lowered:
.L_overlay_start_1:
0x0: {  	(tag) =	ssettag $0x1  }
0x1: {  	s4 =	rddreg [dreg:$0x0]  }
0x2: {  	s6 =	rddreg [dreg:$0x1]  }
0x3: {  	s2 =	rddreg [dreg:$0x2]  }
0x4: {  	s0 =	rddreg [dreg:$0x3];
	s3 =	simm.s32 $0x0  }
0x5: {  	s1 =	stileid.u32;
	s5 =	srdreg.scid;
	s12 =	simm.s32 $0x4000  }
0x6: {  	s13 =	simm.s32 $0x80;
	s14 =	simm.s32 $0x100;
	s15 =	simm.s32 $0x0  }
0x7: {  	[smem:$0x7FF] =	sst s3;
	s7 =	sshll.u32 s1, $0xB;
	s8 =	smul.u32 $0x500, s1  }
0x8: {  	s5 =	sand.u32 $0x1, s5;
	s10 =	smul.u32 $0xA00, s1;
	_ =	strace $0x80000047  }
0x9: {  	s4 =	sadd.s32 s7, s4;
	s30 =	ssub.s32 $0x2, s5;
	s11 =	sshll.u32 s5, $0x7  }
0xa: {  	s5 =	sshll.u32 s5, $0xF;
	s9 =	sshrl.u32 s30, $0x1;
	s8 =	sor.u32 s11, s8  }
0xb: {  	s4 =	sadd.s32 s5, s4;
	s31 =	sshrl.u32 s10, $0x2;
	s10 =	simm.s32 $0x1  }
0xc: {  	s11 =	simm.s32 $0x50;
	s7 =	ssub.s32 s30, s9;
	s8 =	sshrl.u32 s8, $0x3  }
0xd: {  	s4 =	sadd.s32 $0x2600, s4;
	s5 =	sadd.s32 s31, s2;
	s9 =	simm.s32 $0x2  }
0xe: {  	v0 =	vimm.f32 $1.000000000e+00;
	v1 =	vimm.f32 $0.0e+00;
	s6 =	sadd.s32 s6, s8;
	s7 =	smax.u32 s7, $0x1;
	s8 =	simm.s32 $0x4080  }
.LBB2_1:
0xf: {  	[tilespmem:s3], [sflag:$0x1] =	stream.linear.gather [hbm4b:s4+s3], $0x3E80, $0x38;
	[tilespmem:$0x4580] =	vst v63  }
0x10: {  	[tilespmem:$0x4000] =	vst v0  }
0x11: {  	[tilespmem:$0x4010] =	vst v0  }
0x12: {  	[tilespmem:$0x4020] =	vst v0  }
0x13: {  	[tilespmem:$0x4030] =	vst v0  }
0x14: {  	[tilespmem:$0x4040] =	vst v0  }
0x15: {  	[tilespmem:$0x4080] =	vst v1  }
0x16: {  	[tilespmem:$0x4090] =	vst v1  }
0x17: {  	[tilespmem:$0x40A0] =	vst v1  }
0x18: {  	[tilespmem:$0x40B0] =	vst v1  }
0x19: {  	[tilespmem:$0x40C0] =	vst v1  }
0x1a: {  	[tilespmem:$0x40D0] =	vst v1  }
0x1b: {  	[tilespmem:$0x40E0] =	vst v1  }
0x1c: {  	[tilespmem:$0x40F0] =	vst v1  }
0x1d: {  	[tilespmem:$0x4100] =	vst v1  }
0x1e: {  	[tilespmem:$0x4110] =	vst v1  }
0x1f: {  	[tilespmem:$0x4120] =	vst v1  }
0x20: {  	[tilespmem:$0x4130] =	vst v1  }
0x21: {  	[tilespmem:$0x4140] =	vst v1  }
0x22: {  	[tilespmem:$0x4150] =	vst v1  }
0x23: {  	[tilespmem:$0x4160] =	vst v1  }
0x24: {  	[tilespmem:$0x4170] =	vst v1  }
0x25: {  	[tilespmem:$0x4180] =	vst v1  }
0x26: {  	[tilespmem:$0x4190] =	vst v1  }
0x27: {  	[tilespmem:$0x41A0] =	vst v1  }
0x28: {  	[tilespmem:$0x41B0] =	vst v1  }
0x29: {  	[tilespmem:$0x41C0] =	vst v1  }
0x2a: {  	[tilespmem:$0x41D0] =	vst v1  }
0x2b: {  	[tilespmem:$0x41E0] =	vst v1  }
0x2c: {  	[tilespmem:$0x41F0] =	vst v1  }
0x2d: {  	[tilespmem:$0x4200] =	vst v1  }
0x2e: {  	[tilespmem:$0x4210] =	vst v1  }
0x2f: {  	[tilespmem:$0x4220] =	vst v1  }
0x30: {  	[tilespmem:$0x4230] =	vst v1  }
0x31: {  	[tilespmem:$0x4240] =	vst v1  }
0x32: {  	[tilespmem:$0x4250] =	vst v1  }
0x33: {  	[tilespmem:$0x4260] =	vst v1  }
0x34: {  	[tilespmem:$0x4270] =	vst v1  }
0x35: {  	[tilespmem:$0x4280] =	vst v1  }
0x36: {  	[tilespmem:$0x4290] =	vst v1  }
0x37: {  	[tilespmem:$0x42A0] =	vst v1  }
0x38: {  	[tilespmem:$0x42B0] =	vst v1  }
0x39: {  	[tilespmem:$0x42C0] =	vst v1  }
0x3a: {  	[tilespmem:$0x42D0] =	vst v1  }
0x3b: {  	[tilespmem:$0x42E0] =	vst v1  }
0x3c: {  	[tilespmem:$0x42F0] =	vst v1  }
0x3d: {  	[spmem:s5] =	stream.linear.scatter [tilespmem:s8], [sflag:$0x2], $0x280, $0x38;
	[tilespmem:$0x4580] =	vst v63  }
0x3e: {  	_ =	swait.ge [sflag:s9], $0x280  }
0x3f: {  	[sflag:s9] =	ssyncset.done $0x0  }
0x40: {  	[sflag:s9] =	ssyncadd.s32 $0xFFFFFD80  }
0x41: {  	_ =	swait.ge [sflag:s10], $0x3E80  }
0x42: {  	[sflag:s10] =	ssyncset.done $0x0  }
0x43: {  	[sflag:s10] =	ssyncadd.s32 $0xFFFFC180  }
0x44: {  	s16 =	simm.s32 $0x0;
	[bflag:$0x0] =	sbarrier.arrive $0xFFFF  }
0x45: {  	[spmem:s2] =	stream.indirect.scatter.add.f32 [tilespmem:s12], [sflag:$0x2], $0x1, s16, s11, $0xb8;
	[tilespmem:$0x4580] =	vst v63  }
0x46: {  	_ =	swait.ge [sflag:s9], $0x50  }
0x47: {  	s16 =	simm.s32 $0x200;
	[sflag:s9] =	ssyncset.done $0x0  }
.LBB2_2:
0x48: {  	s17 =	sshra.s32 s16, $0x2;
	[sflag:s9] =	ssyncadd.s32 $0xFFFFFFB0;
	p0 =	sne.s32 s16, $0xF800  }
0x49: {  	[spmem:s2] =	stream.indirect.scatter.add.f32 [tilespmem:s12], [sflag:$0x2], $0x1, s17, s11, $0xb8;
	[tilespmem:$0x4580] =	vst v63  }
.Ltmp0:
0x4a: {  	_ = 	snop;
	(pc) =	sbr.rel @p0 .LBB2_2-.Ltmp0, $4  }
0x4b: {  	_ = 	snop  }
0x4c: {  	s16 =	sadd.s32 $0x200, s16  }
0x4d: {  	_ =	swait.ge [sflag:s9], $0x50  }
0x4e: {  	[sflag:s9] =	ssyncset.done $0x0  }
0x4f: {  	[sflag:s9] =	ssyncadd.s32 $0xFFFFFFB0  }
0x50: {  	[bflag:$0x0] =	sbarrier.arrive $0xFFFF  }
0x51: {  	[tilespmem:s8], [sflag:$0x2] =	stream.linear.gather [spmem:s5], $0x280, $0x38;
	[tilespmem:$0x4580] =	vst v63  }
0x52: {  	s15 =	sadd.s32 $0x1, s15;
	_ =	swait.ge [sflag:s9], $0x280  }
0x53: {  	p0 =	sne.s32 s15, s7;
	[sflag:s9] =	ssyncset.done $0x0  }
.Ltmp1:
0x54: {  	[sflag:s9] =	ssyncadd.s32 $0xFFFFFD80;
	(pc) =	sbr.rel @p0 .LBB2_1-.Ltmp1, $4  }
0x55: {  	[hbm4b:s6+s13] =	stream.strided.scatter [tilespmem:s8], [sflag:$0x2], $0x280, s14, s13, $0x38;
	[tilespmem:$0x4580] =	vst v63  }
0x56: {  	_ =	swait.ge [sflag:s9], $0x280  }
0x57: {  	[sflag:s9] =	ssyncset.done $0x0  }
0x58: {  	[sflag:s9] =	ssyncadd.s32 $0xFFFFFD80  }
0x59: {  	_ =	sfence.sel $0x180000  }
0x5a: {  	[bflag:$0x0] =	sbarrier.arrive $0xFFFF  }
0x5b: {  	p0 =	sne.s32 s1, $0x0;
	_ =	strace $0x90000047  }
0x5c: {  	s0 =	sadd.s32 @!p0 $0x100000, s0;
	[bflag:$0x2] =	sbarrier.arrive $0xFFFF  }
0x5d: {  	[sflag:s0] =	ssyncadd.tile.s32 @!p0 $0x1;
	_ =	shalt  }
.Lfunc_end2:
_tile_overlayer_lowered:
.L_overlay_start_2:
0x5e: {  	(tag) =	ssettag $0x2  }
0x5f: {  	s0 =	rddreg [dreg:$0x0];
	s2 =	stileid.u32  }
0x60: {  	s1 =	rddreg [dreg:$0x1];
	p0 =	sne.s32 s2, $0x0  }
0x61: {  	s3 =	rddreg [dreg:$0x2];
	[bflag:$0x3] =	sbarrier.arrive $0xFFFF;
	s2 =	simm.s32 @!p0 $0x1C02  }
0x62: {  	[timem:s3], [sflag:s2] =	dma.local @!p0 [hbm:s0], s1  }
0x63: {  	s0 =	simm.s32 @!p0 $0x2  }
0x64: {  	_ =	swait.ge @!p0 [sflag:s0], s1  }
0x65: {  	s1 =	ssub.s32 @!p0 $0x0, s1;
	[sflag:s0] =	ssyncset.done @!p0 $0x0  }
0x66: {  	[sflag:s0] =	ssyncadd.s32 @!p0 s1  }
0x67: {  	[bflag:$0x3] =	sbarrier.arrive $0xFFFF  }
0x68: {  	_ =	shalt  }

</sc_bundles>
